<compile_context>
chip_gen: v7x
topology: tpu7x:2x2x1
jax: 0.10.2.dev20260603
libtpu: 0.0.44.dev20260713+nightly
codegen_flags: <defaults>
</compile_context>

<pallas_src>
import functools

import jax
import jax.numpy as jnp
from jax import lax
from jax.experimental import pallas as pl
from jax.experimental.pallas import tpu as pltpu
from jax.experimental.pallas import tpu_sc as plsc

_IDX_CHUNK = 128
_NBUF = 4
_UNROLL = 8


def _make_lookup(B, S, V, D):
    info = plsc.get_sparse_core_info()
    ncores = info.num_cores
    nw = ncores * info.num_subcores
    lanes = info.num_lanes
    seqs_per_w = B // nw
    n_gather = S // _IDX_CHUNK
    N = B * S

    mesh = plsc.VectorSubcoreMesh(core_axis_name="c", subcore_axis_name="s")

    @functools.partial(
        pl.kernel,
        out_type=jax.ShapeDtypeStruct((N, D), jnp.float32),
        mesh=mesh,
        compiler_params=pltpu.CompilerParams(use_tc_tiling_on_sc=False),
        scratch_types=[
            pltpu.VMEM((seqs_per_w * n_gather, _IDX_CHUNK), jnp.int32),
            [pltpu.VMEM((S, D), jnp.float32)] * _NBUF,
            pltpu.VMEM((S, D), jnp.float32),
            pltpu.VMEM((S, D), jnp.float32),
            [pltpu.SemaphoreType.DMA] * _NBUF,
            pltpu.SemaphoreType.DMA,
        ],
    )
    def lookup(
        x_hbm, tok_hbm, pos_hbm, out_hbm, idx_v, rows_v, pos_v, obuf_v, gsems, wsem
    ):
        cid = lax.axis_index("c")
        sid = lax.axis_index("s")
        wid = sid * ncores + cid
        base_seq = wid * seqs_per_w

        pltpu.sync_copy(
            x_hbm.at[pl.ds(base_seq * n_gather, seqs_per_w * n_gather)], idx_v
        )
        pltpu.sync_copy(pos_hbm, pos_v)

        def fire(tl, b):
            for j in range(n_gather):
                pltpu.async_copy(
                    tok_hbm.at[idx_v.at[tl * n_gather + j]],
                    rows_v[b].at[pl.ds(j * _IDX_CHUNK, _IDX_CHUNK)],
                    gsems[b],
                )

        def drain_g(b):
            pltpu.make_async_copy(
                tok_hbm.at[pl.ds(0, S)], rows_v[b], gsems[b]
            ).wait()

        def drain_w():
            pltpu.make_async_copy(tok_hbm.at[pl.ds(0, S)], obuf_v, wsem).wait()

        def add_pos(b):
            def body(r, c):
                r0 = r * _UNROLL
                for u in range(_UNROLL):
                    for h in range(D // lanes):
                        sl = pl.ds(h * lanes, lanes)
                        obuf_v[r0 + u, sl] = rows_v[b][r0 + u, sl] + pos_v[r0 + u, sl]
                return c

            lax.fori_loop(0, S // _UNROLL, body, 0)

        for b in range(_NBUF):
            fire(b, b)

        def group(i, c):
            for b in range(_NBUF):
                tl = i * _NBUF + b

                drain_g(b)

                @pl.when((i > 0) | (b > 0))
                def _():
                    drain_w()

                add_pos(b)
                pltpu.async_copy(
                    obuf_v, out_hbm.at[pl.ds((base_seq + tl) * S, S)], wsem
                )
                fire(lax.rem(tl + _NBUF, seqs_per_w), b)
            return c

        lax.fori_loop(0, seqs_per_w // _NBUF, group, 0)
        for b in range(_NBUF):
            drain_g(b)
        drain_w()

    return lookup


def kernel(x, token_table, pos_table):
    B, S = x.shape
    V, D = token_table.shape
    xf = x.reshape(B * S // _IDX_CHUNK, _IDX_CHUNK).astype(jnp.int32)
    lookup = _make_lookup(B, S, V, D)
    out = lookup(xf, token_table, pos_table)
    return out.reshape(B, S, D)

# --- scband reference (transcript-rebuilt; emitter-appended) ---
"""Pipeline reference for scband-token-and-position-embedding-53352083750936 (READ-ONLY COPY).

The authoritative reference and input builder live on the scoring server;
editing this copy changes nothing except your own understanding.
"""

import jax, jax.numpy as jnp
import numpy as np

VOCAB = 1000000
EMBED = 32
MAXLEN = 512
BATCH = 1024
SEQ = 512

def setup_inputs(seed: int = 0) -> dict:
    key = jax.random.key(seed)
    k1, k2, k3 = jax.random.split(key, 3)
    x = jax.random.randint(k1, (BATCH, SEQ), 0, VOCAB, dtype=jnp.int64 if jax.config.jax_enable_x64 else jnp.int32)
    token_table = jax.random.normal(k2, (VOCAB, EMBED), dtype=jnp.float32) * 0.02
    pos_table = jax.random.normal(k3, (MAXLEN, EMBED), dtype=jnp.float32) * 0.02
    return {"x": x, "token_table": token_table, "pos_table": pos_table}

def reference(x, token_table, pos_table):
    seqlen = x.shape[-1]
    positions = jnp.arange(0, seqlen, 1)
    pos_emb = jnp.take(pos_table, positions, axis=0)          # [seq, embed]
    tok_emb = jnp.take(token_table, x, axis=0)                # [batch, seq, embed]
    return tok_emb + pos_emb[None, :, :]

if __name__ == "__main__":
    import jax
    _d = setup_inputs()
    print(jax.jit(kernel)(*tuple(_d.values())))

</pallas_src>

<mosaic_0001>
#map = affine_map<(d0, d1) -> (0, 0)>
module attributes {stable_mosaic.version = 14 : i64} {
  func.func @lookup(%arg0: i32, %arg1: i32, %arg2: memref<4096x128xi32, #tpu.memory_space<hbm>>, %arg3: memref<1000000x32xf32, #tpu.memory_space<hbm>>, %arg4: memref<512x32xf32, #tpu.memory_space<hbm>>, %arg5: memref<524288x32xf32, #tpu.memory_space<hbm>>, %arg6: memref<128x128xi32, #tpu.memory_space<vmem>>, %arg7: memref<512x32xf32, #tpu.memory_space<vmem>>, %arg8: memref<512x32xf32, #tpu.memory_space<vmem>>, %arg9: memref<512x32xf32, #tpu.memory_space<vmem>>, %arg10: memref<512x32xf32, #tpu.memory_space<vmem>>, %arg11: memref<512x32xf32, #tpu.memory_space<vmem>>, %arg12: memref<512x32xf32, #tpu.memory_space<vmem>>, %arg13: memref<!tpu.dma_semaphore, #tpu.memory_space<semaphore_mem>>, %arg14: memref<!tpu.dma_semaphore, #tpu.memory_space<semaphore_mem>>, %arg15: memref<!tpu.dma_semaphore, #tpu.memory_space<semaphore_mem>>, %arg16: memref<!tpu.dma_semaphore, #tpu.memory_space<semaphore_mem>>, %arg17: memref<!tpu.dma_semaphore, #tpu.memory_space<semaphore_mem>>) attributes {dimension_semantics = [#tpu.dimension_semantics<core_parallel>, #tpu.dimension_semantics<subcore_parallel>], iteration_bounds = array<i64: 2, 16>, scalar_prefetch = 0 : i64, scratch_operands = 12 : i64, tpu.core_type = #tpu.core_type<sc_vector_subcore>, window_params = [{transform_indices = #map}, {transform_indices = #map}, {transform_indices = #map}, {transform_indices = #map}]} {
    %mul3A = arith.constant 2 : i32
    %mul3A_0 = arith.muli %arg1, %mul3A : i32
    %add3A = arith.addi %mul3A_0, %arg0 : i32
    %mul3A_1 = arith.constant 32 : i32
    %mul3A_2 = arith.muli %add3A, %mul3A_1 : i32
    %mul3A_3 = arith.constant 4 : i32
    %mul3A_4 = arith.muli %mul3A_2, %mul3A_3 : i32
    "tpu.region"() ({
      %run_scoped3A = tpu.sem_alloc : memref<!tpu.dma_semaphore, #tpu.memory_space<semaphore_mem>>
      %dma_start3A_198 = arith.constant 0 : i32
      %dma_start3A_199 = tpu.memref_slice %arg2[%mul3A_4, %dma_start3A_198] : memref<4096x128xi32, #tpu.memory_space<hbm>> -> memref<128x128xi32, #tpu.memory_space<hbm>>
      %dma_start3A_200 = arith.constant 0 : i32
      %dma_start3A_201 = tpu.memref_slice %arg2[%mul3A_4, %dma_start3A_200] : memref<4096x128xi32, #tpu.memory_space<hbm>> -> memref<128x128xi32, #tpu.memory_space<hbm>>
      tpu.enqueue_dma source(%dma_start3A_201 : memref<128x128xi32, #tpu.memory_space<hbm>>) target(%arg6 : memref<128x128xi32, #tpu.memory_space<vmem>>) target_semaphore(%run_scoped3A : memref<!tpu.dma_semaphore, #tpu.memory_space<semaphore_mem>>)
      %dma_wait3A_202 = arith.constant 0 : i32
      %dma_wait3A_203 = tpu.memref_slice %arg2[%mul3A_4, %dma_wait3A_202] : memref<4096x128xi32, #tpu.memory_space<hbm>> -> memref<128x128xi32, #tpu.memory_space<hbm>>
      %dma_wait3A_204 = arith.constant 0 : i32
      %dma_wait3A_205 = tpu.memref_slice %arg2[%mul3A_4, %dma_wait3A_204] : memref<4096x128xi32, #tpu.memory_space<hbm>> -> memref<128x128xi32, #tpu.memory_space<hbm>>
      tpu.wait_dma2 semaphore(%run_scoped3A : memref<!tpu.dma_semaphore, #tpu.memory_space<semaphore_mem>>) src(%dma_wait3A_205 : memref<128x128xi32, #tpu.memory_space<hbm>>) dst(%arg6 : memref<128x128xi32, #tpu.memory_space<vmem>>)
      tpu.yield
    }) : () -> ()
    "tpu.region"() ({
      %run_scoped3A = tpu.sem_alloc : memref<!tpu.dma_semaphore, #tpu.memory_space<semaphore_mem>>
      tpu.enqueue_dma source(%arg4 : memref<512x32xf32, #tpu.memory_space<hbm>>) target(%arg11 : memref<512x32xf32, #tpu.memory_space<vmem>>) target_semaphore(%run_scoped3A : memref<!tpu.dma_semaphore, #tpu.memory_space<semaphore_mem>>)
      tpu.wait_dma2 semaphore(%run_scoped3A : memref<!tpu.dma_semaphore, #tpu.memory_space<semaphore_mem>>) src(%arg4 : memref<512x32xf32, #tpu.memory_space<hbm>>) dst(%arg11 : memref<512x32xf32, #tpu.memory_space<vmem>>)
      tpu.yield
    }) : () -> ()
    %dma_start3A = arith.constant 0 : i32
    %dma_start3A_5 = arith.constant 0 : i32
    %dma_start3A_6 = arith.constant 0 : i32
    %dma_start3A_7 = tpu.memref_slice %arg7[%dma_start3A_5, %dma_start3A_6] : memref<512x32xf32, #tpu.memory_space<vmem>> -> memref<128x32xf32, #tpu.memory_space<vmem>>
    %dma_start3A_8 = arith.constant 0 : i32
    %dma_start3A_9 = tpu.memref_slice %arg6[%dma_start3A, %dma_start3A_8] : memref<128x128xi32, #tpu.memory_space<vmem>> -> memref<1x128xi32, #tpu.memory_space<vmem>>
    %dma_start3A_10 = tpu.memref_squeeze %dma_start3A_9 : memref<1x128xi32, #tpu.memory_space<vmem>> -> memref<128xi32, #tpu.memory_space<vmem>>
    %dma_start3A_11 = arith.constant 0 : i32
    %dma_start3A_12 = arith.constant 0 : i32
    %dma_start3A_13 = tpu.memref_slice %arg3[%dma_start3A_11, %dma_start3A_12] : memref<1000000x32xf32, #tpu.memory_space<hbm>> -> memref<1000000x32xf32, #tpu.memory_space<hbm>>
    tpu.enqueue_indirect_dma source(%dma_start3A_13 : memref<1000000x32xf32, #tpu.memory_space<hbm>>) target(%dma_start3A_7 : memref<128x32xf32, #tpu.memory_space<vmem>>) offsets(%dma_start3A_10 : memref<128xi32, #tpu.memory_space<vmem>>) semaphore(%arg13 : memref<!tpu.dma_semaphore, #tpu.memory_space<semaphore_mem>>)
    %dma_start3A_14 = arith.constant 1 : i32
    %dma_start3A_15 = arith.constant 128 : i32
    %dma_start3A_16 = arith.constant 0 : i32
    %dma_start3A_17 = tpu.memref_slice %arg7[%dma_start3A_15, %dma_start3A_16] : memref<512x32xf32, #tpu.memory_space<vmem>> -> memref<128x32xf32, #tpu.memory_space<vmem>>
    %dma_start3A_18 = arith.constant 0 : i32
    %dma_start3A_19 = tpu.memref_slice %arg6[%dma_start3A_14, %dma_start3A_18] : memref<128x128xi32, #tpu.memory_space<vmem>> -> memref<1x128xi32, #tpu.memory_space<vmem>>
    %dma_start3A_20 = tpu.memref_squeeze %dma_start3A_19 : memref<1x128xi32, #tpu.memory_space<vmem>> -> memref<128xi32, #tpu.memory_space<vmem>>
    %dma_start3A_21 = arith.constant 0 : i32
    %dma_start3A_22 = arith.constant 0 : i32
    %dma_start3A_23 = tpu.memref_slice %arg3[%dma_start3A_21, %dma_start3A_22] : memref<1000000x32xf32, #tpu.memory_space<hbm>> -> memref<1000000x32xf32, #tpu.memory_space<hbm>>
    tpu.enqueue_indirect_dma source(%dma_start3A_23 : memref<1000000x32xf32, #tpu.memory_space<hbm>>) target(%dma_start3A_17 : memref<128x32xf32, #tpu.memory_space<vmem>>) offsets(%dma_start3A_20 : memref<128xi32, #tpu.memory_space<vmem>>) semaphore(%arg13 : memref<!tpu.dma_semaphore, #tpu.memory_space<semaphore_mem>>)
    %dma_start3A_24 = arith.constant 2 : i32
    %dma_start3A_25 = arith.constant 256 : i32
    %dma_start3A_26 = arith.constant 0 : i32
    %dma_start3A_27 = tpu.memref_slice %arg7[%dma_start3A_25, %dma_start3A_26] : memref<512x32xf32, #tpu.memory_space<vmem>> -> memref<128x32xf32, #tpu.memory_space<vmem>>
    %dma_start3A_28 = arith.constant 0 : i32
    %dma_start3A_29 = tpu.memref_slice %arg6[%dma_start3A_24, %dma_start3A_28] : memref<128x128xi32, #tpu.memory_space<vmem>> -> memref<1x128xi32, #tpu.memory_space<vmem>>
    %dma_start3A_30 = tpu.memref_squeeze %dma_start3A_29 : memref<1x128xi32, #tpu.memory_space<vmem>> -> memref<128xi32, #tpu.memory_space<vmem>>
    %dma_start3A_31 = arith.constant 0 : i32
    %dma_start3A_32 = arith.constant 0 : i32
    %dma_start3A_33 = tpu.memref_slice %arg3[%dma_start3A_31, %dma_start3A_32] : memref<1000000x32xf32, #tpu.memory_space<hbm>> -> memref<1000000x32xf32, #tpu.memory_space<hbm>>
    tpu.enqueue_indirect_dma source(%dma_start3A_33 : memref<1000000x32xf32, #tpu.memory_space<hbm>>) target(%dma_start3A_27 : memref<128x32xf32, #tpu.memory_space<vmem>>) offsets(%dma_start3A_30 : memref<128xi32, #tpu.memory_space<vmem>>) semaphore(%arg13 : memref<!tpu.dma_semaphore, #tpu.memory_space<semaphore_mem>>)
    %dma_start3A_34 = arith.constant 3 : i32
    %dma_start3A_35 = arith.constant 384 : i32
    %dma_start3A_36 = arith.constant 0 : i32
    %dma_start3A_37 = tpu.memref_slice %arg7[%dma_start3A_35, %dma_start3A_36] : memref<512x32xf32, #tpu.memory_space<vmem>> -> memref<128x32xf32, #tpu.memory_space<vmem>>
    %dma_start3A_38 = arith.constant 0 : i32
    %dma_start3A_39 = tpu.memref_slice %arg6[%dma_start3A_34, %dma_start3A_38] : memref<128x128xi32, #tpu.memory_space<vmem>> -> memref<1x128xi32, #tpu.memory_space<vmem>>
    %dma_start3A_40 = tpu.memref_squeeze %dma_start3A_39 : memref<1x128xi32, #tpu.memory_space<vmem>> -> memref<128xi32, #tpu.memory_space<vmem>>
    %dma_start3A_41 = arith.constant 0 : i32
    %dma_start3A_42 = arith.constant 0 : i32
    %dma_start3A_43 = tpu.memref_slice %arg3[%dma_start3A_41, %dma_start3A_42] : memref<1000000x32xf32, #tpu.memory_space<hbm>> -> memref<1000000x32xf32, #tpu.memory_space<hbm>>
    tpu.enqueue_indirect_dma source(%dma_start3A_43 : memref<1000000x32xf32, #tpu.memory_space<hbm>>) target(%dma_start3A_37 : memref<128x32xf32, #tpu.memory_space<vmem>>) offsets(%dma_start3A_40 : memref<128xi32, #tpu.memory_space<vmem>>) semaphore(%arg13 : memref<!tpu.dma_semaphore, #tpu.memory_space<semaphore_mem>>)
    %dma_start3A_44 = arith.constant 4 : i32
    %dma_start3A_45 = arith.constant 0 : i32
    %dma_start3A_46 = arith.constant 0 : i32
    %dma_start3A_47 = tpu.memref_slice %arg8[%dma_start3A_45, %dma_start3A_46] : memref<512x32xf32, #tpu.memory_space<vmem>> -> memref<128x32xf32, #tpu.memory_space<vmem>>
    %dma_start3A_48 = arith.constant 0 : i32
    %dma_start3A_49 = tpu.memref_slice %arg6[%dma_start3A_44, %dma_start3A_48] : memref<128x128xi32, #tpu.memory_space<vmem>> -> memref<1x128xi32, #tpu.memory_space<vmem>>
    %dma_start3A_50 = tpu.memref_squeeze %dma_start3A_49 : memref<1x128xi32, #tpu.memory_space<vmem>> -> memref<128xi32, #tpu.memory_space<vmem>>
    %dma_start3A_51 = arith.constant 0 : i32
    %dma_start3A_52 = arith.constant 0 : i32
    %dma_start3A_53 = tpu.memref_slice %arg3[%dma_start3A_51, %dma_start3A_52] : memref<1000000x32xf32, #tpu.memory_space<hbm>> -> memref<1000000x32xf32, #tpu.memory_space<hbm>>
    tpu.enqueue_indirect_dma source(%dma_start3A_53 : memref<1000000x32xf32, #tpu.memory_space<hbm>>) target(%dma_start3A_47 : memref<128x32xf32, #tpu.memory_space<vmem>>) offsets(%dma_start3A_50 : memref<128xi32, #tpu.memory_space<vmem>>) semaphore(%arg14 : memref<!tpu.dma_semaphore, #tpu.memory_space<semaphore_mem>>)
    %dma_start3A_54 = arith.constant 5 : i32
    %dma_start3A_55 = arith.constant 128 : i32
    %dma_start3A_56 = arith.constant 0 : i32
    %dma_start3A_57 = tpu.memref_slice %arg8[%dma_start3A_55, %dma_start3A_56] : memref<512x32xf32, #tpu.memory_space<vmem>> -> memref<128x32xf32, #tpu.memory_space<vmem>>
    %dma_start3A_58 = arith.constant 0 : i32
    %dma_start3A_59 = tpu.memref_slice %arg6[%dma_start3A_54, %dma_start3A_58] : memref<128x128xi32, #tpu.memory_space<vmem>> -> memref<1x128xi32, #tpu.memory_space<vmem>>
    %dma_start3A_60 = tpu.memref_squeeze %dma_start3A_59 : memref<1x128xi32, #tpu.memory_space<vmem>> -> memref<128xi32, #tpu.memory_space<vmem>>
    %dma_start3A_61 = arith.constant 0 : i32
    %dma_start3A_62 = arith.constant 0 : i32
    %dma_start3A_63 = tpu.memref_slice %arg3[%dma_start3A_61, %dma_start3A_62] : memref<1000000x32xf32, #tpu.memory_space<hbm>> -> memref<1000000x32xf32, #tpu.memory_space<hbm>>
    tpu.enqueue_indirect_dma source(%dma_start3A_63 : memref<1000000x32xf32, #tpu.memory_space<hbm>>) target(%dma_start3A_57 : memref<128x32xf32, #tpu.memory_space<vmem>>) offsets(%dma_start3A_60 : memref<128xi32, #tpu.memory_space<vmem>>) semaphore(%arg14 : memref<!tpu.dma_semaphore, #tpu.memory_space<semaphore_mem>>)
    %dma_start3A_64 = arith.constant 6 : i32
    %dma_start3A_65 = arith.constant 256 : i32
    %dma_start3A_66 = arith.constant 0 : i32
    %dma_start3A_67 = tpu.memref_slice %arg8[%dma_start3A_65, %dma_start3A_66] : memref<512x32xf32, #tpu.memory_space<vmem>> -> memref<128x32xf32, #tpu.memory_space<vmem>>
    %dma_start3A_68 = arith.constant 0 : i32
    %dma_start3A_69 = tpu.memref_slice %arg6[%dma_start3A_64, %dma_start3A_68] : memref<128x128xi32, #tpu.memory_space<vmem>> -> memref<1x128xi32, #tpu.memory_space<vmem>>
    %dma_start3A_70 = tpu.memref_squeeze %dma_start3A_69 : memref<1x128xi32, #tpu.memory_space<vmem>> -> memref<128xi32, #tpu.memory_space<vmem>>
    %dma_start3A_71 = arith.constant 0 : i32
    %dma_start3A_72 = arith.constant 0 : i32
    %dma_start3A_73 = tpu.memref_slice %arg3[%dma_start3A_71, %dma_start3A_72] : memref<1000000x32xf32, #tpu.memory_space<hbm>> -> memref<1000000x32xf32, #tpu.memory_space<hbm>>
    tpu.enqueue_indirect_dma source(%dma_start3A_73 : memref<1000000x32xf32, #tpu.memory_space<hbm>>) target(%dma_start3A_67 : memref<128x32xf32, #tpu.memory_space<vmem>>) offsets(%dma_start3A_70 : memref<128xi32, #tpu.memory_space<vmem>>) semaphore(%arg14 : memref<!tpu.dma_semaphore, #tpu.memory_space<semaphore_mem>>)
    %dma_start3A_74 = arith.constant 7 : i32
    %dma_start3A_75 = arith.constant 384 : i32
    %dma_start3A_76 = arith.constant 0 : i32
    %dma_start3A_77 = tpu.memref_slice %arg8[%dma_start3A_75, %dma_start3A_76] : memref<512x32xf32, #tpu.memory_space<vmem>> -> memref<128x32xf32, #tpu.memory_space<vmem>>
    %dma_start3A_78 = arith.constant 0 : i32
    %dma_start3A_79 = tpu.memref_slice %arg6[%dma_start3A_74, %dma_start3A_78] : memref<128x128xi32, #tpu.memory_space<vmem>> -> memref<1x128xi32, #tpu.memory_space<vmem>>
    %dma_start3A_80 = tpu.memref_squeeze %dma_start3A_79 : memref<1x128xi32, #tpu.memory_space<vmem>> -> memref<128xi32, #tpu.memory_space<vmem>>
    %dma_start3A_81 = arith.constant 0 : i32
    %dma_start3A_82 = arith.constant 0 : i32
    %dma_start3A_83 = tpu.memref_slice %arg3[%dma_start3A_81, %dma_start3A_82] : memref<1000000x32xf32, #tpu.memory_space<hbm>> -> memref<1000000x32xf32, #tpu.memory_space<hbm>>
    tpu.enqueue_indirect_dma source(%dma_start3A_83 : memref<1000000x32xf32, #tpu.memory_space<hbm>>) target(%dma_start3A_77 : memref<128x32xf32, #tpu.memory_space<vmem>>) offsets(%dma_start3A_80 : memref<128xi32, #tpu.memory_space<vmem>>) semaphore(%arg14 : memref<!tpu.dma_semaphore, #tpu.memory_space<semaphore_mem>>)
    %dma_start3A_84 = arith.constant 8 : i32
    %dma_start3A_85 = arith.constant 0 : i32
    %dma_start3A_86 = arith.constant 0 : i32
    %dma_start3A_87 = tpu.memref_slice %arg9[%dma_start3A_85, %dma_start3A_86] : memref<512x32xf32, #tpu.memory_space<vmem>> -> memref<128x32xf32, #tpu.memory_space<vmem>>
    %dma_start3A_88 = arith.constant 0 : i32
    %dma_start3A_89 = tpu.memref_slice %arg6[%dma_start3A_84, %dma_start3A_88] : memref<128x128xi32, #tpu.memory_space<vmem>> -> memref<1x128xi32, #tpu.memory_space<vmem>>
    %dma_start3A_90 = tpu.memref_squeeze %dma_start3A_89 : memref<1x128xi32, #tpu.memory_space<vmem>> -> memref<128xi32, #tpu.memory_space<vmem>>
    %dma_start3A_91 = arith.constant 0 : i32
    %dma_start3A_92 = arith.constant 0 : i32
    %dma_start3A_93 = tpu.memref_slice %arg3[%dma_start3A_91, %dma_start3A_92] : memref<1000000x32xf32, #tpu.memory_space<hbm>> -> memref<1000000x32xf32, #tpu.memory_space<hbm>>
    tpu.enqueue_indirect_dma source(%dma_start3A_93 : memref<1000000x32xf32, #tpu.memory_space<hbm>>) target(%dma_start3A_87 : memref<128x32xf32, #tpu.memory_space<vmem>>) offsets(%dma_start3A_90 : memref<128xi32, #tpu.memory_space<vmem>>) semaphore(%arg15 : memref<!tpu.dma_semaphore, #tpu.memory_space<semaphore_mem>>)
    %dma_start3A_94 = arith.constant 9 : i32
    %dma_start3A_95 = arith.constant 128 : i32
    %dma_start3A_96 = arith.constant 0 : i32
    %dma_start3A_97 = tpu.memref_slice %arg9[%dma_start3A_95, %dma_start3A_96] : memref<512x32xf32, #tpu.memory_space<vmem>> -> memref<128x32xf32, #tpu.memory_space<vmem>>
    %dma_start3A_98 = arith.constant 0 : i32
    %dma_start3A_99 = tpu.memref_slice %arg6[%dma_start3A_94, %dma_start3A_98] : memref<128x128xi32, #tpu.memory_space<vmem>> -> memref<1x128xi32, #tpu.memory_space<vmem>>
    %dma_start3A_100 = tpu.memref_squeeze %dma_start3A_99 : memref<1x128xi32, #tpu.memory_space<vmem>> -> memref<128xi32, #tpu.memory_space<vmem>>
    %dma_start3A_101 = arith.constant 0 : i32
    %dma_start3A_102 = arith.constant 0 : i32
    %dma_start3A_103 = tpu.memref_slice %arg3[%dma_start3A_101, %dma_start3A_102] : memref<1000000x32xf32, #tpu.memory_space<hbm>> -> memref<1000000x32xf32, #tpu.memory_space<hbm>>
    tpu.enqueue_indirect_dma source(%dma_start3A_103 : memref<1000000x32xf32, #tpu.memory_space<hbm>>) target(%dma_start3A_97 : memref<128x32xf32, #tpu.memory_space<vmem>>) offsets(%dma_start3A_100 : memref<128xi32, #tpu.memory_space<vmem>>) semaphore(%arg15 : memref<!tpu.dma_semaphore, #tpu.memory_space<semaphore_mem>>)
    %dma_start3A_104 = arith.constant 10 : i32
    %dma_start3A_105 = arith.constant 256 : i32
    %dma_start3A_106 = arith.constant 0 : i32
    %dma_start3A_107 = tpu.memref_slice %arg9[%dma_start3A_105, %dma_start3A_106] : memref<512x32xf32, #tpu.memory_space<vmem>> -> memref<128x32xf32, #tpu.memory_space<vmem>>
    %dma_start3A_108 = arith.constant 0 : i32
    %dma_start3A_109 = tpu.memref_slice %arg6[%dma_start3A_104, %dma_start3A_108] : memref<128x128xi32, #tpu.memory_space<vmem>> -> memref<1x128xi32, #tpu.memory_space<vmem>>
    %dma_start3A_110 = tpu.memref_squeeze %dma_start3A_109 : memref<1x128xi32, #tpu.memory_space<vmem>> -> memref<128xi32, #tpu.memory_space<vmem>>
    %dma_start3A_111 = arith.constant 0 : i32
    %dma_start3A_112 = arith.constant 0 : i32
    %dma_start3A_113 = tpu.memref_slice %arg3[%dma_start3A_111, %dma_start3A_112] : memref<1000000x32xf32, #tpu.memory_space<hbm>> -> memref<1000000x32xf32, #tpu.memory_space<hbm>>
    tpu.enqueue_indirect_dma source(%dma_start3A_113 : memref<1000000x32xf32, #tpu.memory_space<hbm>>) target(%dma_start3A_107 : memref<128x32xf32, #tpu.memory_space<vmem>>) offsets(%dma_start3A_110 : memref<128xi32, #tpu.memory_space<vmem>>) semaphore(%arg15 : memref<!tpu.dma_semaphore, #tpu.memory_space<semaphore_mem>>)
    %dma_start3A_114 = arith.constant 11 : i32
    %dma_start3A_115 = arith.constant 384 : i32
    %dma_start3A_116 = arith.constant 0 : i32
    %dma_start3A_117 = tpu.memref_slice %arg9[%dma_start3A_115, %dma_start3A_116] : memref<512x32xf32, #tpu.memory_space<vmem>> -> memref<128x32xf32, #tpu.memory_space<vmem>>
    %dma_start3A_118 = arith.constant 0 : i32
    %dma_start3A_119 = tpu.memref_slice %arg6[%dma_start3A_114, %dma_start3A_118] : memref<128x128xi32, #tpu.memory_space<vmem>> -> memref<1x128xi32, #tpu.memory_space<vmem>>
    %dma_start3A_120 = tpu.memref_squeeze %dma_start3A_119 : memref<1x128xi32, #tpu.memory_space<vmem>> -> memref<128xi32, #tpu.memory_space<vmem>>
    %dma_start3A_121 = arith.constant 0 : i32
    %dma_start3A_122 = arith.constant 0 : i32
    %dma_start3A_123 = tpu.memref_slice %arg3[%dma_start3A_121, %dma_start3A_122] : memref<1000000x32xf32, #tpu.memory_space<hbm>> -> memref<1000000x32xf32, #tpu.memory_space<hbm>>
    tpu.enqueue_indirect_dma source(%dma_start3A_123 : memref<1000000x32xf32, #tpu.memory_space<hbm>>) target(%dma_start3A_117 : memref<128x32xf32, #tpu.memory_space<vmem>>) offsets(%dma_start3A_120 : memref<128xi32, #tpu.memory_space<vmem>>) semaphore(%arg15 : memref<!tpu.dma_semaphore, #tpu.memory_space<semaphore_mem>>)
    %dma_start3A_124 = arith.constant 12 : i32
    %dma_start3A_125 = arith.constant 0 : i32
    %dma_start3A_126 = arith.constant 0 : i32
    %dma_start3A_127 = tpu.memref_slice %arg10[%dma_start3A_125, %dma_start3A_126] : memref<512x32xf32, #tpu.memory_space<vmem>> -> memref<128x32xf32, #tpu.memory_space<vmem>>
    %dma_start3A_128 = arith.constant 0 : i32
    %dma_start3A_129 = tpu.memref_slice %arg6[%dma_start3A_124, %dma_start3A_128] : memref<128x128xi32, #tpu.memory_space<vmem>> -> memref<1x128xi32, #tpu.memory_space<vmem>>
    %dma_start3A_130 = tpu.memref_squeeze %dma_start3A_129 : memref<1x128xi32, #tpu.memory_space<vmem>> -> memref<128xi32, #tpu.memory_space<vmem>>
    %dma_start3A_131 = arith.constant 0 : i32
    %dma_start3A_132 = arith.constant 0 : i32
    %dma_start3A_133 = tpu.memref_slice %arg3[%dma_start3A_131, %dma_start3A_132] : memref<1000000x32xf32, #tpu.memory_space<hbm>> -> memref<1000000x32xf32, #tpu.memory_space<hbm>>
    tpu.enqueue_indirect_dma source(%dma_start3A_133 : memref<1000000x32xf32, #tpu.memory_space<hbm>>) target(%dma_start3A_127 : memref<128x32xf32, #tpu.memory_space<vmem>>) offsets(%dma_start3A_130 : memref<128xi32, #tpu.memory_space<vmem>>) semaphore(%arg16 : memref<!tpu.dma_semaphore, #tpu.memory_space<semaphore_mem>>)
    %dma_start3A_134 = arith.constant 13 : i32
    %dma_start3A_135 = arith.constant 128 : i32
    %dma_start3A_136 = arith.constant 0 : i32
    %dma_start3A_137 = tpu.memref_slice %arg10[%dma_start3A_135, %dma_start3A_136] : memref<512x32xf32, #tpu.memory_space<vmem>> -> memref<128x32xf32, #tpu.memory_space<vmem>>
    %dma_start3A_138 = arith.constant 0 : i32
    %dma_start3A_139 = tpu.memref_slice %arg6[%dma_start3A_134, %dma_start3A_138] : memref<128x128xi32, #tpu.memory_space<vmem>> -> memref<1x128xi32, #tpu.memory_space<vmem>>
    %dma_start3A_140 = tpu.memref_squeeze %dma_start3A_139 : memref<1x128xi32, #tpu.memory_space<vmem>> -> memref<128xi32, #tpu.memory_space<vmem>>
    %dma_start3A_141 = arith.constant 0 : i32
    %dma_start3A_142 = arith.constant 0 : i32
    %dma_start3A_143 = tpu.memref_slice %arg3[%dma_start3A_141, %dma_start3A_142] : memref<1000000x32xf32, #tpu.memory_space<hbm>> -> memref<1000000x32xf32, #tpu.memory_space<hbm>>
    tpu.enqueue_indirect_dma source(%dma_start3A_143 : memref<1000000x32xf32, #tpu.memory_space<hbm>>) target(%dma_start3A_137 : memref<128x32xf32, #tpu.memory_space<vmem>>) offsets(%dma_start3A_140 : memref<128xi32, #tpu.memory_space<vmem>>) semaphore(%arg16 : memref<!tpu.dma_semaphore, #tpu.memory_space<semaphore_mem>>)
    %dma_start3A_144 = arith.constant 14 : i32
    %dma_start3A_145 = arith.constant 256 : i32
    %dma_start3A_146 = arith.constant 0 : i32
    %dma_start3A_147 = tpu.memref_slice %arg10[%dma_start3A_145, %dma_start3A_146] : memref<512x32xf32, #tpu.memory_space<vmem>> -> memref<128x32xf32, #tpu.memory_space<vmem>>
    %dma_start3A_148 = arith.constant 0 : i32
    %dma_start3A_149 = tpu.memref_slice %arg6[%dma_start3A_144, %dma_start3A_148] : memref<128x128xi32, #tpu.memory_space<vmem>> -> memref<1x128xi32, #tpu.memory_space<vmem>>
    %dma_start3A_150 = tpu.memref_squeeze %dma_start3A_149 : memref<1x128xi32, #tpu.memory_space<vmem>> -> memref<128xi32, #tpu.memory_space<vmem>>
    %dma_start3A_151 = arith.constant 0 : i32
    %dma_start3A_152 = arith.constant 0 : i32
    %dma_start3A_153 = tpu.memref_slice %arg3[%dma_start3A_151, %dma_start3A_152] : memref<1000000x32xf32, #tpu.memory_space<hbm>> -> memref<1000000x32xf32, #tpu.memory_space<hbm>>
    tpu.enqueue_indirect_dma source(%dma_start3A_153 : memref<1000000x32xf32, #tpu.memory_space<hbm>>) target(%dma_start3A_147 : memref<128x32xf32, #tpu.memory_space<vmem>>) offsets(%dma_start3A_150 : memref<128xi32, #tpu.memory_space<vmem>>) semaphore(%arg16 : memref<!tpu.dma_semaphore, #tpu.memory_space<semaphore_mem>>)
    %dma_start3A_154 = arith.constant 15 : i32
    %dma_start3A_155 = arith.constant 384 : i32
    %dma_start3A_156 = arith.constant 0 : i32
    %dma_start3A_157 = tpu.memref_slice %arg10[%dma_start3A_155, %dma_start3A_156] : memref<512x32xf32, #tpu.memory_space<vmem>> -> memref<128x32xf32, #tpu.memory_space<vmem>>
    %dma_start3A_158 = arith.constant 0 : i32
    %dma_start3A_159 = tpu.memref_slice %arg6[%dma_start3A_154, %dma_start3A_158] : memref<128x128xi32, #tpu.memory_space<vmem>> -> memref<1x128xi32, #tpu.memory_space<vmem>>
    %dma_start3A_160 = tpu.memref_squeeze %dma_start3A_159 : memref<1x128xi32, #tpu.memory_space<vmem>> -> memref<128xi32, #tpu.memory_space<vmem>>
    %dma_start3A_161 = arith.constant 0 : i32
    %dma_start3A_162 = arith.constant 0 : i32
    %dma_start3A_163 = tpu.memref_slice %arg3[%dma_start3A_161, %dma_start3A_162] : memref<1000000x32xf32, #tpu.memory_space<hbm>> -> memref<1000000x32xf32, #tpu.memory_space<hbm>>
    tpu.enqueue_indirect_dma source(%dma_start3A_163 : memref<1000000x32xf32, #tpu.memory_space<hbm>>) target(%dma_start3A_157 : memref<128x32xf32, #tpu.memory_space<vmem>>) offsets(%dma_start3A_160 : memref<128xi32, #tpu.memory_space<vmem>>) semaphore(%arg16 : memref<!tpu.dma_semaphore, #tpu.memory_space<semaphore_mem>>)
    %scan3A = arith.constant 0 : i32
    %scan3A_164 = arith.constant 0 : i32
    %scan3A_165 = arith.constant 8 : i32
    %scan3A_166 = arith.addi %scan3A_164, %scan3A_165 : i32
    %scan3A_167 = arith.constant 1 : i32
    scf.for %scan3A_198 = %scan3A_164 to %scan3A_166 step %scan3A_167  : i32 {
      %mul3A_199 = arith.constant 4 : i32
      %mul3A_200 = arith.muli %scan3A_198, %mul3A_199 : i32
      %add3A_201 = arith.constant 0 : i32
      %add3A_202 = arith.addi %mul3A_200, %add3A_201 : i32
      %dma_wait3A_203 = arith.constant 0 : i32
      %dma_wait3A_204 = arith.constant 0 : i32
      %dma_wait3A_205 = tpu.memref_slice %arg3[%dma_wait3A_203, %dma_wait3A_204] : memref<1000000x32xf32, #tpu.memory_space<hbm>> -> memref<512x32xf32, #tpu.memory_space<hbm>>
      %dma_wait3A_206 = arith.constant 0 : i32
      %dma_wait3A_207 = arith.constant 0 : i32
      %dma_wait3A_208 = tpu.memref_slice %arg3[%dma_wait3A_206, %dma_wait3A_207] : memref<1000000x32xf32, #tpu.memory_space<hbm>> -> memref<512x32xf32, #tpu.memory_space<hbm>>
      tpu.wait_dma2 semaphore(%arg13 : memref<!tpu.dma_semaphore, #tpu.memory_space<semaphore_mem>>) src(%dma_wait3A_208 : memref<512x32xf32, #tpu.memory_space<hbm>>) dst(%arg7 : memref<512x32xf32, #tpu.memory_space<vmem>>)
      %gt3A = arith.constant 0 : i32
      %gt3A_209 = arith.cmpi sgt, %scan3A_198, %gt3A : i32
      %or3A = arith.constant false
      %or3A_210 = arith.ori %gt3A_209, %or3A : i1
      %convert_element_type3A = arith.extui %or3A_210 : i1 to i32
      %cond3A = arith.constant 0 : i32
      %cond3A_211 = arith.cmpi ne, %convert_element_type3A, %cond3A : i32
      scf.if %cond3A_211 {
        %dma_wait3A_538 = arith.constant 0 : i32
        %dma_wait3A_539 = arith.constant 0 : i32
        %dma_wait3A_540 = tpu.memref_slice %arg3[%dma_wait3A_538, %dma_wait3A_539] : memref<1000000x32xf32, #tpu.memory_space<hbm>> -> memref<512x32xf32, #tpu.memory_space<hbm>>
        %dma_wait3A_541 = arith.constant 0 : i32
        %dma_wait3A_542 = arith.constant 0 : i32
        %dma_wait3A_543 = tpu.memref_slice %arg3[%dma_wait3A_541, %dma_wait3A_542] : memref<1000000x32xf32, #tpu.memory_space<hbm>> -> memref<512x32xf32, #tpu.memory_space<hbm>>
        tpu.wait_dma2 semaphore(%arg17 : memref<!tpu.dma_semaphore, #tpu.memory_space<semaphore_mem>>) src(%dma_wait3A_543 : memref<512x32xf32, #tpu.memory_space<hbm>>) dst(%arg12 : memref<512x32xf32, #tpu.memory_space<vmem>>)
      } else {
      }
      %scan3A_212 = arith.constant 0 : i32
      %scan3A_213 = arith.constant 0 : i32
      %scan3A_214 = arith.constant 64 : i32
      %scan3A_215 = arith.addi %scan3A_213, %scan3A_214 : i32
      %scan3A_216 = arith.constant 1 : i32
      scf.for %scan3A_538 = %scan3A_213 to %scan3A_215 step %scan3A_216  : i32 {
        %mul3A_539 = arith.constant 8 : i32
        %mul3A_540 = arith.muli %scan3A_538, %mul3A_539 : i32
        %add3A_541 = arith.constant 0 : i32
        %add3A_542 = arith.addi %mul3A_540, %add3A_541 : i32
        %get3A = arith.index_cast %add3A_542 : i32 to index
        %get3A_543 = arith.constant 0 : index
        %get3A_544 = tpu.vector_load %arg7[%get3A, %get3A_543] {strides = array<i32>} : memref<512x32xf32, #tpu.memory_space<vmem>>, vector<1x16xf32>,
        %get3A_545 = vector.shape_cast %get3A_544 : vector<1x16xf32> to vector<16xf32>
        %add3A_546 = arith.constant 0 : i32
        %add3A_547 = arith.addi %mul3A_540, %add3A_546 : i32
        %get3A_548 = arith.index_cast %add3A_547 : i32 to index
        %get3A_549 = arith.constant 0 : index
        %get3A_550 = tpu.vector_load %arg11[%get3A_548, %get3A_549] {strides = array<i32>} : memref<512x32xf32, #tpu.memory_space<vmem>>, vector<1x16xf32>,
        %get3A_551 = vector.shape_cast %get3A_550 : vector<1x16xf32> to vector<16xf32>
        %add3A_552 = arith.addf %get3A_545, %get3A_551 : vector<16xf32>
        %add3A_553 = arith.constant 0 : i32
        %add3A_554 = arith.addi %mul3A_540, %add3A_553 : i32
        %swap3A = arith.index_cast %add3A_554 : i32 to index
        %swap3A_555 = arith.constant 0 : index
        %swap3A_556 = tpu.vector_load %arg12[%swap3A, %swap3A_555] {strides = array<i32>} : memref<512x32xf32, #tpu.memory_space<vmem>>, vector<1x16xf32>,
        %swap3A_557 = vector.shape_cast %swap3A_556 : vector<1x16xf32> to vector<16xf32>
        %swap3A_558 = vector.shape_cast %add3A_552 : vector<16xf32> to vector<1x16xf32>
        tpu.vector_store %arg12[%swap3A, %swap3A_555], %swap3A_558 {strides = array<i32>} : memref<512x32xf32, #tpu.memory_space<vmem>>, vector<1x16xf32>,
        %add3A_559 = arith.constant 0 : i32
        %add3A_560 = arith.addi %mul3A_540, %add3A_559 : i32
        %get3A_561 = arith.index_cast %add3A_560 : i32 to index
        %get3A_562 = arith.constant 16 : index
        %get3A_563 = tpu.vector_load %arg7[%get3A_561, %get3A_562] {strides = array<i32>} : memref<512x32xf32, #tpu.memory_space<vmem>>, vector<1x16xf32>,
        %get3A_564 = vector.shape_cast %get3A_563 : vector<1x16xf32> to vector<16xf32>
        %add3A_565 = arith.constant 0 : i32
        %add3A_566 = arith.addi %mul3A_540, %add3A_565 : i32
        %get3A_567 = arith.index_cast %add3A_566 : i32 to index
        %get3A_568 = arith.constant 16 : index
        %get3A_569 = tpu.vector_load %arg11[%get3A_567, %get3A_568] {strides = array<i32>} : memref<512x32xf32, #tpu.memory_space<vmem>>, vector<1x16xf32>,
        %get3A_570 = vector.shape_cast %get3A_569 : vector<1x16xf32> to vector<16xf32>
        %add3A_571 = arith.addf %get3A_564, %get3A_570 : vector<16xf32>
        %add3A_572 = arith.constant 0 : i32
        %add3A_573 = arith.addi %mul3A_540, %add3A_572 : i32
        %swap3A_574 = arith.index_cast %add3A_573 : i32 to index
        %swap3A_575 = arith.constant 16 : index
        %swap3A_576 = tpu.vector_load %arg12[%swap3A_574, %swap3A_575] {strides = array<i32>} : memref<512x32xf32, #tpu.memory_space<vmem>>, vector<1x16xf32>,
        %swap3A_577 = vector.shape_cast %swap3A_576 : vector<1x16xf32> to vector<16xf32>
        %swap3A_578 = vector.shape_cast %add3A_571 : vector<16xf32> to vector<1x16xf32>
        tpu.vector_store %arg12[%swap3A_574, %swap3A_575], %swap3A_578 {strides = array<i32>} : memref<512x32xf32, #tpu.memory_space<vmem>>, vector<1x16xf32>,
        %add3A_579 = arith.constant 1 : i32
        %add3A_580 = arith.addi %mul3A_540, %add3A_579 : i32
        %get3A_581 = arith.index_cast %add3A_580 : i32 to index
        %get3A_582 = arith.constant 0 : index
        %get3A_583 = tpu.vector_load %arg7[%get3A_581, %get3A_582] {strides = array<i32>} : memref<512x32xf32, #tpu.memory_space<vmem>>, vector<1x16xf32>,
        %get3A_584 = vector.shape_cast %get3A_583 : vector<1x16xf32> to vector<16xf32>
        %add3A_585 = arith.constant 1 : i32
        %add3A_586 = arith.addi %mul3A_540, %add3A_585 : i32
        %get3A_587 = arith.index_cast %add3A_586 : i32 to index
        %get3A_588 = arith.constant 0 : index
        %get3A_589 = tpu.vector_load %arg11[%get3A_587, %get3A_588] {strides = array<i32>} : memref<512x32xf32, #tpu.memory_space<vmem>>, vector<1x16xf32>,
        %get3A_590 = vector.shape_cast %get3A_589 : vector<1x16xf32> to vector<16xf32>
        %add3A_591 = arith.addf %get3A_584, %get3A_590 : vector<16xf32>
        %add3A_592 = arith.constant 1 : i32
        %add3A_593 = arith.addi %mul3A_540, %add3A_592 : i32
        %swap3A_594 = arith.index_cast %add3A_593 : i32 to index
        %swap3A_595 = arith.constant 0 : index
        %swap3A_596 = tpu.vector_load %arg12[%swap3A_594, %swap3A_595] {strides = array<i32>} : memref<512x32xf32, #tpu.memory_space<vmem>>, vector<1x16xf32>,
        %swap3A_597 = vector.shape_cast %swap3A_596 : vector<1x16xf32> to vector<16xf32>
        %swap3A_598 = vector.shape_cast %add3A_591 : vector<16xf32> to vector<1x16xf32>
        tpu.vector_store %arg12[%swap3A_594, %swap3A_595], %swap3A_598 {strides = array<i32>} : memref<512x32xf32, #tpu.memory_space<vmem>>, vector<1x16xf32>,
        %add3A_599 = arith.constant 1 : i32
        %add3A_600 = arith.addi %mul3A_540, %add3A_599 : i32
        %get3A_601 = arith.index_cast %add3A_600 : i32 to index
        %get3A_602 = arith.constant 16 : index
        %get3A_603 = tpu.vector_load %arg7[%get3A_601, %get3A_602] {strides = array<i32>} : memref<512x32xf32, #tpu.memory_space<vmem>>, vector<1x16xf32>,
        %get3A_604 = vector.shape_cast %get3A_603 : vector<1x16xf32> to vector<16xf32>
        %add3A_605 = arith.constant 1 : i32
        %add3A_606 = arith.addi %mul3A_540, %add3A_605 : i32
        %get3A_607 = arith.index_cast %add3A_606 : i32 to index
        %get3A_608 = arith.constant 16 : index
        %get3A_609 = tpu.vector_load %arg11[%get3A_607, %get3A_608] {strides = array<i32>} : memref<512x32xf32, #tpu.memory_space<vmem>>, vector<1x16xf32>,
        %get3A_610 = vector.shape_cast %get3A_609 : vector<1x16xf32> to vector<16xf32>
        %add3A_611 = arith.addf %get3A_604, %get3A_610 : vector<16xf32>
        %add3A_612 = arith.constant 1 : i32
        %add3A_613 = arith.addi %mul3A_540, %add3A_612 : i32
        %swap3A_614 = arith.index_cast %add3A_613 : i32 to index
        %swap3A_615 = arith.constant 16 : index
        %swap3A_616 = tpu.vector_load %arg12[%swap3A_614, %swap3A_615] {strides = array<i32>} : memref<512x32xf32, #tpu.memory_space<vmem>>, vector<1x16xf32>,
        %swap3A_617 = vector.shape_cast %swap3A_616 : vector<1x16xf32> to vector<16xf32>
        %swap3A_618 = vector.shape_cast %add3A_611 : vector<16xf32> to vector<1x16xf32>
        tpu.vector_store %arg12[%swap3A_614, %swap3A_615], %swap3A_618 {strides = array<i32>} : memref<512x32xf32, #tpu.memory_space<vmem>>, vector<1x16xf32>,
        %add3A_619 = arith.constant 2 : i32
        %add3A_620 = arith.addi %mul3A_540, %add3A_619 : i32
        %get3A_621 = arith.index_cast %add3A_620 : i32 to index
        %get3A_622 = arith.constant 0 : index
        %get3A_623 = tpu.vector_load %arg7[%get3A_621, %get3A_622] {strides = array<i32>} : memref<512x32xf32, #tpu.memory_space<vmem>>, vector<1x16xf32>,
        %get3A_624 = vector.shape_cast %get3A_623 : vector<1x16xf32> to vector<16xf32>
        %add3A_625 = arith.constant 2 : i32
        %add3A_626 = arith.addi %mul3A_540, %add3A_625 : i32
        %get3A_627 = arith.index_cast %add3A_626 : i32 to index
        %get3A_628 = arith.constant 0 : index
        %get3A_629 = tpu.vector_load %arg11[%get3A_627, %get3A_628] {strides = array<i32>} : memref<512x32xf32, #tpu.memory_space<vmem>>, vector<1x16xf32>,
        %get3A_630 = vector.shape_cast %get3A_629 : vector<1x16xf32> to vector<16xf32>
        %add3A_631 = arith.addf %get3A_624, %get3A_630 : vector<16xf32>
        %add3A_632 = arith.constant 2 : i32
        %add3A_633 = arith.addi %mul3A_540, %add3A_632 : i32
        %swap3A_634 = arith.index_cast %add3A_633 : i32 to index
        %swap3A_635 = arith.constant 0 : index
        %swap3A_636 = tpu.vector_load %arg12[%swap3A_634, %swap3A_635] {strides = array<i32>} : memref<512x32xf32, #tpu.memory_space<vmem>>, vector<1x16xf32>,
        %swap3A_637 = vector.shape_cast %swap3A_636 : vector<1x16xf32> to vector<16xf32>
        %swap3A_638 = vector.shape_cast %add3A_631 : vector<16xf32> to vector<1x16xf32>
        tpu.vector_store %arg12[%swap3A_634, %swap3A_635], %swap3A_638 {strides = array<i32>} : memref<512x32xf32, #tpu.memory_space<vmem>>, vector<1x16xf32>,
        %add3A_639 = arith.constant 2 : i32
        %add3A_640 = arith.addi %mul3A_540, %add3A_639 : i32
        %get3A_641 = arith.index_cast %add3A_640 : i32 to index
        %get3A_642 = arith.constant 16 : index
        %get3A_643 = tpu.vector_load %arg7[%get3A_641, %get3A_642] {strides = array<i32>} : memref<512x32xf32, #tpu.memory_space<vmem>>, vector<1x16xf32>,
        %get3A_644 = vector.shape_cast %get3A_643 : vector<1x16xf32> to vector<16xf32>
        %add3A_645 = arith.constant 2 : i32
        %add3A_646 = arith.addi %mul3A_540, %add3A_645 : i32
        %get3A_647 = arith.index_cast %add3A_646 : i32 to index
        %get3A_648 = arith.constant 16 : index
        %get3A_649 = tpu.vector_load %arg11[%get3A_647, %get3A_648] {strides = array<i32>} : memref<512x32xf32, #tpu.memory_space<vmem>>, vector<1x16xf32>,
        %get3A_650 = vector.shape_cast %get3A_649 : vector<1x16xf32> to vector<16xf32>
        %add3A_651 = arith.addf %get3A_644, %get3A_650 : vector<16xf32>
        %add3A_652 = arith.constant 2 : i32
        %add3A_653 = arith.addi %mul3A_540, %add3A_652 : i32
        %swap3A_654 = arith.index_cast %add3A_653 : i32 to index
        %swap3A_655 = arith.constant 16 : index
        %swap3A_656 = tpu.vector_load %arg12[%swap3A_654, %swap3A_655] {strides = array<i32>} : memref<512x32xf32, #tpu.memory_space<vmem>>, vector<1x16xf32>,
        %swap3A_657 = vector.shape_cast %swap3A_656 : vector<1x16xf32> to vector<16xf32>
        %swap3A_658 = vector.shape_cast %add3A_651 : vector<16xf32> to vector<1x16xf32>
        tpu.vector_store %arg12[%swap3A_654, %swap3A_655], %swap3A_658 {strides = array<i32>} : memref<512x32xf32, #tpu.memory_space<vmem>>, vector<1x16xf32>,
        %add3A_659 = arith.constant 3 : i32
        %add3A_660 = arith.addi %mul3A_540, %add3A_659 : i32
        %get3A_661 = arith.index_cast %add3A_660 : i32 to index
        %get3A_662 = arith.constant 0 : index
        %get3A_663 = tpu.vector_load %arg7[%get3A_661, %get3A_662] {strides = array<i32>} : memref<512x32xf32, #tpu.memory_space<vmem>>, vector<1x16xf32>,
        %get3A_664 = vector.shape_cast %get3A_663 : vector<1x16xf32> to vector<16xf32>
        %add3A_665 = arith.constant 3 : i32
        %add3A_666 = arith.addi %mul3A_540, %add3A_665 : i32
        %get3A_667 = arith.index_cast %add3A_666 : i32 to index
        %get3A_668 = arith.constant 0 : index
        %get3A_669 = tpu.vector_load %arg11[%get3A_667, %get3A_668] {strides = array<i32>} : memref<512x32xf32, #tpu.memory_space<vmem>>, vector<1x16xf32>,
        %get3A_670 = vector.shape_cast %get3A_669 : vector<1x16xf32> to vector<16xf32>
        %add3A_671 = arith.addf %get3A_664, %get3A_670 : vector<16xf32>
        %add3A_672 = arith.constant 3 : i32
        %add3A_673 = arith.addi %mul3A_540, %add3A_672 : i32
        %swap3A_674 = arith.index_cast %add3A_673 : i32 to index
        %swap3A_675 = arith.constant 0 : index
        %swap3A_676 = tpu.vector_load %arg12[%swap3A_674, %swap3A_675] {strides = array<i32>} : memref<512x32xf32, #tpu.memory_space<vmem>>, vector<1x16xf32>,
        %swap3A_677 = vector.shape_cast %swap3A_676 : vector<1x16xf32> to vector<16xf32>
        %swap3A_678 = vector.shape_cast %add3A_671 : vector<16xf32> to vector<1x16xf32>
        tpu.vector_store %arg12[%swap3A_674, %swap3A_675], %swap3A_678 {strides = array<i32>} : memref<512x32xf32, #tpu.memory_space<vmem>>, vector<1x16xf32>,
        %add3A_679 = arith.constant 3 : i32
        %add3A_680 = arith.addi %mul3A_540, %add3A_679 : i32
        %get3A_681 = arith.index_cast %add3A_680 : i32 to index
        %get3A_682 = arith.constant 16 : index
        %get3A_683 = tpu.vector_load %arg7[%get3A_681, %get3A_682] {strides = array<i32>} : memref<512x32xf32, #tpu.memory_space<vmem>>, vector<1x16xf32>,
        %get3A_684 = vector.shape_cast %get3A_683 : vector<1x16xf32> to vector<16xf32>
        %add3A_685 = arith.constant 3 : i32
        %add3A_686 = arith.addi %mul3A_540, %add3A_685 : i32
        %get3A_687 = arith.index_cast %add3A_686 : i32 to index
        %get3A_688 = arith.constant 16 : index
        %get3A_689 = tpu.vector_load %arg11[%get3A_687, %get3A_688] {strides = array<i32>} : memref<512x32xf32, #tpu.memory_space<vmem>>, vector<1x16xf32>,
        %get3A_690 = vector.shape_cast %get3A_689 : vector<1x16xf32> to vector<16xf32>
        %add3A_691 = arith.addf %get3A_684, %get3A_690 : vector<16xf32>
        %add3A_692 = arith.constant 3 : i32
        %add3A_693 = arith.addi %mul3A_540, %add3A_692 : i32
        %swap3A_694 = arith.index_cast %add3A_693 : i32 to index
        %swap3A_695 = arith.constant 16 : index
        %swap3A_696 = tpu.vector_load %arg12[%swap3A_694, %swap3A_695] {strides = array<i32>} : memref<512x32xf32, #tpu.memory_space<vmem>>, vector<1x16xf32>,
        %swap3A_697 = vector.shape_cast %swap3A_696 : vector<1x16xf32> to vector<16xf32>
        %swap3A_698 = vector.shape_cast %add3A_691 : vector<16xf32> to vector<1x16xf32>
        tpu.vector_store %arg12[%swap3A_694, %swap3A_695], %swap3A_698 {strides = array<i32>} : memref<512x32xf32, #tpu.memory_space<vmem>>, vector<1x16xf32>,
        %add3A_699 = arith.constant 4 : i32
        %add3A_700 = arith.addi %mul3A_540, %add3A_699 : i32
        %get3A_701 = arith.index_cast %add3A_700 : i32 to index
        %get3A_702 = arith.constant 0 : index
        %get3A_703 = tpu.vector_load %arg7[%get3A_701, %get3A_702] {strides = array<i32>} : memref<512x32xf32, #tpu.memory_space<vmem>>, vector<1x16xf32>,
        %get3A_704 = vector.shape_cast %get3A_703 : vector<1x16xf32> to vector<16xf32>
        %add3A_705 = arith.constant 4 : i32
        %add3A_706 = arith.addi %mul3A_540, %add3A_705 : i32
        %get3A_707 = arith.index_cast %add3A_706 : i32 to index
        %get3A_708 = arith.constant 0 : index
        %get3A_709 = tpu.vector_load %arg11[%get3A_707, %get3A_708] {strides = array<i32>} : memref<512x32xf32, #tpu.memory_space<vmem>>, vector<1x16xf32>,
        %get3A_710 = vector.shape_cast %get3A_709 : vector<1x16xf32> to vector<16xf32>
        %add3A_711 = arith.addf %get3A_704, %get3A_710 : vector<16xf32>
        %add3A_712 = arith.constant 4 : i32
        %add3A_713 = arith.addi %mul3A_540, %add3A_712 : i32
        %swap3A_714 = arith.index_cast %add3A_713 : i32 to index
        %swap3A_715 = arith.constant 0 : index
        %swap3A_716 = tpu.vector_load %arg12[%swap3A_714, %swap3A_715] {strides = array<i32>} : memref<512x32xf32, #tpu.memory_space<vmem>>, vector<1x16xf32>,
        %swap3A_717 = vector.shape_cast %swap3A_716 : vector<1x16xf32> to vector<16xf32>
        %swap3A_718 = vector.shape_cast %add3A_711 : vector<16xf32> to vector<1x16xf32>
        tpu.vector_store %arg12[%swap3A_714, %swap3A_715], %swap3A_718 {strides = array<i32>} : memref<512x32xf32, #tpu.memory_space<vmem>>, vector<1x16xf32>,
        %add3A_719 = arith.constant 4 : i32
        %add3A_720 = arith.addi %mul3A_540, %add3A_719 : i32
        %get3A_721 = arith.index_cast %add3A_720 : i32 to index
        %get3A_722 = arith.constant 16 : index
        %get3A_723 = tpu.vector_load %arg7[%get3A_721, %get3A_722] {strides = array<i32>} : memref<512x32xf32, #tpu.memory_space<vmem>>, vector<1x16xf32>,
        %get3A_724 = vector.shape_cast %get3A_723 : vector<1x16xf32> to vector<16xf32>
        %add3A_725 = arith.constant 4 : i32
        %add3A_726 = arith.addi %mul3A_540, %add3A_725 : i32
        %get3A_727 = arith.index_cast %add3A_726 : i32 to index
        %get3A_728 = arith.constant 16 : index
        %get3A_729 = tpu.vector_load %arg11[%get3A_727, %get3A_728] {strides = array<i32>} : memref<512x32xf32, #tpu.memory_space<vmem>>, vector<1x16xf32>,
        %get3A_730 = vector.shape_cast %get3A_729 : vector<1x16xf32> to vector<16xf32>
        %add3A_731 = arith.addf %get3A_724, %get3A_730 : vector<16xf32>
        %add3A_732 = arith.constant 4 : i32
        %add3A_733 = arith.addi %mul3A_540, %add3A_732 : i32
        %swap3A_734 = arith.index_cast %add3A_733 : i32 to index
        %swap3A_735 = arith.constant 16 : index
        %swap3A_736 = tpu.vector_load %arg12[%swap3A_734, %swap3A_735] {strides = array<i32>} : memref<512x32xf32, #tpu.memory_space<vmem>>, vector<1x16xf32>,
        %swap3A_737 = vector.shape_cast %swap3A_736 : vector<1x16xf32> to vector<16xf32>
        %swap3A_738 = vector.shape_cast %add3A_731 : vector<16xf32> to vector<1x16xf32>
        tpu.vector_store %arg12[%swap3A_734, %swap3A_735], %swap3A_738 {strides = array<i32>} : memref<512x32xf32, #tpu.memory_space<vmem>>, vector<1x16xf32>,
        %add3A_739 = arith.constant 5 : i32
        %add3A_740 = arith.addi %mul3A_540, %add3A_739 : i32
        %get3A_741 = arith.index_cast %add3A_740 : i32 to index
        %get3A_742 = arith.constant 0 : index
        %get3A_743 = tpu.vector_load %arg7[%get3A_741, %get3A_742] {strides = array<i32>} : memref<512x32xf32, #tpu.memory_space<vmem>>, vector<1x16xf32>,
        %get3A_744 = vector.shape_cast %get3A_743 : vector<1x16xf32> to vector<16xf32>
        %add3A_745 = arith.constant 5 : i32
        %add3A_746 = arith.addi %mul3A_540, %add3A_745 : i32
        %get3A_747 = arith.index_cast %add3A_746 : i32 to index
        %get3A_748 = arith.constant 0 : index
        %get3A_749 = tpu.vector_load %arg11[%get3A_747, %get3A_748] {strides = array<i32>} : memref<512x32xf32, #tpu.memory_space<vmem>>, vector<1x16xf32>,
        %get3A_750 = vector.shape_cast %get3A_749 : vector<1x16xf32> to vector<16xf32>
        %add3A_751 = arith.addf %get3A_744, %get3A_750 : vector<16xf32>
        %add3A_752 = arith.constant 5 : i32
        %add3A_753 = arith.addi %mul3A_540, %add3A_752 : i32
        %swap3A_754 = arith.index_cast %add3A_753 : i32 to index
        %swap3A_755 = arith.constant 0 : index
        %swap3A_756 = tpu.vector_load %arg12[%swap3A_754, %swap3A_755] {strides = array<i32>} : memref<512x32xf32, #tpu.memory_space<vmem>>, vector<1x16xf32>,
        %swap3A_757 = vector.shape_cast %swap3A_756 : vector<1x16xf32> to vector<16xf32>
        %swap3A_758 = vector.shape_cast %add3A_751 : vector<16xf32> to vector<1x16xf32>
        tpu.vector_store %arg12[%swap3A_754, %swap3A_755], %swap3A_758 {strides = array<i32>} : memref<512x32xf32, #tpu.memory_space<vmem>>, vector<1x16xf32>,
        %add3A_759 = arith.constant 5 : i32
        %add3A_760 = arith.addi %mul3A_540, %add3A_759 : i32
        %get3A_761 = arith.index_cast %add3A_760 : i32 to index
        %get3A_762 = arith.constant 16 : index
        %get3A_763 = tpu.vector_load %arg7[%get3A_761, %get3A_762] {strides = array<i32>} : memref<512x32xf32, #tpu.memory_space<vmem>>, vector<1x16xf32>,
        %get3A_764 = vector.shape_cast %get3A_763 : vector<1x16xf32> to vector<16xf32>
        %add3A_765 = arith.constant 5 : i32
        %add3A_766 = arith.addi %mul3A_540, %add3A_765 : i32
        %get3A_767 = arith.index_cast %add3A_766 : i32 to index
        %get3A_768 = arith.constant 16 : index
        %get3A_769 = tpu.vector_load %arg11[%get3A_767, %get3A_768] {strides = array<i32>} : memref<512x32xf32, #tpu.memory_space<vmem>>, vector<1x16xf32>,
        %get3A_770 = vector.shape_cast %get3A_769 : vector<1x16xf32> to vector<16xf32>
        %add3A_771 = arith.addf %get3A_764, %get3A_770 : vector<16xf32>
        %add3A_772 = arith.constant 5 : i32
        %add3A_773 = arith.addi %mul3A_540, %add3A_772 : i32
        %swap3A_774 = arith.index_cast %add3A_773 : i32 to index
        %swap3A_775 = arith.constant 16 : index
        %swap3A_776 = tpu.vector_load %arg12[%swap3A_774, %swap3A_775] {strides = array<i32>} : memref<512x32xf32, #tpu.memory_space<vmem>>, vector<1x16xf32>,
        %swap3A_777 = vector.shape_cast %swap3A_776 : vector<1x16xf32> to vector<16xf32>
        %swap3A_778 = vector.shape_cast %add3A_771 : vector<16xf32> to vector<1x16xf32>
        tpu.vector_store %arg12[%swap3A_774, %swap3A_775], %swap3A_778 {strides = array<i32>} : memref<512x32xf32, #tpu.memory_space<vmem>>, vector<1x16xf32>,
        %add3A_779 = arith.constant 6 : i32
        %add3A_780 = arith.addi %mul3A_540, %add3A_779 : i32
        %get3A_781 = arith.index_cast %add3A_780 : i32 to index
        %get3A_782 = arith.constant 0 : index
        %get3A_783 = tpu.vector_load %arg7[%get3A_781, %get3A_782] {strides = array<i32>} : memref<512x32xf32, #tpu.memory_space<vmem>>, vector<1x16xf32>,
        %get3A_784 = vector.shape_cast %get3A_783 : vector<1x16xf32> to vector<16xf32>
        %add3A_785 = arith.constant 6 : i32
        %add3A_786 = arith.addi %mul3A_540, %add3A_785 : i32
        %get3A_787 = arith.index_cast %add3A_786 : i32 to index
        %get3A_788 = arith.constant 0 : index
        %get3A_789 = tpu.vector_load %arg11[%get3A_787, %get3A_788] {strides = array<i32>} : memref<512x32xf32, #tpu.memory_space<vmem>>, vector<1x16xf32>,
        %get3A_790 = vector.shape_cast %get3A_789 : vector<1x16xf32> to vector<16xf32>
        %add3A_791 = arith.addf %get3A_784, %get3A_790 : vector<16xf32>
        %add3A_792 = arith.constant 6 : i32
        %add3A_793 = arith.addi %mul3A_540, %add3A_792 : i32
        %swap3A_794 = arith.index_cast %add3A_793 : i32 to index
        %swap3A_795 = arith.constant 0 : index
        %swap3A_796 = tpu.vector_load %arg12[%swap3A_794, %swap3A_795] {strides = array<i32>} : memref<512x32xf32, #tpu.memory_space<vmem>>, vector<1x16xf32>,
        %swap3A_797 = vector.shape_cast %swap3A_796 : vector<1x16xf32> to vector<16xf32>
        %swap3A_798 = vector.shape_cast %add3A_791 : vector<16xf32> to vector<1x16xf32>
        tpu.vector_store %arg12[%swap3A_794, %swap3A_795], %swap3A_798 {strides = array<i32>} : memref<512x32xf32, #tpu.memory_space<vmem>>, vector<1x16xf32>,
        %add3A_799 = arith.constant 6 : i32
        %add3A_800 = arith.addi %mul3A_540, %add3A_799 : i32
        %get3A_801 = arith.index_cast %add3A_800 : i32 to index
        %get3A_802 = arith.constant 16 : index
        %get3A_803 = tpu.vector_load %arg7[%get3A_801, %get3A_802] {strides = array<i32>} : memref<512x32xf32, #tpu.memory_space<vmem>>, vector<1x16xf32>,
        %get3A_804 = vector.shape_cast %get3A_803 : vector<1x16xf32> to vector<16xf32>
        %add3A_805 = arith.constant 6 : i32
        %add3A_806 = arith.addi %mul3A_540, %add3A_805 : i32
        %get3A_807 = arith.index_cast %add3A_806 : i32 to index
        %get3A_808 = arith.constant 16 : index
        %get3A_809 = tpu.vector_load %arg11[%get3A_807, %get3A_808] {strides = array<i32>} : memref<512x32xf32, #tpu.memory_space<vmem>>, vector<1x16xf32>,
        %get3A_810 = vector.shape_cast %get3A_809 : vector<1x16xf32> to vector<16xf32>
        %add3A_811 = arith.addf %get3A_804, %get3A_810 : vector<16xf32>
        %add3A_812 = arith.constant 6 : i32
        %add3A_813 = arith.addi %mul3A_540, %add3A_812 : i32
        %swap3A_814 = arith.index_cast %add3A_813 : i32 to index
        %swap3A_815 = arith.constant 16 : index
        %swap3A_816 = tpu.vector_load %arg12[%swap3A_814, %swap3A_815] {strides = array<i32>} : memref<512x32xf32, #tpu.memory_space<vmem>>, vector<1x16xf32>,
        %swap3A_817 = vector.shape_cast %swap3A_816 : vector<1x16xf32> to vector<16xf32>
        %swap3A_818 = vector.shape_cast %add3A_811 : vector<16xf32> to vector<1x16xf32>
        tpu.vector_store %arg12[%swap3A_814, %swap3A_815], %swap3A_818 {strides = array<i32>} : memref<512x32xf32, #tpu.memory_space<vmem>>, vector<1x16xf32>,
        %add3A_819 = arith.constant 7 : i32
        %add3A_820 = arith.addi %mul3A_540, %add3A_819 : i32
        %get3A_821 = arith.index_cast %add3A_820 : i32 to index
        %get3A_822 = arith.constant 0 : index
        %get3A_823 = tpu.vector_load %arg7[%get3A_821, %get3A_822] {strides = array<i32>} : memref<512x32xf32, #tpu.memory_space<vmem>>, vector<1x16xf32>,
        %get3A_824 = vector.shape_cast %get3A_823 : vector<1x16xf32> to vector<16xf32>
        %add3A_825 = arith.constant 7 : i32
        %add3A_826 = arith.addi %mul3A_540, %add3A_825 : i32
        %get3A_827 = arith.index_cast %add3A_826 : i32 to index
        %get3A_828 = arith.constant 0 : index
        %get3A_829 = tpu.vector_load %arg11[%get3A_827, %get3A_828] {strides = array<i32>} : memref<512x32xf32, #tpu.memory_space<vmem>>, vector<1x16xf32>,
        %get3A_830 = vector.shape_cast %get3A_829 : vector<1x16xf32> to vector<16xf32>
        %add3A_831 = arith.addf %get3A_824, %get3A_830 : vector<16xf32>
        %add3A_832 = arith.constant 7 : i32
        %add3A_833 = arith.addi %mul3A_540, %add3A_832 : i32
        %swap3A_834 = arith.index_cast %add3A_833 : i32 to index
        %swap3A_835 = arith.constant 0 : index
        %swap3A_836 = tpu.vector_load %arg12[%swap3A_834, %swap3A_835] {strides = array<i32>} : memref<512x32xf32, #tpu.memory_space<vmem>>, vector<1x16xf32>,
        %swap3A_837 = vector.shape_cast %swap3A_836 : vector<1x16xf32> to vector<16xf32>
        %swap3A_838 = vector.shape_cast %add3A_831 : vector<16xf32> to vector<1x16xf32>
        tpu.vector_store %arg12[%swap3A_834, %swap3A_835], %swap3A_838 {strides = array<i32>} : memref<512x32xf32, #tpu.memory_space<vmem>>, vector<1x16xf32>,
        %add3A_839 = arith.constant 7 : i32
        %add3A_840 = arith.addi %mul3A_540, %add3A_839 : i32
        %get3A_841 = arith.index_cast %add3A_840 : i32 to index
        %get3A_842 = arith.constant 16 : index
        %get3A_843 = tpu.vector_load %arg7[%get3A_841, %get3A_842] {strides = array<i32>} : memref<512x32xf32, #tpu.memory_space<vmem>>, vector<1x16xf32>,
        %get3A_844 = vector.shape_cast %get3A_843 : vector<1x16xf32> to vector<16xf32>
        %add3A_845 = arith.constant 7 : i32
        %add3A_846 = arith.addi %mul3A_540, %add3A_845 : i32
        %get3A_847 = arith.index_cast %add3A_846 : i32 to index
        %get3A_848 = arith.constant 16 : index
        %get3A_849 = tpu.vector_load %arg11[%get3A_847, %get3A_848] {strides = array<i32>} : memref<512x32xf32, #tpu.memory_space<vmem>>, vector<1x16xf32>,
        %get3A_850 = vector.shape_cast %get3A_849 : vector<1x16xf32> to vector<16xf32>
        %add3A_851 = arith.addf %get3A_844, %get3A_850 : vector<16xf32>
        %add3A_852 = arith.constant 7 : i32
        %add3A_853 = arith.addi %mul3A_540, %add3A_852 : i32
        %swap3A_854 = arith.index_cast %add3A_853 : i32 to index
        %swap3A_855 = arith.constant 16 : index
        %swap3A_856 = tpu.vector_load %arg12[%swap3A_854, %swap3A_855] {strides = array<i32>} : memref<512x32xf32, #tpu.memory_space<vmem>>, vector<1x16xf32>,
        %swap3A_857 = vector.shape_cast %swap3A_856 : vector<1x16xf32> to vector<16xf32>
        %swap3A_858 = vector.shape_cast %add3A_851 : vector<16xf32> to vector<1x16xf32>
        tpu.vector_store %arg12[%swap3A_854, %swap3A_855], %swap3A_858 {strides = array<i32>} : memref<512x32xf32, #tpu.memory_space<vmem>>, vector<1x16xf32>,
      }
      %scan3A_217 = arith.constant 64 : i32
      %add3A_218 = arith.addi %mul3A_2, %add3A_202 : i32
      %mul3A_219 = arith.constant 512 : i32
      %mul3A_220 = arith.muli %add3A_218, %mul3A_219 : i32
      %dma_start3A_221 = arith.constant 0 : i32
      %dma_start3A_222 = tpu.memref_slice %arg5[%mul3A_220, %dma_start3A_221] : memref<524288x32xf32, #tpu.memory_space<hbm>> -> memref<512x32xf32, #tpu.memory_space<hbm>>
      %dma_start3A_223 = arith.constant 0 : i32
      %dma_start3A_224 = tpu.memref_slice %arg5[%mul3A_220, %dma_start3A_223] : memref<524288x32xf32, #tpu.memory_space<hbm>> -> memref<512x32xf32, #tpu.memory_space<hbm>>
      tpu.enqueue_dma source(%arg12 : memref<512x32xf32, #tpu.memory_space<vmem>>) target(%dma_start3A_224 : memref<512x32xf32, #tpu.memory_space<hbm>>) target_semaphore(%arg17 : memref<!tpu.dma_semaphore, #tpu.memory_space<semaphore_mem>>)
      %add3A_225 = arith.constant 4 : i32
      %add3A_226 = arith.addi %add3A_202, %add3A_225 : i32
      %rem3A = arith.constant 32 : i32
      %rem3A_227 = arith.remsi %add3A_226, %rem3A : i32
      %mul3A_228 = arith.constant 4 : i32
      %mul3A_229 = arith.muli %rem3A_227, %mul3A_228 : i32
      %add3A_230 = arith.constant 0 : i32
      %add3A_231 = arith.addi %mul3A_229, %add3A_230 : i32
      %dma_start3A_232 = arith.constant 0 : i32
      %dma_start3A_233 = arith.constant 0 : i32
      %dma_start3A_234 = tpu.memref_slice %arg7[%dma_start3A_232, %dma_start3A_233] : memref<512x32xf32, #tpu.memory_space<vmem>> -> memref<128x32xf32, #tpu.memory_space<vmem>>
      %dma_start3A_235 = arith.constant 0 : i32
      %dma_start3A_236 = tpu.memref_slice %arg6[%add3A_231, %dma_start3A_235] : memref<128x128xi32, #tpu.memory_space<vmem>> -> memref<1x128xi32, #tpu.memory_space<vmem>>
      %dma_start3A_237 = tpu.memref_squeeze %dma_start3A_236 : memref<1x128xi32, #tpu.memory_space<vmem>> -> memref<128xi32, #tpu.memory_space<vmem>>
      %dma_start3A_238 = arith.constant 0 : i32
      %dma_start3A_239 = arith.constant 0 : i32
      %dma_start3A_240 = tpu.memref_slice %arg3[%dma_start3A_238, %dma_start3A_239] : memref<1000000x32xf32, #tpu.memory_space<hbm>> -> memref<1000000x32xf32, #tpu.memory_space<hbm>>
      tpu.enqueue_indirect_dma source(%dma_start3A_240 : memref<1000000x32xf32, #tpu.memory_space<hbm>>) target(%dma_start3A_234 : memref<128x32xf32, #tpu.memory_space<vmem>>) offsets(%dma_start3A_237 : memref<128xi32, #tpu.memory_space<vmem>>) semaphore(%arg13 : memref<!tpu.dma_semaphore, #tpu.memory_space<semaphore_mem>>)
      %mul3A_241 = arith.constant 4 : i32
      %mul3A_242 = arith.muli %rem3A_227, %mul3A_241 : i32
      %add3A_243 = arith.constant 1 : i32
      %add3A_244 = arith.addi %mul3A_242, %add3A_243 : i32
      %dma_start3A_245 = arith.constant 128 : i32
      %dma_start3A_246 = arith.constant 0 : i32
      %dma_start3A_247 = tpu.memref_slice %arg7[%dma_start3A_245, %dma_start3A_246] : memref<512x32xf32, #tpu.memory_space<vmem>> -> memref<128x32xf32, #tpu.memory_space<vmem>>
      %dma_start3A_248 = arith.constant 0 : i32
      %dma_start3A_249 = tpu.memref_slice %arg6[%add3A_244, %dma_start3A_248] : memref<128x128xi32, #tpu.memory_space<vmem>> -> memref<1x128xi32, #tpu.memory_space<vmem>>
      %dma_start3A_250 = tpu.memref_squeeze %dma_start3A_249 : memref<1x128xi32, #tpu.memory_space<vmem>> -> memref<128xi32, #tpu.memory_space<vmem>>
      %dma_start3A_251 = arith.constant 0 : i32
      %dma_start3A_252 = arith.constant 0 : i32
      %dma_start3A_253 = tpu.memref_slice %arg3[%dma_start3A_251, %dma_start3A_252] : memref<1000000x32xf32, #tpu.memory_space<hbm>> -> memref<1000000x32xf32, #tpu.memory_space<hbm>>
      tpu.enqueue_indirect_dma source(%dma_start3A_253 : memref<1000000x32xf32, #tpu.memory_space<hbm>>) target(%dma_start3A_247 : memref<128x32xf32, #tpu.memory_space<vmem>>) offsets(%dma_start3A_250 : memref<128xi32, #tpu.memory_space<vmem>>) semaphore(%arg13 : memref<!tpu.dma_semaphore, #tpu.memory_space<semaphore_mem>>)
      %mul3A_254 = arith.constant 4 : i32
      %mul3A_255 = arith.muli %rem3A_227, %mul3A_254 : i32
      %add3A_256 = arith.constant 2 : i32
      %add3A_257 = arith.addi %mul3A_255, %add3A_256 : i32
      %dma_start3A_258 = arith.constant 256 : i32
      %dma_start3A_259 = arith.constant 0 : i32
      %dma_start3A_260 = tpu.memref_slice %arg7[%dma_start3A_258, %dma_start3A_259] : memref<512x32xf32, #tpu.memory_space<vmem>> -> memref<128x32xf32, #tpu.memory_space<vmem>>
      %dma_start3A_261 = arith.constant 0 : i32
      %dma_start3A_262 = tpu.memref_slice %arg6[%add3A_257, %dma_start3A_261] : memref<128x128xi32, #tpu.memory_space<vmem>> -> memref<1x128xi32, #tpu.memory_space<vmem>>
      %dma_start3A_263 = tpu.memref_squeeze %dma_start3A_262 : memref<1x128xi32, #tpu.memory_space<vmem>> -> memref<128xi32, #tpu.memory_space<vmem>>
      %dma_start3A_264 = arith.constant 0 : i32
      %dma_start3A_265 = arith.constant 0 : i32
      %dma_start3A_266 = tpu.memref_slice %arg3[%dma_start3A_264, %dma_start3A_265] : memref<1000000x32xf32, #tpu.memory_space<hbm>> -> memref<1000000x32xf32, #tpu.memory_space<hbm>>
      tpu.enqueue_indirect_dma source(%dma_start3A_266 : memref<1000000x32xf32, #tpu.memory_space<hbm>>) target(%dma_start3A_260 : memref<128x32xf32, #tpu.memory_space<vmem>>) offsets(%dma_start3A_263 : memref<128xi32, #tpu.memory_space<vmem>>) semaphore(%arg13 : memref<!tpu.dma_semaphore, #tpu.memory_space<semaphore_mem>>)
      %mul3A_267 = arith.constant 4 : i32
      %mul3A_268 = arith.muli %rem3A_227, %mul3A_267 : i32
      %add3A_269 = arith.constant 3 : i32
      %add3A_270 = arith.addi %mul3A_268, %add3A_269 : i32
      %dma_start3A_271 = arith.constant 384 : i32
      %dma_start3A_272 = arith.constant 0 : i32
      %dma_start3A_273 = tpu.memref_slice %arg7[%dma_start3A_271, %dma_start3A_272] : memref<512x32xf32, #tpu.memory_space<vmem>> -> memref<128x32xf32, #tpu.memory_space<vmem>>
      %dma_start3A_274 = arith.constant 0 : i32
      %dma_start3A_275 = tpu.memref_slice %arg6[%add3A_270, %dma_start3A_274] : memref<128x128xi32, #tpu.memory_space<vmem>> -> memref<1x128xi32, #tpu.memory_space<vmem>>
      %dma_start3A_276 = tpu.memref_squeeze %dma_start3A_275 : memref<1x128xi32, #tpu.memory_space<vmem>> -> memref<128xi32, #tpu.memory_space<vmem>>
      %dma_start3A_277 = arith.constant 0 : i32
      %dma_start3A_278 = arith.constant 0 : i32
      %dma_start3A_279 = tpu.memref_slice %arg3[%dma_start3A_277, %dma_start3A_278] : memref<1000000x32xf32, #tpu.memory_space<hbm>> -> memref<1000000x32xf32, #tpu.memory_space<hbm>>
      tpu.enqueue_indirect_dma source(%dma_start3A_279 : memref<1000000x32xf32, #tpu.memory_space<hbm>>) target(%dma_start3A_273 : memref<128x32xf32, #tpu.memory_space<vmem>>) offsets(%dma_start3A_276 : memref<128xi32, #tpu.memory_space<vmem>>) semaphore(%arg13 : memref<!tpu.dma_semaphore, #tpu.memory_space<semaphore_mem>>)
      %mul3A_280 = arith.constant 4 : i32
      %mul3A_281 = arith.muli %scan3A_198, %mul3A_280 : i32
      %add3A_282 = arith.constant 1 : i32
      %add3A_283 = arith.addi %mul3A_281, %add3A_282 : i32
      %dma_wait3A_284 = arith.constant 0 : i32
      %dma_wait3A_285 = arith.constant 0 : i32
      %dma_wait3A_286 = tpu.memref_slice %arg3[%dma_wait3A_284, %dma_wait3A_285] : memref<1000000x32xf32, #tpu.memory_space<hbm>> -> memref<512x32xf32, #tpu.memory_space<hbm>>
      %dma_wait3A_287 = arith.constant 0 : i32
      %dma_wait3A_288 = arith.constant 0 : i32
      %dma_wait3A_289 = tpu.memref_slice %arg3[%dma_wait3A_287, %dma_wait3A_288] : memref<1000000x32xf32, #tpu.memory_space<hbm>> -> memref<512x32xf32, #tpu.memory_space<hbm>>
      tpu.wait_dma2 semaphore(%arg14 : memref<!tpu.dma_semaphore, #tpu.memory_space<semaphore_mem>>) src(%dma_wait3A_289 : memref<512x32xf32, #tpu.memory_space<hbm>>) dst(%arg8 : memref<512x32xf32, #tpu.memory_space<vmem>>)
      %gt3A_290 = arith.constant 0 : i32
      %gt3A_291 = arith.cmpi sgt, %scan3A_198, %gt3A_290 : i32
      %or3A_292 = arith.constant true
      %or3A_293 = arith.ori %gt3A_291, %or3A_292 : i1
      %convert_element_type3A_294 = arith.extui %or3A_293 : i1 to i32
      %cond3A_295 = arith.constant 0 : i32
      %cond3A_296 = arith.cmpi ne, %convert_element_type3A_294, %cond3A_295 : i32
      scf.if %cond3A_296 {
        %dma_wait3A_538 = arith.constant 0 : i32
        %dma_wait3A_539 = arith.constant 0 : i32
        %dma_wait3A_540 = tpu.memref_slice %arg3[%dma_wait3A_538, %dma_wait3A_539] : memref<1000000x32xf32, #tpu.memory_space<hbm>> -> memref<512x32xf32, #tpu.memory_space<hbm>>
        %dma_wait3A_541 = arith.constant 0 : i32
        %dma_wait3A_542 = arith.constant 0 : i32
        %dma_wait3A_543 = tpu.memref_slice %arg3[%dma_wait3A_541, %dma_wait3A_542] : memref<1000000x32xf32, #tpu.memory_space<hbm>> -> memref<512x32xf32, #tpu.memory_space<hbm>>
        tpu.wait_dma2 semaphore(%arg17 : memref<!tpu.dma_semaphore, #tpu.memory_space<semaphore_mem>>) src(%dma_wait3A_543 : memref<512x32xf32, #tpu.memory_space<hbm>>) dst(%arg12 : memref<512x32xf32, #tpu.memory_space<vmem>>)
      } else {
      }
      %scan3A_297 = arith.constant 0 : i32
      %scan3A_298 = arith.constant 0 : i32
      %scan3A_299 = arith.constant 64 : i32
      %scan3A_300 = arith.addi %scan3A_298, %scan3A_299 : i32
      %scan3A_301 = arith.constant 1 : i32
      scf.for %scan3A_538 = %scan3A_298 to %scan3A_300 step %scan3A_301  : i32 {
        %mul3A_539 = arith.constant 8 : i32
        %mul3A_540 = arith.muli %scan3A_538, %mul3A_539 : i32
        %add3A_541 = arith.constant 0 : i32
        %add3A_542 = arith.addi %mul3A_540, %add3A_541 : i32
        %get3A = arith.index_cast %add3A_542 : i32 to index
        %get3A_543 = arith.constant 0 : index
        %get3A_544 = tpu.vector_load %arg8[%get3A, %get3A_543] {strides = array<i32>} : memref<512x32xf32, #tpu.memory_space<vmem>>, vector<1x16xf32>,
        %get3A_545 = vector.shape_cast %get3A_544 : vector<1x16xf32> to vector<16xf32>
        %add3A_546 = arith.constant 0 : i32
        %add3A_547 = arith.addi %mul3A_540, %add3A_546 : i32
        %get3A_548 = arith.index_cast %add3A_547 : i32 to index
        %get3A_549 = arith.constant 0 : index
        %get3A_550 = tpu.vector_load %arg11[%get3A_548, %get3A_549] {strides = array<i32>} : memref<512x32xf32, #tpu.memory_space<vmem>>, vector<1x16xf32>,
        %get3A_551 = vector.shape_cast %get3A_550 : vector<1x16xf32> to vector<16xf32>
        %add3A_552 = arith.addf %get3A_545, %get3A_551 : vector<16xf32>
        %add3A_553 = arith.constant 0 : i32
        %add3A_554 = arith.addi %mul3A_540, %add3A_553 : i32
        %swap3A = arith.index_cast %add3A_554 : i32 to index
        %swap3A_555 = arith.constant 0 : index
        %swap3A_556 = tpu.vector_load %arg12[%swap3A, %swap3A_555] {strides = array<i32>} : memref<512x32xf32, #tpu.memory_space<vmem>>, vector<1x16xf32>,
        %swap3A_557 = vector.shape_cast %swap3A_556 : vector<1x16xf32> to vector<16xf32>
        %swap3A_558 = vector.shape_cast %add3A_552 : vector<16xf32> to vector<1x16xf32>
        tpu.vector_store %arg12[%swap3A, %swap3A_555], %swap3A_558 {strides = array<i32>} : memref<512x32xf32, #tpu.memory_space<vmem>>, vector<1x16xf32>,
        %add3A_559 = arith.constant 0 : i32
        %add3A_560 = arith.addi %mul3A_540, %add3A_559 : i32
        %get3A_561 = arith.index_cast %add3A_560 : i32 to index
        %get3A_562 = arith.constant 16 : index
        %get3A_563 = tpu.vector_load %arg8[%get3A_561, %get3A_562] {strides = array<i32>} : memref<512x32xf32, #tpu.memory_space<vmem>>, vector<1x16xf32>,
        %get3A_564 = vector.shape_cast %get3A_563 : vector<1x16xf32> to vector<16xf32>
        %add3A_565 = arith.constant 0 : i32
        %add3A_566 = arith.addi %mul3A_540, %add3A_565 : i32
        %get3A_567 = arith.index_cast %add3A_566 : i32 to index
        %get3A_568 = arith.constant 16 : index
        %get3A_569 = tpu.vector_load %arg11[%get3A_567, %get3A_568] {strides = array<i32>} : memref<512x32xf32, #tpu.memory_space<vmem>>, vector<1x16xf32>,
        %get3A_570 = vector.shape_cast %get3A_569 : vector<1x16xf32> to vector<16xf32>
        %add3A_571 = arith.addf %get3A_564, %get3A_570 : vector<16xf32>
        %add3A_572 = arith.constant 0 : i32
        %add3A_573 = arith.addi %mul3A_540, %add3A_572 : i32
        %swap3A_574 = arith.index_cast %add3A_573 : i32 to index
        %swap3A_575 = arith.constant 16 : index
        %swap3A_576 = tpu.vector_load %arg12[%swap3A_574, %swap3A_575] {strides = array<i32>} : memref<512x32xf32, #tpu.memory_space<vmem>>, vector<1x16xf32>,
        %swap3A_577 = vector.shape_cast %swap3A_576 : vector<1x16xf32> to vector<16xf32>
        %swap3A_578 = vector.shape_cast %add3A_571 : vector<16xf32> to vector<1x16xf32>
        tpu.vector_store %arg12[%swap3A_574, %swap3A_575], %swap3A_578 {strides = array<i32>} : memref<512x32xf32, #tpu.memory_space<vmem>>, vector<1x16xf32>,
        %add3A_579 = arith.constant 1 : i32
        %add3A_580 = arith.addi %mul3A_540, %add3A_579 : i32
        %get3A_581 = arith.index_cast %add3A_580 : i32 to index
        %get3A_582 = arith.constant 0 : index
        %get3A_583 = tpu.vector_load %arg8[%get3A_581, %get3A_582] {strides = array<i32>} : memref<512x32xf32, #tpu.memory_space<vmem>>, vector<1x16xf32>,
        %get3A_584 = vector.shape_cast %get3A_583 : vector<1x16xf32> to vector<16xf32>
        %add3A_585 = arith.constant 1 : i32
        %add3A_586 = arith.addi %mul3A_540, %add3A_585 : i32
        %get3A_587 = arith.index_cast %add3A_586 : i32 to index
        %get3A_588 = arith.constant 0 : index
        %get3A_589 = tpu.vector_load %arg11[%get3A_587, %get3A_588] {strides = array<i32>} : memref<512x32xf32, #tpu.memory_space<vmem>>, vector<1x16xf32>,
        %get3A_590 = vector.shape_cast %get3A_589 : vector<1x16xf32> to vector<16xf32>
        %add3A_591 = arith.addf %get3A_584, %get3A_590 : vector<16xf32>
        %add3A_592 = arith.constant 1 : i32
        %add3A_593 = arith.addi %mul3A_540, %add3A_592 : i32
        %swap3A_594 = arith.index_cast %add3A_593 : i32 to index
        %swap3A_595 = arith.constant 0 : index
        %swap3A_596 = tpu.vector_load %arg12[%swap3A_594, %swap3A_595] {strides = array<i32>} : memref<512x32xf32, #tpu.memory_space<vmem>>, vector<1x16xf32>,
        %swap3A_597 = vector.shape_cast %swap3A_596 : vector<1x16xf32> to vector<16xf32>
        %swap3A_598 = vector.shape_cast %add3A_591 : vector<16xf32> to vector<1x16xf32>
        tpu.vector_store %arg12[%swap3A_594, %swap3A_595], %swap3A_598 {strides = array<i32>} : memref<512x32xf32, #tpu.memory_space<vmem>>, vector<1x16xf32>,
        %add3A_599 = arith.constant 1 : i32
        %add3A_600 = arith.addi %mul3A_540, %add3A_599 : i32
        %get3A_601 = arith.index_cast %add3A_600 : i32 to index
        %get3A_602 = arith.constant 16 : index
        %get3A_603 = tpu.vector_load %arg8[%get3A_601, %get3A_602] {strides = array<i32>} : memref<512x32xf32, #tpu.memory_space<vmem>>, vector<1x16xf32>,
        %get3A_604 = vector.shape_cast %get3A_603 : vector<1x16xf32> to vector<16xf32>
        %add3A_605 = arith.constant 1 : i32
        %add3A_606 = arith.addi %mul3A_540, %add3A_605 : i32
        %get3A_607 = arith.index_cast %add3A_606 : i32 to index
        %get3A_608 = arith.constant 16 : index
        %get3A_609 = tpu.vector_load %arg11[%get3A_607, %get3A_608] {strides = array<i32>} : memref<512x32xf32, #tpu.memory_space<vmem>>, vector<1x16xf32>,
        %get3A_610 = vector.shape_cast %get3A_609 : vector<1x16xf32> to vector<16xf32>
        %add3A_611 = arith.addf %get3A_604, %get3A_610 : vector<16xf32>
        %add3A_612 = arith.constant 1 : i32
        %add3A_613 = arith.addi %mul3A_540, %add3A_612 : i32
        %swap3A_614 = arith.index_cast %add3A_613 : i32 to index
        %swap3A_615 = arith.constant 16 : index
        %swap3A_616 = tpu.vector_load %arg12[%swap3A_614, %swap3A_615] {strides = array<i32>} : memref<512x32xf32, #tpu.memory_space<vmem>>, vector<1x16xf32>,
        %swap3A_617 = vector.shape_cast %swap3A_616 : vector<1x16xf32> to vector<16xf32>
        %swap3A_618 = vector.shape_cast %add3A_611 : vector<16xf32> to vector<1x16xf32>
        tpu.vector_store %arg12[%swap3A_614, %swap3A_615], %swap3A_618 {strides = array<i32>} : memref<512x32xf32, #tpu.memory_space<vmem>>, vector<1x16xf32>,
        %add3A_619 = arith.constant 2 : i32
        %add3A_620 = arith.addi %mul3A_540, %add3A_619 : i32
        %get3A_621 = arith.index_cast %add3A_620 : i32 to index
        %get3A_622 = arith.constant 0 : index
        %get3A_623 = tpu.vector_load %arg8[%get3A_621, %get3A_622] {strides = array<i32>} : memref<512x32xf32, #tpu.memory_space<vmem>>, vector<1x16xf32>,
        %get3A_624 = vector.shape_cast %get3A_623 : vector<1x16xf32> to vector<16xf32>
        %add3A_625 = arith.constant 2 : i32
        %add3A_626 = arith.addi %mul3A_540, %add3A_625 : i32
        %get3A_627 = arith.index_cast %add3A_626 : i32 to index
        %get3A_628 = arith.constant 0 : index
        %get3A_629 = tpu.vector_load %arg11[%get3A_627, %get3A_628] {strides = array<i32>} : memref<512x32xf32, #tpu.memory_space<vmem>>, vector<1x16xf32>,
        %get3A_630 = vector.shape_cast %get3A_629 : vector<1x16xf32> to vector<16xf32>
        %add3A_631 = arith.addf %get3A_624, %get3A_630 : vector<16xf32>
        %add3A_632 = arith.constant 2 : i32
        %add3A_633 = arith.addi %mul3A_540, %add3A_632 : i32
        %swap3A_634 = arith.index_cast %add3A_633 : i32 to index
        %swap3A_635 = arith.constant 0 : index
        %swap3A_636 = tpu.vector_load %arg12[%swap3A_634, %swap3A_635] {strides = array<i32>} : memref<512x32xf32, #tpu.memory_space<vmem>>, vector<1x16xf32>,
        %swap3A_637 = vector.shape_cast %swap3A_636 : vector<1x16xf32> to vector<16xf32>
        %swap3A_638 = vector.shape_cast %add3A_631 : vector<16xf32> to vector<1x16xf32>
        tpu.vector_store %arg12[%swap3A_634, %swap3A_635], %swap3A_638 {strides = array<i32>} : memref<512x32xf32, #tpu.memory_space<vmem>>, vector<1x16xf32>,
        %add3A_639 = arith.constant 2 : i32
        %add3A_640 = arith.addi %mul3A_540, %add3A_639 : i32
        %get3A_641 = arith.index_cast %add3A_640 : i32 to index
        %get3A_642 = arith.constant 16 : index
        %get3A_643 = tpu.vector_load %arg8[%get3A_641, %get3A_642] {strides = array<i32>} : memref<512x32xf32, #tpu.memory_space<vmem>>, vector<1x16xf32>,
        %get3A_644 = vector.shape_cast %get3A_643 : vector<1x16xf32> to vector<16xf32>
        %add3A_645 = arith.constant 2 : i32
        %add3A_646 = arith.addi %mul3A_540, %add3A_645 : i32
        %get3A_647 = arith.index_cast %add3A_646 : i32 to index
        %get3A_648 = arith.constant 16 : index
        %get3A_649 = tpu.vector_load %arg11[%get3A_647, %get3A_648] {strides = array<i32>} : memref<512x32xf32, #tpu.memory_space<vmem>>, vector<1x16xf32>,
        %get3A_650 = vector.shape_cast %get3A_649 : vector<1x16xf32> to vector<16xf32>
        %add3A_651 = arith.addf %get3A_644, %get3A_650 : vector<16xf32>
        %add3A_652 = arith.constant 2 : i32
        %add3A_653 = arith.addi %mul3A_540, %add3A_652 : i32
        %swap3A_654 = arith.index_cast %add3A_653 : i32 to index
        %swap3A_655 = arith.constant 16 : index
        %swap3A_656 = tpu.vector_load %arg12[%swap3A_654, %swap3A_655] {strides = array<i32>} : memref<512x32xf32, #tpu.memory_space<vmem>>, vector<1x16xf32>,
        %swap3A_657 = vector.shape_cast %swap3A_656 : vector<1x16xf32> to vector<16xf32>
        %swap3A_658 = vector.shape_cast %add3A_651 : vector<16xf32> to vector<1x16xf32>
        tpu.vector_store %arg12[%swap3A_654, %swap3A_655], %swap3A_658 {strides = array<i32>} : memref<512x32xf32, #tpu.memory_space<vmem>>, vector<1x16xf32>,
        %add3A_659 = arith.constant 3 : i32
        %add3A_660 = arith.addi %mul3A_540, %add3A_659 : i32
        %get3A_661 = arith.index_cast %add3A_660 : i32 to index
        %get3A_662 = arith.constant 0 : index
        %get3A_663 = tpu.vector_load %arg8[%get3A_661, %get3A_662] {strides = array<i32>} : memref<512x32xf32, #tpu.memory_space<vmem>>, vector<1x16xf32>,
        %get3A_664 = vector.shape_cast %get3A_663 : vector<1x16xf32> to vector<16xf32>
        %add3A_665 = arith.constant 3 : i32
        %add3A_666 = arith.addi %mul3A_540, %add3A_665 : i32
        %get3A_667 = arith.index_cast %add3A_666 : i32 to index
        %get3A_668 = arith.constant 0 : index
        %get3A_669 = tpu.vector_load %arg11[%get3A_667, %get3A_668] {strides = array<i32>} : memref<512x32xf32, #tpu.memory_space<vmem>>, vector<1x16xf32>,
        %get3A_670 = vector.shape_cast %get3A_669 : vector<1x16xf32> to vector<16xf32>
        %add3A_671 = arith.addf %get3A_664, %get3A_670 : vector<16xf32>
        %add3A_672 = arith.constant 3 : i32
        %add3A_673 = arith.addi %mul3A_540, %add3A_672 : i32
        %swap3A_674 = arith.index_cast %add3A_673 : i32 to index
        %swap3A_675 = arith.constant 0 : index
        %swap3A_676 = tpu.vector_load %arg12[%swap3A_674, %swap3A_675] {strides = array<i32>} : memref<512x32xf32, #tpu.memory_space<vmem>>, vector<1x16xf32>,
        %swap3A_677 = vector.shape_cast %swap3A_676 : vector<1x16xf32> to vector<16xf32>
        %swap3A_678 = vector.shape_cast %add3A_671 : vector<16xf32> to vector<1x16xf32>
        tpu.vector_store %arg12[%swap3A_674, %swap3A_675], %swap3A_678 {strides = array<i32>} : memref<512x32xf32, #tpu.memory_space<vmem>>, vector<1x16xf32>,
        %add3A_679 = arith.constant 3 : i32
        %add3A_680 = arith.addi %mul3A_540, %add3A_679 : i32
        %get3A_681 = arith.index_cast %add3A_680 : i32 to index
        %get3A_682 = arith.constant 16 : index
        %get3A_683 = tpu.vector_load %arg8[%get3A_681, %get3A_682] {strides = array<i32>} : memref<512x32xf32, #tpu.memory_space<vmem>>, vector<1x16xf32>,
        %get3A_684 = vector.shape_cast %get3A_683 : vector<1x16xf32> to vector<16xf32>
        %add3A_685 = arith.constant 3 : i32
        %add3A_686 = arith.addi %mul3A_540, %add3A_685 : i32
        %get3A_687 = arith.index_cast %add3A_686 : i32 to index
        %get3A_688 = arith.constant 16 : index
        %get3A_689 = tpu.vector_load %arg11[%get3A_687, %get3A_688] {strides = array<i32>} : memref<512x32xf32, #tpu.memory_space<vmem>>, vector<1x16xf32>,
        %get3A_690 = vector.shape_cast %get3A_689 : vector<1x16xf32> to vector<16xf32>
        %add3A_691 = arith.addf %get3A_684, %get3A_690 : vector<16xf32>
        %add3A_692 = arith.constant 3 : i32
        %add3A_693 = arith.addi %mul3A_540, %add3A_692 : i32
        %swap3A_694 = arith.index_cast %add3A_693 : i32 to index
        %swap3A_695 = arith.constant 16 : index
        %swap3A_696 = tpu.vector_load %arg12[%swap3A_694, %swap3A_695] {strides = array<i32>} : memref<512x32xf32, #tpu.memory_space<vmem>>, vector<1x16xf32>,
        %swap3A_697 = vector.shape_cast %swap3A_696 : vector<1x16xf32> to vector<16xf32>
        %swap3A_698 = vector.shape_cast %add3A_691 : vector<16xf32> to vector<1x16xf32>
        tpu.vector_store %arg12[%swap3A_694, %swap3A_695], %swap3A_698 {strides = array<i32>} : memref<512x32xf32, #tpu.memory_space<vmem>>, vector<1x16xf32>,
        %add3A_699 = arith.constant 4 : i32
        %add3A_700 = arith.addi %mul3A_540, %add3A_699 : i32
        %get3A_701 = arith.index_cast %add3A_700 : i32 to index
        %get3A_702 = arith.constant 0 : index
        %get3A_703 = tpu.vector_load %arg8[%get3A_701, %get3A_702] {strides = array<i32>} : memref<512x32xf32, #tpu.memory_space<vmem>>, vector<1x16xf32>,
        %get3A_704 = vector.shape_cast %get3A_703 : vector<1x16xf32> to vector<16xf32>
        %add3A_705 = arith.constant 4 : i32
        %add3A_706 = arith.addi %mul3A_540, %add3A_705 : i32
        %get3A_707 = arith.index_cast %add3A_706 : i32 to index
        %get3A_708 = arith.constant 0 : index
        %get3A_709 = tpu.vector_load %arg11[%get3A_707, %get3A_708] {strides = array<i32>} : memref<512x32xf32, #tpu.memory_space<vmem>>, vector<1x16xf32>,
        %get3A_710 = vector.shape_cast %get3A_709 : vector<1x16xf32> to vector<16xf32>
        %add3A_711 = arith.addf %get3A_704, %get3A_710 : vector<16xf32>
        %add3A_712 = arith.constant 4 : i32
        %add3A_713 = arith.addi %mul3A_540, %add3A_712 : i32
        %swap3A_714 = arith.index_cast %add3A_713 : i32 to index
        %swap3A_715 = arith.constant 0 : index
        %swap3A_716 = tpu.vector_load %arg12[%swap3A_714, %swap3A_715] {strides = array<i32>} : memref<512x32xf32, #tpu.memory_space<vmem>>, vector<1x16xf32>,
        %swap3A_717 = vector.shape_cast %swap3A_716 : vector<1x16xf32> to vector<16xf32>
        %swap3A_718 = vector.shape_cast %add3A_711 : vector<16xf32> to vector<1x16xf32>
        tpu.vector_store %arg12[%swap3A_714, %swap3A_715], %swap3A_718 {strides = array<i32>} : memref<512x32xf32, #tpu.memory_space<vmem>>, vector<1x16xf32>,
        %add3A_719 = arith.constant 4 : i32
        %add3A_720 = arith.addi %mul3A_540, %add3A_719 : i32
        %get3A_721 = arith.index_cast %add3A_720 : i32 to index
        %get3A_722 = arith.constant 16 : index
        %get3A_723 = tpu.vector_load %arg8[%get3A_721, %get3A_722] {strides = array<i32>} : memref<512x32xf32, #tpu.memory_space<vmem>>, vector<1x16xf32>,
        %get3A_724 = vector.shape_cast %get3A_723 : vector<1x16xf32> to vector<16xf32>
        %add3A_725 = arith.constant 4 : i32
        %add3A_726 = arith.addi %mul3A_540, %add3A_725 : i32
        %get3A_727 = arith.index_cast %add3A_726 : i32 to index
        %get3A_728 = arith.constant 16 : index
        %get3A_729 = tpu.vector_load %arg11[%get3A_727, %get3A_728] {strides = array<i32>} : memref<512x32xf32, #tpu.memory_space<vmem>>, vector<1x16xf32>,
        %get3A_730 = vector.shape_cast %get3A_729 : vector<1x16xf32> to vector<16xf32>
        %add3A_731 = arith.addf %get3A_724, %get3A_730 : vector<16xf32>
        %add3A_732 = arith.constant 4 : i32
        %add3A_733 = arith.addi %mul3A_540, %add3A_732 : i32
        %swap3A_734 = arith.index_cast %add3A_733 : i32 to index
        %swap3A_735 = arith.constant 16 : index
        %swap3A_736 = tpu.vector_load %arg12[%swap3A_734, %swap3A_735] {strides = array<i32>} : memref<512x32xf32, #tpu.memory_space<vmem>>, vector<1x16xf32>,
        %swap3A_737 = vector.shape_cast %swap3A_736 : vector<1x16xf32> to vector<16xf32>
        %swap3A_738 = vector.shape_cast %add3A_731 : vector<16xf32> to vector<1x16xf32>
        tpu.vector_store %arg12[%swap3A_734, %swap3A_735], %swap3A_738 {strides = array<i32>} : memref<512x32xf32, #tpu.memory_space<vmem>>, vector<1x16xf32>,
        %add3A_739 = arith.constant 5 : i32
        %add3A_740 = arith.addi %mul3A_540, %add3A_739 : i32
        %get3A_741 = arith.index_cast %add3A_740 : i32 to index
        %get3A_742 = arith.constant 0 : index
        %get3A_743 = tpu.vector_load %arg8[%get3A_741, %get3A_742] {strides = array<i32>} : memref<512x32xf32, #tpu.memory_space<vmem>>, vector<1x16xf32>,
        %get3A_744 = vector.shape_cast %get3A_743 : vector<1x16xf32> to vector<16xf32>
        %add3A_745 = arith.constant 5 : i32
        %add3A_746 = arith.addi %mul3A_540, %add3A_745 : i32
        %get3A_747 = arith.index_cast %add3A_746 : i32 to index
        %get3A_748 = arith.constant 0 : index
        %get3A_749 = tpu.vector_load %arg11[%get3A_747, %get3A_748] {strides = array<i32>} : memref<512x32xf32, #tpu.memory_space<vmem>>, vector<1x16xf32>,
        %get3A_750 = vector.shape_cast %get3A_749 : vector<1x16xf32> to vector<16xf32>
        %add3A_751 = arith.addf %get3A_744, %get3A_750 : vector<16xf32>
        %add3A_752 = arith.constant 5 : i32
        %add3A_753 = arith.addi %mul3A_540, %add3A_752 : i32
        %swap3A_754 = arith.index_cast %add3A_753 : i32 to index
        %swap3A_755 = arith.constant 0 : index
        %swap3A_756 = tpu.vector_load %arg12[%swap3A_754, %swap3A_755] {strides = array<i32>} : memref<512x32xf32, #tpu.memory_space<vmem>>, vector<1x16xf32>,
        %swap3A_757 = vector.shape_cast %swap3A_756 : vector<1x16xf32> to vector<16xf32>
        %swap3A_758 = vector.shape_cast %add3A_751 : vector<16xf32> to vector<1x16xf32>
        tpu.vector_store %arg12[%swap3A_754, %swap3A_755], %swap3A_758 {strides = array<i32>} : memref<512x32xf32, #tpu.memory_space<vmem>>, vector<1x16xf32>,
        %add3A_759 = arith.constant 5 : i32
        %add3A_760 = arith.addi %mul3A_540, %add3A_759 : i32
        %get3A_761 = arith.index_cast %add3A_760 : i32 to index
        %get3A_762 = arith.constant 16 : index
        %get3A_763 = tpu.vector_load %arg8[%get3A_761, %get3A_762] {strides = array<i32>} : memref<512x32xf32, #tpu.memory_space<vmem>>, vector<1x16xf32>,
        %get3A_764 = vector.shape_cast %get3A_763 : vector<1x16xf32> to vector<16xf32>
        %add3A_765 = arith.constant 5 : i32
        %add3A_766 = arith.addi %mul3A_540, %add3A_765 : i32
        %get3A_767 = arith.index_cast %add3A_766 : i32 to index
        %get3A_768 = arith.constant 16 : index
        %get3A_769 = tpu.vector_load %arg11[%get3A_767, %get3A_768] {strides = array<i32>} : memref<512x32xf32, #tpu.memory_space<vmem>>, vector<1x16xf32>,
        %get3A_770 = vector.shape_cast %get3A_769 : vector<1x16xf32> to vector<16xf32>
        %add3A_771 = arith.addf %get3A_764, %get3A_770 : vector<16xf32>
        %add3A_772 = arith.constant 5 : i32
        %add3A_773 = arith.addi %mul3A_540, %add3A_772 : i32
        %swap3A_774 = arith.index_cast %add3A_773 : i32 to index
        %swap3A_775 = arith.constant 16 : index
        %swap3A_776 = tpu.vector_load %arg12[%swap3A_774, %swap3A_775] {strides = array<i32>} : memref<512x32xf32, #tpu.memory_space<vmem>>, vector<1x16xf32>,
        %swap3A_777 = vector.shape_cast %swap3A_776 : vector<1x16xf32> to vector<16xf32>
        %swap3A_778 = vector.shape_cast %add3A_771 : vector<16xf32> to vector<1x16xf32>
        tpu.vector_store %arg12[%swap3A_774, %swap3A_775], %swap3A_778 {strides = array<i32>} : memref<512x32xf32, #tpu.memory_space<vmem>>, vector<1x16xf32>,
        %add3A_779 = arith.constant 6 : i32
        %add3A_780 = arith.addi %mul3A_540, %add3A_779 : i32
        %get3A_781 = arith.index_cast %add3A_780 : i32 to index
        %get3A_782 = arith.constant 0 : index
        %get3A_783 = tpu.vector_load %arg8[%get3A_781, %get3A_782] {strides = array<i32>} : memref<512x32xf32, #tpu.memory_space<vmem>>, vector<1x16xf32>,
        %get3A_784 = vector.shape_cast %get3A_783 : vector<1x16xf32> to vector<16xf32>
        %add3A_785 = arith.constant 6 : i32
        %add3A_786 = arith.addi %mul3A_540, %add3A_785 : i32
        %get3A_787 = arith.index_cast %add3A_786 : i32 to index
        %get3A_788 = arith.constant 0 : index
        %get3A_789 = tpu.vector_load %arg11[%get3A_787, %get3A_788] {strides = array<i32>} : memref<512x32xf32, #tpu.memory_space<vmem>>, vector<1x16xf32>,
        %get3A_790 = vector.shape_cast %get3A_789 : vector<1x16xf32> to vector<16xf32>
        %add3A_791 = arith.addf %get3A_784, %get3A_790 : vector<16xf32>
        %add3A_792 = arith.constant 6 : i32
        %add3A_793 = arith.addi %mul3A_540, %add3A_792 : i32
        %swap3A_794 = arith.index_cast %add3A_793 : i32 to index
        %swap3A_795 = arith.constant 0 : index
        %swap3A_796 = tpu.vector_load %arg12[%swap3A_794, %swap3A_795] {strides = array<i32>} : memref<512x32xf32, #tpu.memory_space<vmem>>, vector<1x16xf32>,
        %swap3A_797 = vector.shape_cast %swap3A_796 : vector<1x16xf32> to vector<16xf32>
        %swap3A_798 = vector.shape_cast %add3A_791 : vector<16xf32> to vector<1x16xf32>
        tpu.vector_store %arg12[%swap3A_794, %swap3A_795], %swap3A_798 {strides = array<i32>} : memref<512x32xf32, #tpu.memory_space<vmem>>, vector<1x16xf32>,
        %add3A_799 = arith.constant 6 : i32
        %add3A_800 = arith.addi %mul3A_540, %add3A_799 : i32
        %get3A_801 = arith.index_cast %add3A_800 : i32 to index
        %get3A_802 = arith.constant 16 : index
        %get3A_803 = tpu.vector_load %arg8[%get3A_801, %get3A_802] {strides = array<i32>} : memref<512x32xf32, #tpu.memory_space<vmem>>, vector<1x16xf32>,
        %get3A_804 = vector.shape_cast %get3A_803 : vector<1x16xf32> to vector<16xf32>
        %add3A_805 = arith.constant 6 : i32
        %add3A_806 = arith.addi %mul3A_540, %add3A_805 : i32
        %get3A_807 = arith.index_cast %add3A_806 : i32 to index
        %get3A_808 = arith.constant 16 : index
        %get3A_809 = tpu.vector_load %arg11[%get3A_807, %get3A_808] {strides = array<i32>} : memref<512x32xf32, #tpu.memory_space<vmem>>, vector<1x16xf32>,
        %get3A_810 = vector.shape_cast %get3A_809 : vector<1x16xf32> to vector<16xf32>
        %add3A_811 = arith.addf %get3A_804, %get3A_810 : vector<16xf32>
        %add3A_812 = arith.constant 6 : i32
        %add3A_813 = arith.addi %mul3A_540, %add3A_812 : i32
        %swap3A_814 = arith.index_cast %add3A_813 : i32 to index
        %swap3A_815 = arith.constant 16 : index
        %swap3A_816 = tpu.vector_load %arg12[%swap3A_814, %swap3A_815] {strides = array<i32>} : memref<512x32xf32, #tpu.memory_space<vmem>>, vector<1x16xf32>,
        %swap3A_817 = vector.shape_cast %swap3A_816 : vector<1x16xf32> to vector<16xf32>
        %swap3A_818 = vector.shape_cast %add3A_811 : vector<16xf32> to vector<1x16xf32>
        tpu.vector_store %arg12[%swap3A_814, %swap3A_815], %swap3A_818 {strides = array<i32>} : memref<512x32xf32, #tpu.memory_space<vmem>>, vector<1x16xf32>,
        %add3A_819 = arith.constant 7 : i32
        %add3A_820 = arith.addi %mul3A_540, %add3A_819 : i32
        %get3A_821 = arith.index_cast %add3A_820 : i32 to index
        %get3A_822 = arith.constant 0 : index
        %get3A_823 = tpu.vector_load %arg8[%get3A_821, %get3A_822] {strides = array<i32>} : memref<512x32xf32, #tpu.memory_space<vmem>>, vector<1x16xf32>,
        %get3A_824 = vector.shape_cast %get3A_823 : vector<1x16xf32> to vector<16xf32>
        %add3A_825 = arith.constant 7 : i32
        %add3A_826 = arith.addi %mul3A_540, %add3A_825 : i32
        %get3A_827 = arith.index_cast %add3A_826 : i32 to index
        %get3A_828 = arith.constant 0 : index
        %get3A_829 = tpu.vector_load %arg11[%get3A_827, %get3A_828] {strides = array<i32>} : memref<512x32xf32, #tpu.memory_space<vmem>>, vector<1x16xf32>,
        %get3A_830 = vector.shape_cast %get3A_829 : vector<1x16xf32> to vector<16xf32>
        %add3A_831 = arith.addf %get3A_824, %get3A_830 : vector<16xf32>
        %add3A_832 = arith.constant 7 : i32
        %add3A_833 = arith.addi %mul3A_540, %add3A_832 : i32
        %swap3A_834 = arith.index_cast %add3A_833 : i32 to index
        %swap3A_835 = arith.constant 0 : index
        %swap3A_836 = tpu.vector_load %arg12[%swap3A_834, %swap3A_835] {strides = array<i32>} : memref<512x32xf32, #tpu.memory_space<vmem>>, vector<1x16xf32>,
        %swap3A_837 = vector.shape_cast %swap3A_836 : vector<1x16xf32> to vector<16xf32>
        %swap3A_838 = vector.shape_cast %add3A_831 : vector<16xf32> to vector<1x16xf32>
        tpu.vector_store %arg12[%swap3A_834, %swap3A_835], %swap3A_838 {strides = array<i32>} : memref<512x32xf32, #tpu.memory_space<vmem>>, vector<1x16xf32>,
        %add3A_839 = arith.constant 7 : i32
        %add3A_840 = arith.addi %mul3A_540, %add3A_839 : i32
        %get3A_841 = arith.index_cast %add3A_840 : i32 to index
        %get3A_842 = arith.constant 16 : index
        %get3A_843 = tpu.vector_load %arg8[%get3A_841, %get3A_842] {strides = array<i32>} : memref<512x32xf32, #tpu.memory_space<vmem>>, vector<1x16xf32>,
        %get3A_844 = vector.shape_cast %get3A_843 : vector<1x16xf32> to vector<16xf32>
        %add3A_845 = arith.constant 7 : i32
        %add3A_846 = arith.addi %mul3A_540, %add3A_845 : i32
        %get3A_847 = arith.index_cast %add3A_846 : i32 to index
        %get3A_848 = arith.constant 16 : index
        %get3A_849 = tpu.vector_load %arg11[%get3A_847, %get3A_848] {strides = array<i32>} : memref<512x32xf32, #tpu.memory_space<vmem>>, vector<1x16xf32>,
        %get3A_850 = vector.shape_cast %get3A_849 : vector<1x16xf32> to vector<16xf32>
        %add3A_851 = arith.addf %get3A_844, %get3A_850 : vector<16xf32>
        %add3A_852 = arith.constant 7 : i32
        %add3A_853 = arith.addi %mul3A_540, %add3A_852 : i32
        %swap3A_854 = arith.index_cast %add3A_853 : i32 to index
        %swap3A_855 = arith.constant 16 : index
        %swap3A_856 = tpu.vector_load %arg12[%swap3A_854, %swap3A_855] {strides = array<i32>} : memref<512x32xf32, #tpu.memory_space<vmem>>, vector<1x16xf32>,
        %swap3A_857 = vector.shape_cast %swap3A_856 : vector<1x16xf32> to vector<16xf32>
        %swap3A_858 = vector.shape_cast %add3A_851 : vector<16xf32> to vector<1x16xf32>
        tpu.vector_store %arg12[%swap3A_854, %swap3A_855], %swap3A_858 {strides = array<i32>} : memref<512x32xf32, #tpu.memory_space<vmem>>, vector<1x16xf32>,
      }
      %scan3A_302 = arith.constant 64 : i32
      %add3A_303 = arith.addi %mul3A_2, %add3A_283 : i32
      %mul3A_304 = arith.constant 512 : i32
      %mul3A_305 = arith.muli %add3A_303, %mul3A_304 : i32
      %dma_start3A_306 = arith.constant 0 : i32
      %dma_start3A_307 = tpu.memref_slice %arg5[%mul3A_305, %dma_start3A_306] : memref<524288x32xf32, #tpu.memory_space<hbm>> -> memref<512x32xf32, #tpu.memory_space<hbm>>
      %dma_start3A_308 = arith.constant 0 : i32
      %dma_start3A_309 = tpu.memref_slice %arg5[%mul3A_305, %dma_start3A_308] : memref<524288x32xf32, #tpu.memory_space<hbm>> -> memref<512x32xf32, #tpu.memory_space<hbm>>
      tpu.enqueue_dma source(%arg12 : memref<512x32xf32, #tpu.memory_space<vmem>>) target(%dma_start3A_309 : memref<512x32xf32, #tpu.memory_space<hbm>>) target_semaphore(%arg17 : memref<!tpu.dma_semaphore, #tpu.memory_space<semaphore_mem>>)
      %add3A_310 = arith.constant 4 : i32
      %add3A_311 = arith.addi %add3A_283, %add3A_310 : i32
      %rem3A_312 = arith.constant 32 : i32
      %rem3A_313 = arith.remsi %add3A_311, %rem3A_312 : i32
      %mul3A_314 = arith.constant 4 : i32
      %mul3A_315 = arith.muli %rem3A_313, %mul3A_314 : i32
      %add3A_316 = arith.constant 0 : i32
      %add3A_317 = arith.addi %mul3A_315, %add3A_316 : i32
      %dma_start3A_318 = arith.constant 0 : i32
      %dma_start3A_319 = arith.constant 0 : i32
      %dma_start3A_320 = tpu.memref_slice %arg8[%dma_start3A_318, %dma_start3A_319] : memref<512x32xf32, #tpu.memory_space<vmem>> -> memref<128x32xf32, #tpu.memory_space<vmem>>
      %dma_start3A_321 = arith.constant 0 : i32
      %dma_start3A_322 = tpu.memref_slice %arg6[%add3A_317, %dma_start3A_321] : memref<128x128xi32, #tpu.memory_space<vmem>> -> memref<1x128xi32, #tpu.memory_space<vmem>>
      %dma_start3A_323 = tpu.memref_squeeze %dma_start3A_322 : memref<1x128xi32, #tpu.memory_space<vmem>> -> memref<128xi32, #tpu.memory_space<vmem>>
      %dma_start3A_324 = arith.constant 0 : i32
      %dma_start3A_325 = arith.constant 0 : i32
      %dma_start3A_326 = tpu.memref_slice %arg3[%dma_start3A_324, %dma_start3A_325] : memref<1000000x32xf32, #tpu.memory_space<hbm>> -> memref<1000000x32xf32, #tpu.memory_space<hbm>>
      tpu.enqueue_indirect_dma source(%dma_start3A_326 : memref<1000000x32xf32, #tpu.memory_space<hbm>>) target(%dma_start3A_320 : memref<128x32xf32, #tpu.memory_space<vmem>>) offsets(%dma_start3A_323 : memref<128xi32, #tpu.memory_space<vmem>>) semaphore(%arg14 : memref<!tpu.dma_semaphore, #tpu.memory_space<semaphore_mem>>)
      %mul3A_327 = arith.constant 4 : i32
      %mul3A_328 = arith.muli %rem3A_313, %mul3A_327 : i32
      %add3A_329 = arith.constant 1 : i32
      %add3A_330 = arith.addi %mul3A_328, %add3A_329 : i32
      %dma_start3A_331 = arith.constant 128 : i32
      %dma_start3A_332 = arith.constant 0 : i32
      %dma_start3A_333 = tpu.memref_slice %arg8[%dma_start3A_331, %dma_start3A_332] : memref<512x32xf32, #tpu.memory_space<vmem>> -> memref<128x32xf32, #tpu.memory_space<vmem>>
      %dma_start3A_334 = arith.constant 0 : i32
      %dma_start3A_335 = tpu.memref_slice %arg6[%add3A_330, %dma_start3A_334] : memref<128x128xi32, #tpu.memory_space<vmem>> -> memref<1x128xi32, #tpu.memory_space<vmem>>
      %dma_start3A_336 = tpu.memref_squeeze %dma_start3A_335 : memref<1x128xi32, #tpu.memory_space<vmem>> -> memref<128xi32, #tpu.memory_space<vmem>>
      %dma_start3A_337 = arith.constant 0 : i32
      %dma_start3A_338 = arith.constant 0 : i32
      %dma_start3A_339 = tpu.memref_slice %arg3[%dma_start3A_337, %dma_start3A_338] : memref<1000000x32xf32, #tpu.memory_space<hbm>> -> memref<1000000x32xf32, #tpu.memory_space<hbm>>
      tpu.enqueue_indirect_dma source(%dma_start3A_339 : memref<1000000x32xf32, #tpu.memory_space<hbm>>) target(%dma_start3A_333 : memref<128x32xf32, #tpu.memory_space<vmem>>) offsets(%dma_start3A_336 : memref<128xi32, #tpu.memory_space<vmem>>) semaphore(%arg14 : memref<!tpu.dma_semaphore, #tpu.memory_space<semaphore_mem>>)
      %mul3A_340 = arith.constant 4 : i32
      %mul3A_341 = arith.muli %rem3A_313, %mul3A_340 : i32
      %add3A_342 = arith.constant 2 : i32
      %add3A_343 = arith.addi %mul3A_341, %add3A_342 : i32
      %dma_start3A_344 = arith.constant 256 : i32
      %dma_start3A_345 = arith.constant 0 : i32
      %dma_start3A_346 = tpu.memref_slice %arg8[%dma_start3A_344, %dma_start3A_345] : memref<512x32xf32, #tpu.memory_space<vmem>> -> memref<128x32xf32, #tpu.memory_space<vmem>>
      %dma_start3A_347 = arith.constant 0 : i32
      %dma_start3A_348 = tpu.memref_slice %arg6[%add3A_343, %dma_start3A_347] : memref<128x128xi32, #tpu.memory_space<vmem>> -> memref<1x128xi32, #tpu.memory_space<vmem>>
      %dma_start3A_349 = tpu.memref_squeeze %dma_start3A_348 : memref<1x128xi32, #tpu.memory_space<vmem>> -> memref<128xi32, #tpu.memory_space<vmem>>
      %dma_start3A_350 = arith.constant 0 : i32
      %dma_start3A_351 = arith.constant 0 : i32
      %dma_start3A_352 = tpu.memref_slice %arg3[%dma_start3A_350, %dma_start3A_351] : memref<1000000x32xf32, #tpu.memory_space<hbm>> -> memref<1000000x32xf32, #tpu.memory_space<hbm>>
      tpu.enqueue_indirect_dma source(%dma_start3A_352 : memref<1000000x32xf32, #tpu.memory_space<hbm>>) target(%dma_start3A_346 : memref<128x32xf32, #tpu.memory_space<vmem>>) offsets(%dma_start3A_349 : memref<128xi32, #tpu.memory_space<vmem>>) semaphore(%arg14 : memref<!tpu.dma_semaphore, #tpu.memory_space<semaphore_mem>>)
      %mul3A_353 = arith.constant 4 : i32
      %mul3A_354 = arith.muli %rem3A_313, %mul3A_353 : i32
      %add3A_355 = arith.constant 3 : i32
      %add3A_356 = arith.addi %mul3A_354, %add3A_355 : i32
      %dma_start3A_357 = arith.constant 384 : i32
      %dma_start3A_358 = arith.constant 0 : i32
      %dma_start3A_359 = tpu.memref_slice %arg8[%dma_start3A_357, %dma_start3A_358] : memref<512x32xf32, #tpu.memory_space<vmem>> -> memref<128x32xf32, #tpu.memory_space<vmem>>
      %dma_start3A_360 = arith.constant 0 : i32
      %dma_start3A_361 = tpu.memref_slice %arg6[%add3A_356, %dma_start3A_360] : memref<128x128xi32, #tpu.memory_space<vmem>> -> memref<1x128xi32, #tpu.memory_space<vmem>>
      %dma_start3A_362 = tpu.memref_squeeze %dma_start3A_361 : memref<1x128xi32, #tpu.memory_space<vmem>> -> memref<128xi32, #tpu.memory_space<vmem>>
      %dma_start3A_363 = arith.constant 0 : i32
      %dma_start3A_364 = arith.constant 0 : i32
      %dma_start3A_365 = tpu.memref_slice %arg3[%dma_start3A_363, %dma_start3A_364] : memref<1000000x32xf32, #tpu.memory_space<hbm>> -> memref<1000000x32xf32, #tpu.memory_space<hbm>>
      tpu.enqueue_indirect_dma source(%dma_start3A_365 : memref<1000000x32xf32, #tpu.memory_space<hbm>>) target(%dma_start3A_359 : memref<128x32xf32, #tpu.memory_space<vmem>>) offsets(%dma_start3A_362 : memref<128xi32, #tpu.memory_space<vmem>>) semaphore(%arg14 : memref<!tpu.dma_semaphore, #tpu.memory_space<semaphore_mem>>)
      %mul3A_366 = arith.constant 4 : i32
      %mul3A_367 = arith.muli %scan3A_198, %mul3A_366 : i32
      %add3A_368 = arith.constant 2 : i32
      %add3A_369 = arith.addi %mul3A_367, %add3A_368 : i32
      %dma_wait3A_370 = arith.constant 0 : i32
      %dma_wait3A_371 = arith.constant 0 : i32
      %dma_wait3A_372 = tpu.memref_slice %arg3[%dma_wait3A_370, %dma_wait3A_371] : memref<1000000x32xf32, #tpu.memory_space<hbm>> -> memref<512x32xf32, #tpu.memory_space<hbm>>
      %dma_wait3A_373 = arith.constant 0 : i32
      %dma_wait3A_374 = arith.constant 0 : i32
      %dma_wait3A_375 = tpu.memref_slice %arg3[%dma_wait3A_373, %dma_wait3A_374] : memref<1000000x32xf32, #tpu.memory_space<hbm>> -> memref<512x32xf32, #tpu.memory_space<hbm>>
      tpu.wait_dma2 semaphore(%arg15 : memref<!tpu.dma_semaphore, #tpu.memory_space<semaphore_mem>>) src(%dma_wait3A_375 : memref<512x32xf32, #tpu.memory_space<hbm>>) dst(%arg9 : memref<512x32xf32, #tpu.memory_space<vmem>>)
      %gt3A_376 = arith.constant 0 : i32
      %gt3A_377 = arith.cmpi sgt, %scan3A_198, %gt3A_376 : i32
      %or3A_378 = arith.constant true
      %or3A_379 = arith.ori %gt3A_377, %or3A_378 : i1
      %convert_element_type3A_380 = arith.extui %or3A_379 : i1 to i32
      %cond3A_381 = arith.constant 0 : i32
      %cond3A_382 = arith.cmpi ne, %convert_element_type3A_380, %cond3A_381 : i32
      scf.if %cond3A_382 {
        %dma_wait3A_538 = arith.constant 0 : i32
        %dma_wait3A_539 = arith.constant 0 : i32
        %dma_wait3A_540 = tpu.memref_slice %arg3[%dma_wait3A_538, %dma_wait3A_539] : memref<1000000x32xf32, #tpu.memory_space<hbm>> -> memref<512x32xf32, #tpu.memory_space<hbm>>
        %dma_wait3A_541 = arith.constant 0 : i32
        %dma_wait3A_542 = arith.constant 0 : i32
        %dma_wait3A_543 = tpu.memref_slice %arg3[%dma_wait3A_541, %dma_wait3A_542] : memref<1000000x32xf32, #tpu.memory_space<hbm>> -> memref<512x32xf32, #tpu.memory_space<hbm>>
        tpu.wait_dma2 semaphore(%arg17 : memref<!tpu.dma_semaphore, #tpu.memory_space<semaphore_mem>>) src(%dma_wait3A_543 : memref<512x32xf32, #tpu.memory_space<hbm>>) dst(%arg12 : memref<512x32xf32, #tpu.memory_space<vmem>>)
      } else {
      }
      %scan3A_383 = arith.constant 0 : i32
      %scan3A_384 = arith.constant 0 : i32
      %scan3A_385 = arith.constant 64 : i32
      %scan3A_386 = arith.addi %scan3A_384, %scan3A_385 : i32
      %scan3A_387 = arith.constant 1 : i32
      scf.for %scan3A_538 = %scan3A_384 to %scan3A_386 step %scan3A_387  : i32 {
        %mul3A_539 = arith.constant 8 : i32
        %mul3A_540 = arith.muli %scan3A_538, %mul3A_539 : i32
        %add3A_541 = arith.constant 0 : i32
        %add3A_542 = arith.addi %mul3A_540, %add3A_541 : i32
        %get3A = arith.index_cast %add3A_542 : i32 to index
        %get3A_543 = arith.constant 0 : index
        %get3A_544 = tpu.vector_load %arg9[%get3A, %get3A_543] {strides = array<i32>} : memref<512x32xf32, #tpu.memory_space<vmem>>, vector<1x16xf32>,
        %get3A_545 = vector.shape_cast %get3A_544 : vector<1x16xf32> to vector<16xf32>
        %add3A_546 = arith.constant 0 : i32
        %add3A_547 = arith.addi %mul3A_540, %add3A_546 : i32
        %get3A_548 = arith.index_cast %add3A_547 : i32 to index
        %get3A_549 = arith.constant 0 : index
        %get3A_550 = tpu.vector_load %arg11[%get3A_548, %get3A_549] {strides = array<i32>} : memref<512x32xf32, #tpu.memory_space<vmem>>, vector<1x16xf32>,
        %get3A_551 = vector.shape_cast %get3A_550 : vector<1x16xf32> to vector<16xf32>
        %add3A_552 = arith.addf %get3A_545, %get3A_551 : vector<16xf32>
        %add3A_553 = arith.constant 0 : i32
        %add3A_554 = arith.addi %mul3A_540, %add3A_553 : i32
        %swap3A = arith.index_cast %add3A_554 : i32 to index
        %swap3A_555 = arith.constant 0 : index
        %swap3A_556 = tpu.vector_load %arg12[%swap3A, %swap3A_555] {strides = array<i32>} : memref<512x32xf32, #tpu.memory_space<vmem>>, vector<1x16xf32>,
        %swap3A_557 = vector.shape_cast %swap3A_556 : vector<1x16xf32> to vector<16xf32>
        %swap3A_558 = vector.shape_cast %add3A_552 : vector<16xf32> to vector<1x16xf32>
        tpu.vector_store %arg12[%swap3A, %swap3A_555], %swap3A_558 {strides = array<i32>} : memref<512x32xf32, #tpu.memory_space<vmem>>, vector<1x16xf32>,
        %add3A_559 = arith.constant 0 : i32
        %add3A_560 = arith.addi %mul3A_540, %add3A_559 : i32
        %get3A_561 = arith.index_cast %add3A_560 : i32 to index
        %get3A_562 = arith.constant 16 : index
        %get3A_563 = tpu.vector_load %arg9[%get3A_561, %get3A_562] {strides = array<i32>} : memref<512x32xf32, #tpu.memory_space<vmem>>, vector<1x16xf32>,
        %get3A_564 = vector.shape_cast %get3A_563 : vector<1x16xf32> to vector<16xf32>
        %add3A_565 = arith.constant 0 : i32
        %add3A_566 = arith.addi %mul3A_540, %add3A_565 : i32
        %get3A_567 = arith.index_cast %add3A_566 : i32 to index
        %get3A_568 = arith.constant 16 : index
        %get3A_569 = tpu.vector_load %arg11[%get3A_567, %get3A_568] {strides = array<i32>} : memref<512x32xf32, #tpu.memory_space<vmem>>, vector<1x16xf32>,
        %get3A_570 = vector.shape_cast %get3A_569 : vector<1x16xf32> to vector<16xf32>
        %add3A_571 = arith.addf %get3A_564, %get3A_570 : vector<16xf32>
        %add3A_572 = arith.constant 0 : i32
        %add3A_573 = arith.addi %mul3A_540, %add3A_572 : i32
        %swap3A_574 = arith.index_cast %add3A_573 : i32 to index
        %swap3A_575 = arith.constant 16 : index
        %swap3A_576 = tpu.vector_load %arg12[%swap3A_574, %swap3A_575] {strides = array<i32>} : memref<512x32xf32, #tpu.memory_space<vmem>>, vector<1x16xf32>,
        %swap3A_577 = vector.shape_cast %swap3A_576 : vector<1x16xf32> to vector<16xf32>
        %swap3A_578 = vector.shape_cast %add3A_571 : vector<16xf32> to vector<1x16xf32>
        tpu.vector_store %arg12[%swap3A_574, %swap3A_575], %swap3A_578 {strides = array<i32>} : memref<512x32xf32, #tpu.memory_space<vmem>>, vector<1x16xf32>,
        %add3A_579 = arith.constant 1 : i32
        %add3A_580 = arith.addi %mul3A_540, %add3A_579 : i32
        %get3A_581 = arith.index_cast %add3A_580 : i32 to index
        %get3A_582 = arith.constant 0 : index
        %get3A_583 = tpu.vector_load %arg9[%get3A_581, %get3A_582] {strides = array<i32>} : memref<512x32xf32, #tpu.memory_space<vmem>>, vector<1x16xf32>,
        %get3A_584 = vector.shape_cast %get3A_583 : vector<1x16xf32> to vector<16xf32>
        %add3A_585 = arith.constant 1 : i32
        %add3A_586 = arith.addi %mul3A_540, %add3A_585 : i32
        %get3A_587 = arith.index_cast %add3A_586 : i32 to index
        %get3A_588 = arith.constant 0 : index
        %get3A_589 = tpu.vector_load %arg11[%get3A_587, %get3A_588] {strides = array<i32>} : memref<512x32xf32, #tpu.memory_space<vmem>>, vector<1x16xf32>,
        %get3A_590 = vector.shape_cast %get3A_589 : vector<1x16xf32> to vector<16xf32>
        %add3A_591 = arith.addf %get3A_584, %get3A_590 : vector<16xf32>
        %add3A_592 = arith.constant 1 : i32
        %add3A_593 = arith.addi %mul3A_540, %add3A_592 : i32
        %swap3A_594 = arith.index_cast %add3A_593 : i32 to index
        %swap3A_595 = arith.constant 0 : index
        %swap3A_596 = tpu.vector_load %arg12[%swap3A_594, %swap3A_595] {strides = array<i32>} : memref<512x32xf32, #tpu.memory_space<vmem>>, vector<1x16xf32>,
        %swap3A_597 = vector.shape_cast %swap3A_596 : vector<1x16xf32> to vector<16xf32>
        %swap3A_598 = vector.shape_cast %add3A_591 : vector<16xf32> to vector<1x16xf32>
        tpu.vector_store %arg12[%swap3A_594, %swap3A_595], %swap3A_598 {strides = array<i32>} : memref<512x32xf32, #tpu.memory_space<vmem>>, vector<1x16xf32>,
        %add3A_599 = arith.constant 1 : i32
        %add3A_600 = arith.addi %mul3A_540, %add3A_599 : i32
        %get3A_601 = arith.index_cast %add3A_600 : i32 to index
        %get3A_602 = arith.constant 16 : index
        %get3A_603 = tpu.vector_load %arg9[%get3A_601, %get3A_602] {strides = array<i32>} : memref<512x32xf32, #tpu.memory_space<vmem>>, vector<1x16xf32>,
        %get3A_604 = vector.shape_cast %get3A_603 : vector<1x16xf32> to vector<16xf32>
        %add3A_605 = arith.constant 1 : i32
        %add3A_606 = arith.addi %mul3A_540, %add3A_605 : i32
        %get3A_607 = arith.index_cast %add3A_606 : i32 to index
        %get3A_608 = arith.constant 16 : index
        %get3A_609 = tpu.vector_load %arg11[%get3A_607, %get3A_608] {strides = array<i32>} : memref<512x32xf32, #tpu.memory_space<vmem>>, vector<1x16xf32>,
        %get3A_610 = vector.shape_cast %get3A_609 : vector<1x16xf32> to vector<16xf32>
        %add3A_611 = arith.addf %get3A_604, %get3A_610 : vector<16xf32>
        %add3A_612 = arith.constant 1 : i32
        %add3A_613 = arith.addi %mul3A_540, %add3A_612 : i32
        %swap3A_614 = arith.index_cast %add3A_613 : i32 to index
        %swap3A_615 = arith.constant 16 : index
        %swap3A_616 = tpu.vector_load %arg12[%swap3A_614, %swap3A_615] {strides = array<i32>} : memref<512x32xf32, #tpu.memory_space<vmem>>, vector<1x16xf32>,
        %swap3A_617 = vector.shape_cast %swap3A_616 : vector<1x16xf32> to vector<16xf32>
        %swap3A_618 = vector.shape_cast %add3A_611 : vector<16xf32> to vector<1x16xf32>
        tpu.vector_store %arg12[%swap3A_614, %swap3A_615], %swap3A_618 {strides = array<i32>} : memref<512x32xf32, #tpu.memory_space<vmem>>, vector<1x16xf32>,
        %add3A_619 = arith.constant 2 : i32
        %add3A_620 = arith.addi %mul3A_540, %add3A_619 : i32
        %get3A_621 = arith.index_cast %add3A_620 : i32 to index
        %get3A_622 = arith.constant 0 : index
        %get3A_623 = tpu.vector_load %arg9[%get3A_621, %get3A_622] {strides = array<i32>} : memref<512x32xf32, #tpu.memory_space<vmem>>, vector<1x16xf32>,
        %get3A_624 = vector.shape_cast %get3A_623 : vector<1x16xf32> to vector<16xf32>
        %add3A_625 = arith.constant 2 : i32
        %add3A_626 = arith.addi %mul3A_540, %add3A_625 : i32
        %get3A_627 = arith.index_cast %add3A_626 : i32 to index
        %get3A_628 = arith.constant 0 : index
        %get3A_629 = tpu.vector_load %arg11[%get3A_627, %get3A_628] {strides = array<i32>} : memref<512x32xf32, #tpu.memory_space<vmem>>, vector<1x16xf32>,
        %get3A_630 = vector.shape_cast %get3A_629 : vector<1x16xf32> to vector<16xf32>
        %add3A_631 = arith.addf %get3A_624, %get3A_630 : vector<16xf32>
        %add3A_632 = arith.constant 2 : i32
        %add3A_633 = arith.addi %mul3A_540, %add3A_632 : i32
        %swap3A_634 = arith.index_cast %add3A_633 : i32 to index
        %swap3A_635 = arith.constant 0 : index
        %swap3A_636 = tpu.vector_load %arg12[%swap3A_634, %swap3A_635] {strides = array<i32>} : memref<512x32xf32, #tpu.memory_space<vmem>>, vector<1x16xf32>,
        %swap3A_637 = vector.shape_cast %swap3A_636 : vector<1x16xf32> to vector<16xf32>
        %swap3A_638 = vector.shape_cast %add3A_631 : vector<16xf32> to vector<1x16xf32>
        tpu.vector_store %arg12[%swap3A_634, %swap3A_635], %swap3A_638 {strides = array<i32>} : memref<512x32xf32, #tpu.memory_space<vmem>>, vector<1x16xf32>,
        %add3A_639 = arith.constant 2 : i32
        %add3A_640 = arith.addi %mul3A_540, %add3A_639 : i32
        %get3A_641 = arith.index_cast %add3A_640 : i32 to index
        %get3A_642 = arith.constant 16 : index
        %get3A_643 = tpu.vector_load %arg9[%get3A_641, %get3A_642] {strides = array<i32>} : memref<512x32xf32, #tpu.memory_space<vmem>>, vector<1x16xf32>,
        %get3A_644 = vector.shape_cast %get3A_643 : vector<1x16xf32> to vector<16xf32>
        %add3A_645 = arith.constant 2 : i32
        %add3A_646 = arith.addi %mul3A_540, %add3A_645 : i32
        %get3A_647 = arith.index_cast %add3A_646 : i32 to index
        %get3A_648 = arith.constant 16 : index
        %get3A_649 = tpu.vector_load %arg11[%get3A_647, %get3A_648] {strides = array<i32>} : memref<512x32xf32, #tpu.memory_space<vmem>>, vector<1x16xf32>,
        %get3A_650 = vector.shape_cast %get3A_649 : vector<1x16xf32> to vector<16xf32>
        %add3A_651 = arith.addf %get3A_644, %get3A_650 : vector<16xf32>
        %add3A_652 = arith.constant 2 : i32
        %add3A_653 = arith.addi %mul3A_540, %add3A_652 : i32
        %swap3A_654 = arith.index_cast %add3A_653 : i32 to index
        %swap3A_655 = arith.constant 16 : index
        %swap3A_656 = tpu.vector_load %arg12[%swap3A_654, %swap3A_655] {strides = array<i32>} : memref<512x32xf32, #tpu.memory_space<vmem>>, vector<1x16xf32>,
        %swap3A_657 = vector.shape_cast %swap3A_656 : vector<1x16xf32> to vector<16xf32>
        %swap3A_658 = vector.shape_cast %add3A_651 : vector<16xf32> to vector<1x16xf32>
        tpu.vector_store %arg12[%swap3A_654, %swap3A_655], %swap3A_658 {strides = array<i32>} : memref<512x32xf32, #tpu.memory_space<vmem>>, vector<1x16xf32>,
        %add3A_659 = arith.constant 3 : i32
        %add3A_660 = arith.addi %mul3A_540, %add3A_659 : i32
        %get3A_661 = arith.index_cast %add3A_660 : i32 to index
        %get3A_662 = arith.constant 0 : index
        %get3A_663 = tpu.vector_load %arg9[%get3A_661, %get3A_662] {strides = array<i32>} : memref<512x32xf32, #tpu.memory_space<vmem>>, vector<1x16xf32>,
        %get3A_664 = vector.shape_cast %get3A_663 : vector<1x16xf32> to vector<16xf32>
        %add3A_665 = arith.constant 3 : i32
        %add3A_666 = arith.addi %mul3A_540, %add3A_665 : i32
        %get3A_667 = arith.index_cast %add3A_666 : i32 to index
        %get3A_668 = arith.constant 0 : index
        %get3A_669 = tpu.vector_load %arg11[%get3A_667, %get3A_668] {strides = array<i32>} : memref<512x32xf32, #tpu.memory_space<vmem>>, vector<1x16xf32>,
        %get3A_670 = vector.shape_cast %get3A_669 : vector<1x16xf32> to vector<16xf32>
        %add3A_671 = arith.addf %get3A_664, %get3A_670 : vector<16xf32>
        %add3A_672 = arith.constant 3 : i32
        %add3A_673 = arith.addi %mul3A_540, %add3A_672 : i32
        %swap3A_674 = arith.index_cast %add3A_673 : i32 to index
        %swap3A_675 = arith.constant 0 : index
        %swap3A_676 = tpu.vector_load %arg12[%swap3A_674, %swap3A_675] {strides = array<i32>} : memref<512x32xf32, #tpu.memory_space<vmem>>, vector<1x16xf32>,
        %swap3A_677 = vector.shape_cast %swap3A_676 : vector<1x16xf32> to vector<16xf32>
        %swap3A_678 = vector.shape_cast %add3A_671 : vector<16xf32> to vector<1x16xf32>
        tpu.vector_store %arg12[%swap3A_674, %swap3A_675], %swap3A_678 {strides = array<i32>} : memref<512x32xf32, #tpu.memory_space<vmem>>, vector<1x16xf32>,
        %add3A_679 = arith.constant 3 : i32
        %add3A_680 = arith.addi %mul3A_540, %add3A_679 : i32
        %get3A_681 = arith.index_cast %add3A_680 : i32 to index
        %get3A_682 = arith.constant 16 : index
        %get3A_683 = tpu.vector_load %arg9[%get3A_681, %get3A_682] {strides = array<i32>} : memref<512x32xf32, #tpu.memory_space<vmem>>, vector<1x16xf32>,
        %get3A_684 = vector.shape_cast %get3A_683 : vector<1x16xf32> to vector<16xf32>
        %add3A_685 = arith.constant 3 : i32
        %add3A_686 = arith.addi %mul3A_540, %add3A_685 : i32
        %get3A_687 = arith.index_cast %add3A_686 : i32 to index
        %get3A_688 = arith.constant 16 : index
        %get3A_689 = tpu.vector_load %arg11[%get3A_687, %get3A_688] {strides = array<i32>} : memref<512x32xf32, #tpu.memory_space<vmem>>, vector<1x16xf32>,
        %get3A_690 = vector.shape_cast %get3A_689 : vector<1x16xf32> to vector<16xf32>
        %add3A_691 = arith.addf %get3A_684, %get3A_690 : vector<16xf32>
        %add3A_692 = arith.constant 3 : i32
        %add3A_693 = arith.addi %mul3A_540, %add3A_692 : i32
        %swap3A_694 = arith.index_cast %add3A_693 : i32 to index
        %swap3A_695 = arith.constant 16 : index
        %swap3A_696 = tpu.vector_load %arg12[%swap3A_694, %swap3A_695] {strides = array<i32>} : memref<512x32xf32, #tpu.memory_space<vmem>>, vector<1x16xf32>,
        %swap3A_697 = vector.shape_cast %swap3A_696 : vector<1x16xf32> to vector<16xf32>
        %swap3A_698 = vector.shape_cast %add3A_691 : vector<16xf32> to vector<1x16xf32>
        tpu.vector_store %arg12[%swap3A_694, %swap3A_695], %swap3A_698 {strides = array<i32>} : memref<512x32xf32, #tpu.memory_space<vmem>>, vector<1x16xf32>,
        %add3A_699 = arith.constant 4 : i32
        %add3A_700 = arith.addi %mul3A_540, %add3A_699 : i32
        %get3A_701 = arith.index_cast %add3A_700 : i32 to index
        %get3A_702 = arith.constant 0 : index
        %get3A_703 = tpu.vector_load %arg9[%get3A_701, %get3A_702] {strides = array<i32>} : memref<512x32xf32, #tpu.memory_space<vmem>>, vector<1x16xf32>,
        %get3A_704 = vector.shape_cast %get3A_703 : vector<1x16xf32> to vector<16xf32>
        %add3A_705 = arith.constant 4 : i32
        %add3A_706 = arith.addi %mul3A_540, %add3A_705 : i32
        %get3A_707 = arith.index_cast %add3A_706 : i32 to index
        %get3A_708 = arith.constant 0 : index
        %get3A_709 = tpu.vector_load %arg11[%get3A_707, %get3A_708] {strides = array<i32>} : memref<512x32xf32, #tpu.memory_space<vmem>>, vector<1x16xf32>,
        %get3A_710 = vector.shape_cast %get3A_709 : vector<1x16xf32> to vector<16xf32>
        %add3A_711 = arith.addf %get3A_704, %get3A_710 : vector<16xf32>
        %add3A_712 = arith.constant 4 : i32
        %add3A_713 = arith.addi %mul3A_540, %add3A_712 : i32
        %swap3A_714 = arith.index_cast %add3A_713 : i32 to index
        %swap3A_715 = arith.constant 0 : index
        %swap3A_716 = tpu.vector_load %arg12[%swap3A_714, %swap3A_715] {strides = array<i32>} : memref<512x32xf32, #tpu.memory_space<vmem>>, vector<1x16xf32>,
        %swap3A_717 = vector.shape_cast %swap3A_716 : vector<1x16xf32> to vector<16xf32>
        %swap3A_718 = vector.shape_cast %add3A_711 : vector<16xf32> to vector<1x16xf32>
        tpu.vector_store %arg12[%swap3A_714, %swap3A_715], %swap3A_718 {strides = array<i32>} : memref<512x32xf32, #tpu.memory_space<vmem>>, vector<1x16xf32>,
        %add3A_719 = arith.constant 4 : i32
        %add3A_720 = arith.addi %mul3A_540, %add3A_719 : i32
        %get3A_721 = arith.index_cast %add3A_720 : i32 to index
        %get3A_722 = arith.constant 16 : index
        %get3A_723 = tpu.vector_load %arg9[%get3A_721, %get3A_722] {strides = array<i32>} : memref<512x32xf32, #tpu.memory_space<vmem>>, vector<1x16xf32>,
        %get3A_724 = vector.shape_cast %get3A_723 : vector<1x16xf32> to vector<16xf32>
        %add3A_725 = arith.constant 4 : i32
        %add3A_726 = arith.addi %mul3A_540, %add3A_725 : i32
        %get3A_727 = arith.index_cast %add3A_726 : i32 to index
        %get3A_728 = arith.constant 16 : index
        %get3A_729 = tpu.vector_load %arg11[%get3A_727, %get3A_728] {strides = array<i32>} : memref<512x32xf32, #tpu.memory_space<vmem>>, vector<1x16xf32>,
        %get3A_730 = vector.shape_cast %get3A_729 : vector<1x16xf32> to vector<16xf32>
        %add3A_731 = arith.addf %get3A_724, %get3A_730 : vector<16xf32>
        %add3A_732 = arith.constant 4 : i32
        %add3A_733 = arith.addi %mul3A_540, %add3A_732 : i32
        %swap3A_734 = arith.index_cast %add3A_733 : i32 to index
        %swap3A_735 = arith.constant 16 : index
        %swap3A_736 = tpu.vector_load %arg12[%swap3A_734, %swap3A_735] {strides = array<i32>} : memref<512x32xf32, #tpu.memory_space<vmem>>, vector<1x16xf32>,
        %swap3A_737 = vector.shape_cast %swap3A_736 : vector<1x16xf32> to vector<16xf32>
        %swap3A_738 = vector.shape_cast %add3A_731 : vector<16xf32> to vector<1x16xf32>
        tpu.vector_store %arg12[%swap3A_734, %swap3A_735], %swap3A_738 {strides = array<i32>} : memref<512x32xf32, #tpu.memory_space<vmem>>, vector<1x16xf32>,
        %add3A_739 = arith.constant 5 : i32
        %add3A_740 = arith.addi %mul3A_540, %add3A_739 : i32
        %get3A_741 = arith.index_cast %add3A_740 : i32 to index
        %get3A_742 = arith.constant 0 : index
        %get3A_743 = tpu.vector_load %arg9[%get3A_741, %get3A_742] {strides = array<i32>} : memref<512x32xf32, #tpu.memory_space<vmem>>, vector<1x16xf32>,
        %get3A_744 = vector.shape_cast %get3A_743 : vector<1x16xf32> to vector<16xf32>
        %add3A_745 = arith.constant 5 : i32
        %add3A_746 = arith.addi %mul3A_540, %add3A_745 : i32
        %get3A_747 = arith.index_cast %add3A_746 : i32 to index
        %get3A_748 = arith.constant 0 : index
        %get3A_749 = tpu.vector_load %arg11[%get3A_747, %get3A_748] {strides = array<i32>} : memref<512x32xf32, #tpu.memory_space<vmem>>, vector<1x16xf32>,
        %get3A_750 = vector.shape_cast %get3A_749 : vector<1x16xf32> to vector<16xf32>
        %add3A_751 = arith.addf %get3A_744, %get3A_750 : vector<16xf32>
        %add3A_752 = arith.constant 5 : i32
        %add3A_753 = arith.addi %mul3A_540, %add3A_752 : i32
        %swap3A_754 = arith.index_cast %add3A_753 : i32 to index
        %swap3A_755 = arith.constant 0 : index
        %swap3A_756 = tpu.vector_load %arg12[%swap3A_754, %swap3A_755] {strides = array<i32>} : memref<512x32xf32, #tpu.memory_space<vmem>>, vector<1x16xf32>,
        %swap3A_757 = vector.shape_cast %swap3A_756 : vector<1x16xf32> to vector<16xf32>
        %swap3A_758 = vector.shape_cast %add3A_751 : vector<16xf32> to vector<1x16xf32>
        tpu.vector_store %arg12[%swap3A_754, %swap3A_755], %swap3A_758 {strides = array<i32>} : memref<512x32xf32, #tpu.memory_space<vmem>>, vector<1x16xf32>,
        %add3A_759 = arith.constant 5 : i32
        %add3A_760 = arith.addi %mul3A_540, %add3A_759 : i32
        %get3A_761 = arith.index_cast %add3A_760 : i32 to index
        %get3A_762 = arith.constant 16 : index
        %get3A_763 = tpu.vector_load %arg9[%get3A_761, %get3A_762] {strides = array<i32>} : memref<512x32xf32, #tpu.memory_space<vmem>>, vector<1x16xf32>,
        %get3A_764 = vector.shape_cast %get3A_763 : vector<1x16xf32> to vector<16xf32>
        %add3A_765 = arith.constant 5 : i32
        %add3A_766 = arith.addi %mul3A_540, %add3A_765 : i32
        %get3A_767 = arith.index_cast %add3A_766 : i32 to index
        %get3A_768 = arith.constant 16 : index
        %get3A_769 = tpu.vector_load %arg11[%get3A_767, %get3A_768] {strides = array<i32>} : memref<512x32xf32, #tpu.memory_space<vmem>>, vector<1x16xf32>,
        %get3A_770 = vector.shape_cast %get3A_769 : vector<1x16xf32> to vector<16xf32>
        %add3A_771 = arith.addf %get3A_764, %get3A_770 : vector<16xf32>
        %add3A_772 = arith.constant 5 : i32
        %add3A_773 = arith.addi %mul3A_540, %add3A_772 : i32
        %swap3A_774 = arith.index_cast %add3A_773 : i32 to index
        %swap3A_775 = arith.constant 16 : index
        %swap3A_776 = tpu.vector_load %arg12[%swap3A_774, %swap3A_775] {strides = array<i32>} : memref<512x32xf32, #tpu.memory_space<vmem>>, vector<1x16xf32>,
        %swap3A_777 = vector.shape_cast %swap3A_776 : vector<1x16xf32> to vector<16xf32>
        %swap3A_778 = vector.shape_cast %add3A_771 : vector<16xf32> to vector<1x16xf32>
        tpu.vector_store %arg12[%swap3A_774, %swap3A_775], %swap3A_778 {strides = array<i32>} : memref<512x32xf32, #tpu.memory_space<vmem>>, vector<1x16xf32>,
        %add3A_779 = arith.constant 6 : i32
        %add3A_780 = arith.addi %mul3A_540, %add3A_779 : i32
        %get3A_781 = arith.index_cast %add3A_780 : i32 to index
        %get3A_782 = arith.constant 0 : index
        %get3A_783 = tpu.vector_load %arg9[%get3A_781, %get3A_782] {strides = array<i32>} : memref<512x32xf32, #tpu.memory_space<vmem>>, vector<1x16xf32>,
        %get3A_784 = vector.shape_cast %get3A_783 : vector<1x16xf32> to vector<16xf32>
        %add3A_785 = arith.constant 6 : i32
        %add3A_786 = arith.addi %mul3A_540, %add3A_785 : i32
        %get3A_787 = arith.index_cast %add3A_786 : i32 to index
        %get3A_788 = arith.constant 0 : index
        %get3A_789 = tpu.vector_load %arg11[%get3A_787, %get3A_788] {strides = array<i32>} : memref<512x32xf32, #tpu.memory_space<vmem>>, vector<1x16xf32>,
        %get3A_790 = vector.shape_cast %get3A_789 : vector<1x16xf32> to vector<16xf32>
        %add3A_791 = arith.addf %get3A_784, %get3A_790 : vector<16xf32>
        %add3A_792 = arith.constant 6 : i32
        %add3A_793 = arith.addi %mul3A_540, %add3A_792 : i32
        %swap3A_794 = arith.index_cast %add3A_793 : i32 to index
        %swap3A_795 = arith.constant 0 : index
        %swap3A_796 = tpu.vector_load %arg12[%swap3A_794, %swap3A_795] {strides = array<i32>} : memref<512x32xf32, #tpu.memory_space<vmem>>, vector<1x16xf32>,
        %swap3A_797 = vector.shape_cast %swap3A_796 : vector<1x16xf32> to vector<16xf32>
        %swap3A_798 = vector.shape_cast %add3A_791 : vector<16xf32> to vector<1x16xf32>
        tpu.vector_store %arg12[%swap3A_794, %swap3A_795], %swap3A_798 {strides = array<i32>} : memref<512x32xf32, #tpu.memory_space<vmem>>, vector<1x16xf32>,
        %add3A_799 = arith.constant 6 : i32
        %add3A_800 = arith.addi %mul3A_540, %add3A_799 : i32
        %get3A_801 = arith.index_cast %add3A_800 : i32 to index
        %get3A_802 = arith.constant 16 : index
        %get3A_803 = tpu.vector_load %arg9[%get3A_801, %get3A_802] {strides = array<i32>} : memref<512x32xf32, #tpu.memory_space<vmem>>, vector<1x16xf32>,
        %get3A_804 = vector.shape_cast %get3A_803 : vector<1x16xf32> to vector<16xf32>
        %add3A_805 = arith.constant 6 : i32
        %add3A_806 = arith.addi %mul3A_540, %add3A_805 : i32
        %get3A_807 = arith.index_cast %add3A_806 : i32 to index
        %get3A_808 = arith.constant 16 : index
        %get3A_809 = tpu.vector_load %arg11[%get3A_807, %get3A_808] {strides = array<i32>} : memref<512x32xf32, #tpu.memory_space<vmem>>, vector<1x16xf32>,
        %get3A_810 = vector.shape_cast %get3A_809 : vector<1x16xf32> to vector<16xf32>
        %add3A_811 = arith.addf %get3A_804, %get3A_810 : vector<16xf32>
        %add3A_812 = arith.constant 6 : i32
        %add3A_813 = arith.addi %mul3A_540, %add3A_812 : i32
        %swap3A_814 = arith.index_cast %add3A_813 : i32 to index
        %swap3A_815 = arith.constant 16 : index
        %swap3A_816 = tpu.vector_load %arg12[%swap3A_814, %swap3A_815] {strides = array<i32>} : memref<512x32xf32, #tpu.memory_space<vmem>>, vector<1x16xf32>,
        %swap3A_817 = vector.shape_cast %swap3A_816 : vector<1x16xf32> to vector<16xf32>
        %swap3A_818 = vector.shape_cast %add3A_811 : vector<16xf32> to vector<1x16xf32>
        tpu.vector_store %arg12[%swap3A_814, %swap3A_815], %swap3A_818 {strides = array<i32>} : memref<512x32xf32, #tpu.memory_space<vmem>>, vector<1x16xf32>,
        %add3A_819 = arith.constant 7 : i32
        %add3A_820 = arith.addi %mul3A_540, %add3A_819 : i32
        %get3A_821 = arith.index_cast %add3A_820 : i32 to index
        %get3A_822 = arith.constant 0 : index
        %get3A_823 = tpu.vector_load %arg9[%get3A_821, %get3A_822] {strides = array<i32>} : memref<512x32xf32, #tpu.memory_space<vmem>>, vector<1x16xf32>,
        %get3A_824 = vector.shape_cast %get3A_823 : vector<1x16xf32> to vector<16xf32>
        %add3A_825 = arith.constant 7 : i32
        %add3A_826 = arith.addi %mul3A_540, %add3A_825 : i32
        %get3A_827 = arith.index_cast %add3A_826 : i32 to index
        %get3A_828 = arith.constant 0 : index
        %get3A_829 = tpu.vector_load %arg11[%get3A_827, %get3A_828] {strides = array<i32>} : memref<512x32xf32, #tpu.memory_space<vmem>>, vector<1x16xf32>,
        %get3A_830 = vector.shape_cast %get3A_829 : vector<1x16xf32> to vector<16xf32>
        %add3A_831 = arith.addf %get3A_824, %get3A_830 : vector<16xf32>
        %add3A_832 = arith.constant 7 : i32
        %add3A_833 = arith.addi %mul3A_540, %add3A_832 : i32
        %swap3A_834 = arith.index_cast %add3A_833 : i32 to index
        %swap3A_835 = arith.constant 0 : index
        %swap3A_836 = tpu.vector_load %arg12[%swap3A_834, %swap3A_835] {strides = array<i32>} : memref<512x32xf32, #tpu.memory_space<vmem>>, vector<1x16xf32>,
        %swap3A_837 = vector.shape_cast %swap3A_836 : vector<1x16xf32> to vector<16xf32>
        %swap3A_838 = vector.shape_cast %add3A_831 : vector<16xf32> to vector<1x16xf32>
        tpu.vector_store %arg12[%swap3A_834, %swap3A_835], %swap3A_838 {strides = array<i32>} : memref<512x32xf32, #tpu.memory_space<vmem>>, vector<1x16xf32>,
        %add3A_839 = arith.constant 7 : i32
        %add3A_840 = arith.addi %mul3A_540, %add3A_839 : i32
        %get3A_841 = arith.index_cast %add3A_840 : i32 to index
        %get3A_842 = arith.constant 16 : index
        %get3A_843 = tpu.vector_load %arg9[%get3A_841, %get3A_842] {strides = array<i32>} : memref<512x32xf32, #tpu.memory_space<vmem>>, vector<1x16xf32>,
        %get3A_844 = vector.shape_cast %get3A_843 : vector<1x16xf32> to vector<16xf32>
        %add3A_845 = arith.constant 7 : i32
        %add3A_846 = arith.addi %mul3A_540, %add3A_845 : i32
        %get3A_847 = arith.index_cast %add3A_846 : i32 to index
        %get3A_848 = arith.constant 16 : index
        %get3A_849 = tpu.vector_load %arg11[%get3A_847, %get3A_848] {strides = array<i32>} : memref<512x32xf32, #tpu.memory_space<vmem>>, vector<1x16xf32>,
        %get3A_850 = vector.shape_cast %get3A_849 : vector<1x16xf32> to vector<16xf32>
        %add3A_851 = arith.addf %get3A_844, %get3A_850 : vector<16xf32>
        %add3A_852 = arith.constant 7 : i32
        %add3A_853 = arith.addi %mul3A_540, %add3A_852 : i32
        %swap3A_854 = arith.index_cast %add3A_853 : i32 to index
        %swap3A_855 = arith.constant 16 : index
        %swap3A_856 = tpu.vector_load %arg12[%swap3A_854, %swap3A_855] {strides = array<i32>} : memref<512x32xf32, #tpu.memory_space<vmem>>, vector<1x16xf32>,
        %swap3A_857 = vector.shape_cast %swap3A_856 : vector<1x16xf32> to vector<16xf32>
        %swap3A_858 = vector.shape_cast %add3A_851 : vector<16xf32> to vector<1x16xf32>
        tpu.vector_store %arg12[%swap3A_854, %swap3A_855], %swap3A_858 {strides = array<i32>} : memref<512x32xf32, #tpu.memory_space<vmem>>, vector<1x16xf32>,
      }
      %scan3A_388 = arith.constant 64 : i32
      %add3A_389 = arith.addi %mul3A_2, %add3A_369 : i32
      %mul3A_390 = arith.constant 512 : i32
      %mul3A_391 = arith.muli %add3A_389, %mul3A_390 : i32
      %dma_start3A_392 = arith.constant 0 : i32
      %dma_start3A_393 = tpu.memref_slice %arg5[%mul3A_391, %dma_start3A_392] : memref<524288x32xf32, #tpu.memory_space<hbm>> -> memref<512x32xf32, #tpu.memory_space<hbm>>
      %dma_start3A_394 = arith.constant 0 : i32
      %dma_start3A_395 = tpu.memref_slice %arg5[%mul3A_391, %dma_start3A_394] : memref<524288x32xf32, #tpu.memory_space<hbm>> -> memref<512x32xf32, #tpu.memory_space<hbm>>
      tpu.enqueue_dma source(%arg12 : memref<512x32xf32, #tpu.memory_space<vmem>>) target(%dma_start3A_395 : memref<512x32xf32, #tpu.memory_space<hbm>>) target_semaphore(%arg17 : memref<!tpu.dma_semaphore, #tpu.memory_space<semaphore_mem>>)
      %add3A_396 = arith.constant 4 : i32
      %add3A_397 = arith.addi %add3A_369, %add3A_396 : i32
      %rem3A_398 = arith.constant 32 : i32
      %rem3A_399 = arith.remsi %add3A_397, %rem3A_398 : i32
      %mul3A_400 = arith.constant 4 : i32
      %mul3A_401 = arith.muli %rem3A_399, %mul3A_400 : i32
      %add3A_402 = arith.constant 0 : i32
      %add3A_403 = arith.addi %mul3A_401, %add3A_402 : i32
      %dma_start3A_404 = arith.constant 0 : i32
      %dma_start3A_405 = arith.constant 0 : i32
      %dma_start3A_406 = tpu.memref_slice %arg9[%dma_start3A_404, %dma_start3A_405] : memref<512x32xf32, #tpu.memory_space<vmem>> -> memref<128x32xf32, #tpu.memory_space<vmem>>
      %dma_start3A_407 = arith.constant 0 : i32
      %dma_start3A_408 = tpu.memref_slice %arg6[%add3A_403, %dma_start3A_407] : memref<128x128xi32, #tpu.memory_space<vmem>> -> memref<1x128xi32, #tpu.memory_space<vmem>>
      %dma_start3A_409 = tpu.memref_squeeze %dma_start3A_408 : memref<1x128xi32, #tpu.memory_space<vmem>> -> memref<128xi32, #tpu.memory_space<vmem>>
      %dma_start3A_410 = arith.constant 0 : i32
      %dma_start3A_411 = arith.constant 0 : i32
      %dma_start3A_412 = tpu.memref_slice %arg3[%dma_start3A_410, %dma_start3A_411] : memref<1000000x32xf32, #tpu.memory_space<hbm>> -> memref<1000000x32xf32, #tpu.memory_space<hbm>>
      tpu.enqueue_indirect_dma source(%dma_start3A_412 : memref<1000000x32xf32, #tpu.memory_space<hbm>>) target(%dma_start3A_406 : memref<128x32xf32, #tpu.memory_space<vmem>>) offsets(%dma_start3A_409 : memref<128xi32, #tpu.memory_space<vmem>>) semaphore(%arg15 : memref<!tpu.dma_semaphore, #tpu.memory_space<semaphore_mem>>)
      %mul3A_413 = arith.constant 4 : i32
      %mul3A_414 = arith.muli %rem3A_399, %mul3A_413 : i32
      %add3A_415 = arith.constant 1 : i32
      %add3A_416 = arith.addi %mul3A_414, %add3A_415 : i32
      %dma_start3A_417 = arith.constant 128 : i32
      %dma_start3A_418 = arith.constant 0 : i32
      %dma_start3A_419 = tpu.memref_slice %arg9[%dma_start3A_417, %dma_start3A_418] : memref<512x32xf32, #tpu.memory_space<vmem>> -> memref<128x32xf32, #tpu.memory_space<vmem>>
      %dma_start3A_420 = arith.constant 0 : i32
      %dma_start3A_421 = tpu.memref_slice %arg6[%add3A_416, %dma_start3A_420] : memref<128x128xi32, #tpu.memory_space<vmem>> -> memref<1x128xi32, #tpu.memory_space<vmem>>
      %dma_start3A_422 = tpu.memref_squeeze %dma_start3A_421 : memref<1x128xi32, #tpu.memory_space<vmem>> -> memref<128xi32, #tpu.memory_space<vmem>>
      %dma_start3A_423 = arith.constant 0 : i32
      %dma_start3A_424 = arith.constant 0 : i32
      %dma_start3A_425 = tpu.memref_slice %arg3[%dma_start3A_423, %dma_start3A_424] : memref<1000000x32xf32, #tpu.memory_space<hbm>> -> memref<1000000x32xf32, #tpu.memory_space<hbm>>
      tpu.enqueue_indirect_dma source(%dma_start3A_425 : memref<1000000x32xf32, #tpu.memory_space<hbm>>) target(%dma_start3A_419 : memref<128x32xf32, #tpu.memory_space<vmem>>) offsets(%dma_start3A_422 : memref<128xi32, #tpu.memory_space<vmem>>) semaphore(%arg15 : memref<!tpu.dma_semaphore, #tpu.memory_space<semaphore_mem>>)
      %mul3A_426 = arith.constant 4 : i32
      %mul3A_427 = arith.muli %rem3A_399, %mul3A_426 : i32
      %add3A_428 = arith.constant 2 : i32
      %add3A_429 = arith.addi %mul3A_427, %add3A_428 : i32
      %dma_start3A_430 = arith.constant 256 : i32
      %dma_start3A_431 = arith.constant 0 : i32
      %dma_start3A_432 = tpu.memref_slice %arg9[%dma_start3A_430, %dma_start3A_431] : memref<512x32xf32, #tpu.memory_space<vmem>> -> memref<128x32xf32, #tpu.memory_space<vmem>>
      %dma_start3A_433 = arith.constant 0 : i32
      %dma_start3A_434 = tpu.memref_slice %arg6[%add3A_429, %dma_start3A_433] : memref<128x128xi32, #tpu.memory_space<vmem>> -> memref<1x128xi32, #tpu.memory_space<vmem>>
      %dma_start3A_435 = tpu.memref_squeeze %dma_start3A_434 : memref<1x128xi32, #tpu.memory_space<vmem>> -> memref<128xi32, #tpu.memory_space<vmem>>
      %dma_start3A_436 = arith.constant 0 : i32
      %dma_start3A_437 = arith.constant 0 : i32
      %dma_start3A_438 = tpu.memref_slice %arg3[%dma_start3A_436, %dma_start3A_437] : memref<1000000x32xf32, #tpu.memory_space<hbm>> -> memref<1000000x32xf32, #tpu.memory_space<hbm>>
      tpu.enqueue_indirect_dma source(%dma_start3A_438 : memref<1000000x32xf32, #tpu.memory_space<hbm>>) target(%dma_start3A_432 : memref<128x32xf32, #tpu.memory_space<vmem>>) offsets(%dma_start3A_435 : memref<128xi32, #tpu.memory_space<vmem>>) semaphore(%arg15 : memref<!tpu.dma_semaphore, #tpu.memory_space<semaphore_mem>>)
      %mul3A_439 = arith.constant 4 : i32
      %mul3A_440 = arith.muli %rem3A_399, %mul3A_439 : i32
      %add3A_441 = arith.constant 3 : i32
      %add3A_442 = arith.addi %mul3A_440, %add3A_441 : i32
      %dma_start3A_443 = arith.constant 384 : i32
      %dma_start3A_444 = arith.constant 0 : i32
      %dma_start3A_445 = tpu.memref_slice %arg9[%dma_start3A_443, %dma_start3A_444] : memref<512x32xf32, #tpu.memory_space<vmem>> -> memref<128x32xf32, #tpu.memory_space<vmem>>
      %dma_start3A_446 = arith.constant 0 : i32
      %dma_start3A_447 = tpu.memref_slice %arg6[%add3A_442, %dma_start3A_446] : memref<128x128xi32, #tpu.memory_space<vmem>> -> memref<1x128xi32, #tpu.memory_space<vmem>>
      %dma_start3A_448 = tpu.memref_squeeze %dma_start3A_447 : memref<1x128xi32, #tpu.memory_space<vmem>> -> memref<128xi32, #tpu.memory_space<vmem>>
      %dma_start3A_449 = arith.constant 0 : i32
      %dma_start3A_450 = arith.constant 0 : i32
      %dma_start3A_451 = tpu.memref_slice %arg3[%dma_start3A_449, %dma_start3A_450] : memref<1000000x32xf32, #tpu.memory_space<hbm>> -> memref<1000000x32xf32, #tpu.memory_space<hbm>>
      tpu.enqueue_indirect_dma source(%dma_start3A_451 : memref<1000000x32xf32, #tpu.memory_space<hbm>>) target(%dma_start3A_445 : memref<128x32xf32, #tpu.memory_space<vmem>>) offsets(%dma_start3A_448 : memref<128xi32, #tpu.memory_space<vmem>>) semaphore(%arg15 : memref<!tpu.dma_semaphore, #tpu.memory_space<semaphore_mem>>)
      %mul3A_452 = arith.constant 4 : i32
      %mul3A_453 = arith.muli %scan3A_198, %mul3A_452 : i32
      %add3A_454 = arith.constant 3 : i32
      %add3A_455 = arith.addi %mul3A_453, %add3A_454 : i32
      %dma_wait3A_456 = arith.constant 0 : i32
      %dma_wait3A_457 = arith.constant 0 : i32
      %dma_wait3A_458 = tpu.memref_slice %arg3[%dma_wait3A_456, %dma_wait3A_457] : memref<1000000x32xf32, #tpu.memory_space<hbm>> -> memref<512x32xf32, #tpu.memory_space<hbm>>
      %dma_wait3A_459 = arith.constant 0 : i32
      %dma_wait3A_460 = arith.constant 0 : i32
      %dma_wait3A_461 = tpu.memref_slice %arg3[%dma_wait3A_459, %dma_wait3A_460] : memref<1000000x32xf32, #tpu.memory_space<hbm>> -> memref<512x32xf32, #tpu.memory_space<hbm>>
      tpu.wait_dma2 semaphore(%arg16 : memref<!tpu.dma_semaphore, #tpu.memory_space<semaphore_mem>>) src(%dma_wait3A_461 : memref<512x32xf32, #tpu.memory_space<hbm>>) dst(%arg10 : memref<512x32xf32, #tpu.memory_space<vmem>>)
      %gt3A_462 = arith.constant 0 : i32
      %gt3A_463 = arith.cmpi sgt, %scan3A_198, %gt3A_462 : i32
      %or3A_464 = arith.constant true
      %or3A_465 = arith.ori %gt3A_463, %or3A_464 : i1
      %convert_element_type3A_466 = arith.extui %or3A_465 : i1 to i32
      %cond3A_467 = arith.constant 0 : i32
      %cond3A_468 = arith.cmpi ne, %convert_element_type3A_466, %cond3A_467 : i32
      scf.if %cond3A_468 {
        %dma_wait3A_538 = arith.constant 0 : i32
        %dma_wait3A_539 = arith.constant 0 : i32
        %dma_wait3A_540 = tpu.memref_slice %arg3[%dma_wait3A_538, %dma_wait3A_539] : memref<1000000x32xf32, #tpu.memory_space<hbm>> -> memref<512x32xf32, #tpu.memory_space<hbm>>
        %dma_wait3A_541 = arith.constant 0 : i32
        %dma_wait3A_542 = arith.constant 0 : i32
        %dma_wait3A_543 = tpu.memref_slice %arg3[%dma_wait3A_541, %dma_wait3A_542] : memref<1000000x32xf32, #tpu.memory_space<hbm>> -> memref<512x32xf32, #tpu.memory_space<hbm>>
        tpu.wait_dma2 semaphore(%arg17 : memref<!tpu.dma_semaphore, #tpu.memory_space<semaphore_mem>>) src(%dma_wait3A_543 : memref<512x32xf32, #tpu.memory_space<hbm>>) dst(%arg12 : memref<512x32xf32, #tpu.memory_space<vmem>>)
      } else {
      }
      %scan3A_469 = arith.constant 0 : i32
      %scan3A_470 = arith.constant 0 : i32
      %scan3A_471 = arith.constant 64 : i32
      %scan3A_472 = arith.addi %scan3A_470, %scan3A_471 : i32
      %scan3A_473 = arith.constant 1 : i32
      scf.for %scan3A_538 = %scan3A_470 to %scan3A_472 step %scan3A_473  : i32 {
        %mul3A_539 = arith.constant 8 : i32
        %mul3A_540 = arith.muli %scan3A_538, %mul3A_539 : i32
        %add3A_541 = arith.constant 0 : i32
        %add3A_542 = arith.addi %mul3A_540, %add3A_541 : i32
        %get3A = arith.index_cast %add3A_542 : i32 to index
        %get3A_543 = arith.constant 0 : index
        %get3A_544 = tpu.vector_load %arg10[%get3A, %get3A_543] {strides = array<i32>} : memref<512x32xf32, #tpu.memory_space<vmem>>, vector<1x16xf32>,
        %get3A_545 = vector.shape_cast %get3A_544 : vector<1x16xf32> to vector<16xf32>
        %add3A_546 = arith.constant 0 : i32
        %add3A_547 = arith.addi %mul3A_540, %add3A_546 : i32
        %get3A_548 = arith.index_cast %add3A_547 : i32 to index
        %get3A_549 = arith.constant 0 : index
        %get3A_550 = tpu.vector_load %arg11[%get3A_548, %get3A_549] {strides = array<i32>} : memref<512x32xf32, #tpu.memory_space<vmem>>, vector<1x16xf32>,
        %get3A_551 = vector.shape_cast %get3A_550 : vector<1x16xf32> to vector<16xf32>
        %add3A_552 = arith.addf %get3A_545, %get3A_551 : vector<16xf32>
        %add3A_553 = arith.constant 0 : i32
        %add3A_554 = arith.addi %mul3A_540, %add3A_553 : i32
        %swap3A = arith.index_cast %add3A_554 : i32 to index
        %swap3A_555 = arith.constant 0 : index
        %swap3A_556 = tpu.vector_load %arg12[%swap3A, %swap3A_555] {strides = array<i32>} : memref<512x32xf32, #tpu.memory_space<vmem>>, vector<1x16xf32>,
        %swap3A_557 = vector.shape_cast %swap3A_556 : vector<1x16xf32> to vector<16xf32>
        %swap3A_558 = vector.shape_cast %add3A_552 : vector<16xf32> to vector<1x16xf32>
        tpu.vector_store %arg12[%swap3A, %swap3A_555], %swap3A_558 {strides = array<i32>} : memref<512x32xf32, #tpu.memory_space<vmem>>, vector<1x16xf32>,
        %add3A_559 = arith.constant 0 : i32
        %add3A_560 = arith.addi %mul3A_540, %add3A_559 : i32
        %get3A_561 = arith.index_cast %add3A_560 : i32 to index
        %get3A_562 = arith.constant 16 : index
        %get3A_563 = tpu.vector_load %arg10[%get3A_561, %get3A_562] {strides = array<i32>} : memref<512x32xf32, #tpu.memory_space<vmem>>, vector<1x16xf32>,
        %get3A_564 = vector.shape_cast %get3A_563 : vector<1x16xf32> to vector<16xf32>
        %add3A_565 = arith.constant 0 : i32
        %add3A_566 = arith.addi %mul3A_540, %add3A_565 : i32
        %get3A_567 = arith.index_cast %add3A_566 : i32 to index
        %get3A_568 = arith.constant 16 : index
        %get3A_569 = tpu.vector_load %arg11[%get3A_567, %get3A_568] {strides = array<i32>} : memref<512x32xf32, #tpu.memory_space<vmem>>, vector<1x16xf32>,
        %get3A_570 = vector.shape_cast %get3A_569 : vector<1x16xf32> to vector<16xf32>
        %add3A_571 = arith.addf %get3A_564, %get3A_570 : vector<16xf32>
        %add3A_572 = arith.constant 0 : i32
        %add3A_573 = arith.addi %mul3A_540, %add3A_572 : i32
        %swap3A_574 = arith.index_cast %add3A_573 : i32 to index
        %swap3A_575 = arith.constant 16 : index
        %swap3A_576 = tpu.vector_load %arg12[%swap3A_574, %swap3A_575] {strides = array<i32>} : memref<512x32xf32, #tpu.memory_space<vmem>>, vector<1x16xf32>,
        %swap3A_577 = vector.shape_cast %swap3A_576 : vector<1x16xf32> to vector<16xf32>
        %swap3A_578 = vector.shape_cast %add3A_571 : vector<16xf32> to vector<1x16xf32>
        tpu.vector_store %arg12[%swap3A_574, %swap3A_575], %swap3A_578 {strides = array<i32>} : memref<512x32xf32, #tpu.memory_space<vmem>>, vector<1x16xf32>,
        %add3A_579 = arith.constant 1 : i32
        %add3A_580 = arith.addi %mul3A_540, %add3A_579 : i32
        %get3A_581 = arith.index_cast %add3A_580 : i32 to index
        %get3A_582 = arith.constant 0 : index
        %get3A_583 = tpu.vector_load %arg10[%get3A_581, %get3A_582] {strides = array<i32>} : memref<512x32xf32, #tpu.memory_space<vmem>>, vector<1x16xf32>,
        %get3A_584 = vector.shape_cast %get3A_583 : vector<1x16xf32> to vector<16xf32>
        %add3A_585 = arith.constant 1 : i32
        %add3A_586 = arith.addi %mul3A_540, %add3A_585 : i32
        %get3A_587 = arith.index_cast %add3A_586 : i32 to index
        %get3A_588 = arith.constant 0 : index
        %get3A_589 = tpu.vector_load %arg11[%get3A_587, %get3A_588] {strides = array<i32>} : memref<512x32xf32, #tpu.memory_space<vmem>>, vector<1x16xf32>,
        %get3A_590 = vector.shape_cast %get3A_589 : vector<1x16xf32> to vector<16xf32>
        %add3A_591 = arith.addf %get3A_584, %get3A_590 : vector<16xf32>
        %add3A_592 = arith.constant 1 : i32
        %add3A_593 = arith.addi %mul3A_540, %add3A_592 : i32
        %swap3A_594 = arith.index_cast %add3A_593 : i32 to index
        %swap3A_595 = arith.constant 0 : index
        %swap3A_596 = tpu.vector_load %arg12[%swap3A_594, %swap3A_595] {strides = array<i32>} : memref<512x32xf32, #tpu.memory_space<vmem>>, vector<1x16xf32>,
        %swap3A_597 = vector.shape_cast %swap3A_596 : vector<1x16xf32> to vector<16xf32>
        %swap3A_598 = vector.shape_cast %add3A_591 : vector<16xf32> to vector<1x16xf32>
        tpu.vector_store %arg12[%swap3A_594, %swap3A_595], %swap3A_598 {strides = array<i32>} : memref<512x32xf32, #tpu.memory_space<vmem>>, vector<1x16xf32>,
        %add3A_599 = arith.constant 1 : i32
        %add3A_600 = arith.addi %mul3A_540, %add3A_599 : i32
        %get3A_601 = arith.index_cast %add3A_600 : i32 to index
        %get3A_602 = arith.constant 16 : index
        %get3A_603 = tpu.vector_load %arg10[%get3A_601, %get3A_602] {strides = array<i32>} : memref<512x32xf32, #tpu.memory_space<vmem>>, vector<1x16xf32>,
        %get3A_604 = vector.shape_cast %get3A_603 : vector<1x16xf32> to vector<16xf32>
        %add3A_605 = arith.constant 1 : i32
        %add3A_606 = arith.addi %mul3A_540, %add3A_605 : i32
        %get3A_607 = arith.index_cast %add3A_606 : i32 to index
        %get3A_608 = arith.constant 16 : index
        %get3A_609 = tpu.vector_load %arg11[%get3A_607, %get3A_608] {strides = array<i32>} : memref<512x32xf32, #tpu.memory_space<vmem>>, vector<1x16xf32>,
        %get3A_610 = vector.shape_cast %get3A_609 : vector<1x16xf32> to vector<16xf32>
        %add3A_611 = arith.addf %get3A_604, %get3A_610 : vector<16xf32>
        %add3A_612 = arith.constant 1 : i32
        %add3A_613 = arith.addi %mul3A_540, %add3A_612 : i32
        %swap3A_614 = arith.index_cast %add3A_613 : i32 to index
        %swap3A_615 = arith.constant 16 : index
        %swap3A_616 = tpu.vector_load %arg12[%swap3A_614, %swap3A_615] {strides = array<i32>} : memref<512x32xf32, #tpu.memory_space<vmem>>, vector<1x16xf32>,
        %swap3A_617 = vector.shape_cast %swap3A_616 : vector<1x16xf32> to vector<16xf32>
        %swap3A_618 = vector.shape_cast %add3A_611 : vector<16xf32> to vector<1x16xf32>
        tpu.vector_store %arg12[%swap3A_614, %swap3A_615], %swap3A_618 {strides = array<i32>} : memref<512x32xf32, #tpu.memory_space<vmem>>, vector<1x16xf32>,
        %add3A_619 = arith.constant 2 : i32
        %add3A_620 = arith.addi %mul3A_540, %add3A_619 : i32
        %get3A_621 = arith.index_cast %add3A_620 : i32 to index
        %get3A_622 = arith.constant 0 : index
        %get3A_623 = tpu.vector_load %arg10[%get3A_621, %get3A_622] {strides = array<i32>} : memref<512x32xf32, #tpu.memory_space<vmem>>, vector<1x16xf32>,
        %get3A_624 = vector.shape_cast %get3A_623 : vector<1x16xf32> to vector<16xf32>
        %add3A_625 = arith.constant 2 : i32
        %add3A_626 = arith.addi %mul3A_540, %add3A_625 : i32
        %get3A_627 = arith.index_cast %add3A_626 : i32 to index
        %get3A_628 = arith.constant 0 : index
        %get3A_629 = tpu.vector_load %arg11[%get3A_627, %get3A_628] {strides = array<i32>} : memref<512x32xf32, #tpu.memory_space<vmem>>, vector<1x16xf32>,
        %get3A_630 = vector.shape_cast %get3A_629 : vector<1x16xf32> to vector<16xf32>
        %add3A_631 = arith.addf %get3A_624, %get3A_630 : vector<16xf32>
        %add3A_632 = arith.constant 2 : i32
        %add3A_633 = arith.addi %mul3A_540, %add3A_632 : i32
        %swap3A_634 = arith.index_cast %add3A_633 : i32 to index
        %swap3A_635 = arith.constant 0 : index
        %swap3A_636 = tpu.vector_load %arg12[%swap3A_634, %swap3A_635] {strides = array<i32>} : memref<512x32xf32, #tpu.memory_space<vmem>>, vector<1x16xf32>,
        %swap3A_637 = vector.shape_cast %swap3A_636 : vector<1x16xf32> to vector<16xf32>
        %swap3A_638 = vector.shape_cast %add3A_631 : vector<16xf32> to vector<1x16xf32>
        tpu.vector_store %arg12[%swap3A_634, %swap3A_635], %swap3A_638 {strides = array<i32>} : memref<512x32xf32, #tpu.memory_space<vmem>>, vector<1x16xf32>,
        %add3A_639 = arith.constant 2 : i32
        %add3A_640 = arith.addi %mul3A_540, %add3A_639 : i32
        %get3A_641 = arith.index_cast %add3A_640 : i32 to index
        %get3A_642 = arith.constant 16 : index
        %get3A_643 = tpu.vector_load %arg10[%get3A_641, %get3A_642] {strides = array<i32>} : memref<512x32xf32, #tpu.memory_space<vmem>>, vector<1x16xf32>,
        %get3A_644 = vector.shape_cast %get3A_643 : vector<1x16xf32> to vector<16xf32>
        %add3A_645 = arith.constant 2 : i32
        %add3A_646 = arith.addi %mul3A_540, %add3A_645 : i32
        %get3A_647 = arith.index_cast %add3A_646 : i32 to index
        %get3A_648 = arith.constant 16 : index
        %get3A_649 = tpu.vector_load %arg11[%get3A_647, %get3A_648] {strides = array<i32>} : memref<512x32xf32, #tpu.memory_space<vmem>>, vector<1x16xf32>,
        %get3A_650 = vector.shape_cast %get3A_649 : vector<1x16xf32> to vector<16xf32>
        %add3A_651 = arith.addf %get3A_644, %get3A_650 : vector<16xf32>
        %add3A_652 = arith.constant 2 : i32
        %add3A_653 = arith.addi %mul3A_540, %add3A_652 : i32
        %swap3A_654 = arith.index_cast %add3A_653 : i32 to index
        %swap3A_655 = arith.constant 16 : index
        %swap3A_656 = tpu.vector_load %arg12[%swap3A_654, %swap3A_655] {strides = array<i32>} : memref<512x32xf32, #tpu.memory_space<vmem>>, vector<1x16xf32>,
        %swap3A_657 = vector.shape_cast %swap3A_656 : vector<1x16xf32> to vector<16xf32>
        %swap3A_658 = vector.shape_cast %add3A_651 : vector<16xf32> to vector<1x16xf32>
        tpu.vector_store %arg12[%swap3A_654, %swap3A_655], %swap3A_658 {strides = array<i32>} : memref<512x32xf32, #tpu.memory_space<vmem>>, vector<1x16xf32>,
        %add3A_659 = arith.constant 3 : i32
        %add3A_660 = arith.addi %mul3A_540, %add3A_659 : i32
        %get3A_661 = arith.index_cast %add3A_660 : i32 to index
        %get3A_662 = arith.constant 0 : index
        %get3A_663 = tpu.vector_load %arg10[%get3A_661, %get3A_662] {strides = array<i32>} : memref<512x32xf32, #tpu.memory_space<vmem>>, vector<1x16xf32>,
        %get3A_664 = vector.shape_cast %get3A_663 : vector<1x16xf32> to vector<16xf32>
        %add3A_665 = arith.constant 3 : i32
        %add3A_666 = arith.addi %mul3A_540, %add3A_665 : i32
        %get3A_667 = arith.index_cast %add3A_666 : i32 to index
        %get3A_668 = arith.constant 0 : index
        %get3A_669 = tpu.vector_load %arg11[%get3A_667, %get3A_668] {strides = array<i32>} : memref<512x32xf32, #tpu.memory_space<vmem>>, vector<1x16xf32>,
        %get3A_670 = vector.shape_cast %get3A_669 : vector<1x16xf32> to vector<16xf32>
        %add3A_671 = arith.addf %get3A_664, %get3A_670 : vector<16xf32>
        %add3A_672 = arith.constant 3 : i32
        %add3A_673 = arith.addi %mul3A_540, %add3A_672 : i32
        %swap3A_674 = arith.index_cast %add3A_673 : i32 to index
        %swap3A_675 = arith.constant 0 : index
        %swap3A_676 = tpu.vector_load %arg12[%swap3A_674, %swap3A_675] {strides = array<i32>} : memref<512x32xf32, #tpu.memory_space<vmem>>, vector<1x16xf32>,
        %swap3A_677 = vector.shape_cast %swap3A_676 : vector<1x16xf32> to vector<16xf32>
        %swap3A_678 = vector.shape_cast %add3A_671 : vector<16xf32> to vector<1x16xf32>
        tpu.vector_store %arg12[%swap3A_674, %swap3A_675], %swap3A_678 {strides = array<i32>} : memref<512x32xf32, #tpu.memory_space<vmem>>, vector<1x16xf32>,
        %add3A_679 = arith.constant 3 : i32
        %add3A_680 = arith.addi %mul3A_540, %add3A_679 : i32
        %get3A_681 = arith.index_cast %add3A_680 : i32 to index
        %get3A_682 = arith.constant 16 : index
        %get3A_683 = tpu.vector_load %arg10[%get3A_681, %get3A_682] {strides = array<i32>} : memref<512x32xf32, #tpu.memory_space<vmem>>, vector<1x16xf32>,
        %get3A_684 = vector.shape_cast %get3A_683 : vector<1x16xf32> to vector<16xf32>
        %add3A_685 = arith.constant 3 : i32
        %add3A_686 = arith.addi %mul3A_540, %add3A_685 : i32
        %get3A_687 = arith.index_cast %add3A_686 : i32 to index
        %get3A_688 = arith.constant 16 : index
        %get3A_689 = tpu.vector_load %arg11[%get3A_687, %get3A_688] {strides = array<i32>} : memref<512x32xf32, #tpu.memory_space<vmem>>, vector<1x16xf32>,
        %get3A_690 = vector.shape_cast %get3A_689 : vector<1x16xf32> to vector<16xf32>
        %add3A_691 = arith.addf %get3A_684, %get3A_690 : vector<16xf32>
        %add3A_692 = arith.constant 3 : i32
        %add3A_693 = arith.addi %mul3A_540, %add3A_692 : i32
        %swap3A_694 = arith.index_cast %add3A_693 : i32 to index
        %swap3A_695 = arith.constant 16 : index
        %swap3A_696 = tpu.vector_load %arg12[%swap3A_694, %swap3A_695] {strides = array<i32>} : memref<512x32xf32, #tpu.memory_space<vmem>>, vector<1x16xf32>,
        %swap3A_697 = vector.shape_cast %swap3A_696 : vector<1x16xf32> to vector<16xf32>
        %swap3A_698 = vector.shape_cast %add3A_691 : vector<16xf32> to vector<1x16xf32>
        tpu.vector_store %arg12[%swap3A_694, %swap3A_695], %swap3A_698 {strides = array<i32>} : memref<512x32xf32, #tpu.memory_space<vmem>>, vector<1x16xf32>,
        %add3A_699 = arith.constant 4 : i32
        %add3A_700 = arith.addi %mul3A_540, %add3A_699 : i32
        %get3A_701 = arith.index_cast %add3A_700 : i32 to index
        %get3A_702 = arith.constant 0 : index
        %get3A_703 = tpu.vector_load %arg10[%get3A_701, %get3A_702] {strides = array<i32>} : memref<512x32xf32, #tpu.memory_space<vmem>>, vector<1x16xf32>,
        %get3A_704 = vector.shape_cast %get3A_703 : vector<1x16xf32> to vector<16xf32>
        %add3A_705 = arith.constant 4 : i32
        %add3A_706 = arith.addi %mul3A_540, %add3A_705 : i32
        %get3A_707 = arith.index_cast %add3A_706 : i32 to index
        %get3A_708 = arith.constant 0 : index
        %get3A_709 = tpu.vector_load %arg11[%get3A_707, %get3A_708] {strides = array<i32>} : memref<512x32xf32, #tpu.memory_space<vmem>>, vector<1x16xf32>,
        %get3A_710 = vector.shape_cast %get3A_709 : vector<1x16xf32> to vector<16xf32>
        %add3A_711 = arith.addf %get3A_704, %get3A_710 : vector<16xf32>
        %add3A_712 = arith.constant 4 : i32
        %add3A_713 = arith.addi %mul3A_540, %add3A_712 : i32
        %swap3A_714 = arith.index_cast %add3A_713 : i32 to index
        %swap3A_715 = arith.constant 0 : index
        %swap3A_716 = tpu.vector_load %arg12[%swap3A_714, %swap3A_715] {strides = array<i32>} : memref<512x32xf32, #tpu.memory_space<vmem>>, vector<1x16xf32>,
        %swap3A_717 = vector.shape_cast %swap3A_716 : vector<1x16xf32> to vector<16xf32>
        %swap3A_718 = vector.shape_cast %add3A_711 : vector<16xf32> to vector<1x16xf32>
        tpu.vector_store %arg12[%swap3A_714, %swap3A_715], %swap3A_718 {strides = array<i32>} : memref<512x32xf32, #tpu.memory_space<vmem>>, vector<1x16xf32>,
        %add3A_719 = arith.constant 4 : i32
        %add3A_720 = arith.addi %mul3A_540, %add3A_719 : i32
        %get3A_721 = arith.index_cast %add3A_720 : i32 to index
        %get3A_722 = arith.constant 16 : index
        %get3A_723 = tpu.vector_load %arg10[%get3A_721, %get3A_722] {strides = array<i32>} : memref<512x32xf32, #tpu.memory_space<vmem>>, vector<1x16xf32>,
        %get3A_724 = vector.shape_cast %get3A_723 : vector<1x16xf32> to vector<16xf32>
        %add3A_725 = arith.constant 4 : i32
        %add3A_726 = arith.addi %mul3A_540, %add3A_725 : i32
        %get3A_727 = arith.index_cast %add3A_726 : i32 to index
        %get3A_728 = arith.constant 16 : index
        %get3A_729 = tpu.vector_load %arg11[%get3A_727, %get3A_728] {strides = array<i32>} : memref<512x32xf32, #tpu.memory_space<vmem>>, vector<1x16xf32>,
        %get3A_730 = vector.shape_cast %get3A_729 : vector<1x16xf32> to vector<16xf32>
        %add3A_731 = arith.addf %get3A_724, %get3A_730 : vector<16xf32>
        %add3A_732 = arith.constant 4 : i32
        %add3A_733 = arith.addi %mul3A_540, %add3A_732 : i32
        %swap3A_734 = arith.index_cast %add3A_733 : i32 to index
        %swap3A_735 = arith.constant 16 : index
        %swap3A_736 = tpu.vector_load %arg12[%swap3A_734, %swap3A_735] {strides = array<i32>} : memref<512x32xf32, #tpu.memory_space<vmem>>, vector<1x16xf32>,
        %swap3A_737 = vector.shape_cast %swap3A_736 : vector<1x16xf32> to vector<16xf32>
        %swap3A_738 = vector.shape_cast %add3A_731 : vector<16xf32> to vector<1x16xf32>
        tpu.vector_store %arg12[%swap3A_734, %swap3A_735], %swap3A_738 {strides = array<i32>} : memref<512x32xf32, #tpu.memory_space<vmem>>, vector<1x16xf32>,
        %add3A_739 = arith.constant 5 : i32
        %add3A_740 = arith.addi %mul3A_540, %add3A_739 : i32
        %get3A_741 = arith.index_cast %add3A_740 : i32 to index
        %get3A_742 = arith.constant 0 : index
        %get3A_743 = tpu.vector_load %arg10[%get3A_741, %get3A_742] {strides = array<i32>} : memref<512x32xf32, #tpu.memory_space<vmem>>, vector<1x16xf32>,
        %get3A_744 = vector.shape_cast %get3A_743 : vector<1x16xf32> to vector<16xf32>
        %add3A_745 = arith.constant 5 : i32
        %add3A_746 = arith.addi %mul3A_540, %add3A_745 : i32
        %get3A_747 = arith.index_cast %add3A_746 : i32 to index
        %get3A_748 = arith.constant 0 : index
        %get3A_749 = tpu.vector_load %arg11[%get3A_747, %get3A_748] {strides = array<i32>} : memref<512x32xf32, #tpu.memory_space<vmem>>, vector<1x16xf32>,
        %get3A_750 = vector.shape_cast %get3A_749 : vector<1x16xf32> to vector<16xf32>
        %add3A_751 = arith.addf %get3A_744, %get3A_750 : vector<16xf32>
        %add3A_752 = arith.constant 5 : i32
        %add3A_753 = arith.addi %mul3A_540, %add3A_752 : i32
        %swap3A_754 = arith.index_cast %add3A_753 : i32 to index
        %swap3A_755 = arith.constant 0 : index
        %swap3A_756 = tpu.vector_load %arg12[%swap3A_754, %swap3A_755] {strides = array<i32>} : memref<512x32xf32, #tpu.memory_space<vmem>>, vector<1x16xf32>,
        %swap3A_757 = vector.shape_cast %swap3A_756 : vector<1x16xf32> to vector<16xf32>
        %swap3A_758 = vector.shape_cast %add3A_751 : vector<16xf32> to vector<1x16xf32>
        tpu.vector_store %arg12[%swap3A_754, %swap3A_755], %swap3A_758 {strides = array<i32>} : memref<512x32xf32, #tpu.memory_space<vmem>>, vector<1x16xf32>,
        %add3A_759 = arith.constant 5 : i32
        %add3A_760 = arith.addi %mul3A_540, %add3A_759 : i32
        %get3A_761 = arith.index_cast %add3A_760 : i32 to index
        %get3A_762 = arith.constant 16 : index
        %get3A_763 = tpu.vector_load %arg10[%get3A_761, %get3A_762] {strides = array<i32>} : memref<512x32xf32, #tpu.memory_space<vmem>>, vector<1x16xf32>,
        %get3A_764 = vector.shape_cast %get3A_763 : vector<1x16xf32> to vector<16xf32>
        %add3A_765 = arith.constant 5 : i32
        %add3A_766 = arith.addi %mul3A_540, %add3A_765 : i32
        %get3A_767 = arith.index_cast %add3A_766 : i32 to index
        %get3A_768 = arith.constant 16 : index
        %get3A_769 = tpu.vector_load %arg11[%get3A_767, %get3A_768] {strides = array<i32>} : memref<512x32xf32, #tpu.memory_space<vmem>>, vector<1x16xf32>,
        %get3A_770 = vector.shape_cast %get3A_769 : vector<1x16xf32> to vector<16xf32>
        %add3A_771 = arith.addf %get3A_764, %get3A_770 : vector<16xf32>
        %add3A_772 = arith.constant 5 : i32
        %add3A_773 = arith.addi %mul3A_540, %add3A_772 : i32
        %swap3A_774 = arith.index_cast %add3A_773 : i32 to index
        %swap3A_775 = arith.constant 16 : index
        %swap3A_776 = tpu.vector_load %arg12[%swap3A_774, %swap3A_775] {strides = array<i32>} : memref<512x32xf32, #tpu.memory_space<vmem>>, vector<1x16xf32>,
        %swap3A_777 = vector.shape_cast %swap3A_776 : vector<1x16xf32> to vector<16xf32>
        %swap3A_778 = vector.shape_cast %add3A_771 : vector<16xf32> to vector<1x16xf32>
        tpu.vector_store %arg12[%swap3A_774, %swap3A_775], %swap3A_778 {strides = array<i32>} : memref<512x32xf32, #tpu.memory_space<vmem>>, vector<1x16xf32>,
        %add3A_779 = arith.constant 6 : i32
        %add3A_780 = arith.addi %mul3A_540, %add3A_779 : i32
        %get3A_781 = arith.index_cast %add3A_780 : i32 to index
        %get3A_782 = arith.constant 0 : index
        %get3A_783 = tpu.vector_load %arg10[%get3A_781, %get3A_782] {strides = array<i32>} : memref<512x32xf32, #tpu.memory_space<vmem>>, vector<1x16xf32>,
        %get3A_784 = vector.shape_cast %get3A_783 : vector<1x16xf32> to vector<16xf32>
        %add3A_785 = arith.constant 6 : i32
        %add3A_786 = arith.addi %mul3A_540, %add3A_785 : i32
        %get3A_787 = arith.index_cast %add3A_786 : i32 to index
        %get3A_788 = arith.constant 0 : index
        %get3A_789 = tpu.vector_load %arg11[%get3A_787, %get3A_788] {strides = array<i32>} : memref<512x32xf32, #tpu.memory_space<vmem>>, vector<1x16xf32>,
        %get3A_790 = vector.shape_cast %get3A_789 : vector<1x16xf32> to vector<16xf32>
        %add3A_791 = arith.addf %get3A_784, %get3A_790 : vector<16xf32>
        %add3A_792 = arith.constant 6 : i32
        %add3A_793 = arith.addi %mul3A_540, %add3A_792 : i32
        %swap3A_794 = arith.index_cast %add3A_793 : i32 to index
        %swap3A_795 = arith.constant 0 : index
        %swap3A_796 = tpu.vector_load %arg12[%swap3A_794, %swap3A_795] {strides = array<i32>} : memref<512x32xf32, #tpu.memory_space<vmem>>, vector<1x16xf32>,
        %swap3A_797 = vector.shape_cast %swap3A_796 : vector<1x16xf32> to vector<16xf32>
        %swap3A_798 = vector.shape_cast %add3A_791 : vector<16xf32> to vector<1x16xf32>
        tpu.vector_store %arg12[%swap3A_794, %swap3A_795], %swap3A_798 {strides = array<i32>} : memref<512x32xf32, #tpu.memory_space<vmem>>, vector<1x16xf32>,
        %add3A_799 = arith.constant 6 : i32
        %add3A_800 = arith.addi %mul3A_540, %add3A_799 : i32
        %get3A_801 = arith.index_cast %add3A_800 : i32 to index
        %get3A_802 = arith.constant 16 : index
        %get3A_803 = tpu.vector_load %arg10[%get3A_801, %get3A_802] {strides = array<i32>} : memref<512x32xf32, #tpu.memory_space<vmem>>, vector<1x16xf32>,
        %get3A_804 = vector.shape_cast %get3A_803 : vector<1x16xf32> to vector<16xf32>
        %add3A_805 = arith.constant 6 : i32
        %add3A_806 = arith.addi %mul3A_540, %add3A_805 : i32
        %get3A_807 = arith.index_cast %add3A_806 : i32 to index
        %get3A_808 = arith.constant 16 : index
        %get3A_809 = tpu.vector_load %arg11[%get3A_807, %get3A_808] {strides = array<i32>} : memref<512x32xf32, #tpu.memory_space<vmem>>, vector<1x16xf32>,
        %get3A_810 = vector.shape_cast %get3A_809 : vector<1x16xf32> to vector<16xf32>
        %add3A_811 = arith.addf %get3A_804, %get3A_810 : vector<16xf32>
        %add3A_812 = arith.constant 6 : i32
        %add3A_813 = arith.addi %mul3A_540, %add3A_812 : i32
        %swap3A_814 = arith.index_cast %add3A_813 : i32 to index
        %swap3A_815 = arith.constant 16 : index
        %swap3A_816 = tpu.vector_load %arg12[%swap3A_814, %swap3A_815] {strides = array<i32>} : memref<512x32xf32, #tpu.memory_space<vmem>>, vector<1x16xf32>,
        %swap3A_817 = vector.shape_cast %swap3A_816 : vector<1x16xf32> to vector<16xf32>
        %swap3A_818 = vector.shape_cast %add3A_811 : vector<16xf32> to vector<1x16xf32>
        tpu.vector_store %arg12[%swap3A_814, %swap3A_815], %swap3A_818 {strides = array<i32>} : memref<512x32xf32, #tpu.memory_space<vmem>>, vector<1x16xf32>,
        %add3A_819 = arith.constant 7 : i32
        %add3A_820 = arith.addi %mul3A_540, %add3A_819 : i32
        %get3A_821 = arith.index_cast %add3A_820 : i32 to index
        %get3A_822 = arith.constant 0 : index
        %get3A_823 = tpu.vector_load %arg10[%get3A_821, %get3A_822] {strides = array<i32>} : memref<512x32xf32, #tpu.memory_space<vmem>>, vector<1x16xf32>,
        %get3A_824 = vector.shape_cast %get3A_823 : vector<1x16xf32> to vector<16xf32>
        %add3A_825 = arith.constant 7 : i32
        %add3A_826 = arith.addi %mul3A_540, %add3A_825 : i32
        %get3A_827 = arith.index_cast %add3A_826 : i32 to index
        %get3A_828 = arith.constant 0 : index
        %get3A_829 = tpu.vector_load %arg11[%get3A_827, %get3A_828] {strides = array<i32>} : memref<512x32xf32, #tpu.memory_space<vmem>>, vector<1x16xf32>,
        %get3A_830 = vector.shape_cast %get3A_829 : vector<1x16xf32> to vector<16xf32>
        %add3A_831 = arith.addf %get3A_824, %get3A_830 : vector<16xf32>
        %add3A_832 = arith.constant 7 : i32
        %add3A_833 = arith.addi %mul3A_540, %add3A_832 : i32
        %swap3A_834 = arith.index_cast %add3A_833 : i32 to index
        %swap3A_835 = arith.constant 0 : index
        %swap3A_836 = tpu.vector_load %arg12[%swap3A_834, %swap3A_835] {strides = array<i32>} : memref<512x32xf32, #tpu.memory_space<vmem>>, vector<1x16xf32>,
        %swap3A_837 = vector.shape_cast %swap3A_836 : vector<1x16xf32> to vector<16xf32>
        %swap3A_838 = vector.shape_cast %add3A_831 : vector<16xf32> to vector<1x16xf32>
        tpu.vector_store %arg12[%swap3A_834, %swap3A_835], %swap3A_838 {strides = array<i32>} : memref<512x32xf32, #tpu.memory_space<vmem>>, vector<1x16xf32>,
        %add3A_839 = arith.constant 7 : i32
        %add3A_840 = arith.addi %mul3A_540, %add3A_839 : i32
        %get3A_841 = arith.index_cast %add3A_840 : i32 to index
        %get3A_842 = arith.constant 16 : index
        %get3A_843 = tpu.vector_load %arg10[%get3A_841, %get3A_842] {strides = array<i32>} : memref<512x32xf32, #tpu.memory_space<vmem>>, vector<1x16xf32>,
        %get3A_844 = vector.shape_cast %get3A_843 : vector<1x16xf32> to vector<16xf32>
        %add3A_845 = arith.constant 7 : i32
        %add3A_846 = arith.addi %mul3A_540, %add3A_845 : i32
        %get3A_847 = arith.index_cast %add3A_846 : i32 to index
        %get3A_848 = arith.constant 16 : index
        %get3A_849 = tpu.vector_load %arg11[%get3A_847, %get3A_848] {strides = array<i32>} : memref<512x32xf32, #tpu.memory_space<vmem>>, vector<1x16xf32>,
        %get3A_850 = vector.shape_cast %get3A_849 : vector<1x16xf32> to vector<16xf32>
        %add3A_851 = arith.addf %get3A_844, %get3A_850 : vector<16xf32>
        %add3A_852 = arith.constant 7 : i32
        %add3A_853 = arith.addi %mul3A_540, %add3A_852 : i32
        %swap3A_854 = arith.index_cast %add3A_853 : i32 to index
        %swap3A_855 = arith.constant 16 : index
        %swap3A_856 = tpu.vector_load %arg12[%swap3A_854, %swap3A_855] {strides = array<i32>} : memref<512x32xf32, #tpu.memory_space<vmem>>, vector<1x16xf32>,
        %swap3A_857 = vector.shape_cast %swap3A_856 : vector<1x16xf32> to vector<16xf32>
        %swap3A_858 = vector.shape_cast %add3A_851 : vector<16xf32> to vector<1x16xf32>
        tpu.vector_store %arg12[%swap3A_854, %swap3A_855], %swap3A_858 {strides = array<i32>} : memref<512x32xf32, #tpu.memory_space<vmem>>, vector<1x16xf32>,
      }
      %scan3A_474 = arith.constant 64 : i32
      %add3A_475 = arith.addi %mul3A_2, %add3A_455 : i32
      %mul3A_476 = arith.constant 512 : i32
      %mul3A_477 = arith.muli %add3A_475, %mul3A_476 : i32
      %dma_start3A_478 = arith.constant 0 : i32
      %dma_start3A_479 = tpu.memref_slice %arg5[%mul3A_477, %dma_start3A_478] : memref<524288x32xf32, #tpu.memory_space<hbm>> -> memref<512x32xf32, #tpu.memory_space<hbm>>
      %dma_start3A_480 = arith.constant 0 : i32
      %dma_start3A_481 = tpu.memref_slice %arg5[%mul3A_477, %dma_start3A_480] : memref<524288x32xf32, #tpu.memory_space<hbm>> -> memref<512x32xf32, #tpu.memory_space<hbm>>
      tpu.enqueue_dma source(%arg12 : memref<512x32xf32, #tpu.memory_space<vmem>>) target(%dma_start3A_481 : memref<512x32xf32, #tpu.memory_space<hbm>>) target_semaphore(%arg17 : memref<!tpu.dma_semaphore, #tpu.memory_space<semaphore_mem>>)
      %add3A_482 = arith.constant 4 : i32
      %add3A_483 = arith.addi %add3A_455, %add3A_482 : i32
      %rem3A_484 = arith.constant 32 : i32
      %rem3A_485 = arith.remsi %add3A_483, %rem3A_484 : i32
      %mul3A_486 = arith.constant 4 : i32
      %mul3A_487 = arith.muli %rem3A_485, %mul3A_486 : i32
      %add3A_488 = arith.constant 0 : i32
      %add3A_489 = arith.addi %mul3A_487, %add3A_488 : i32
      %dma_start3A_490 = arith.constant 0 : i32
      %dma_start3A_491 = arith.constant 0 : i32
      %dma_start3A_492 = tpu.memref_slice %arg10[%dma_start3A_490, %dma_start3A_491] : memref<512x32xf32, #tpu.memory_space<vmem>> -> memref<128x32xf32, #tpu.memory_space<vmem>>
      %dma_start3A_493 = arith.constant 0 : i32
      %dma_start3A_494 = tpu.memref_slice %arg6[%add3A_489, %dma_start3A_493] : memref<128x128xi32, #tpu.memory_space<vmem>> -> memref<1x128xi32, #tpu.memory_space<vmem>>
      %dma_start3A_495 = tpu.memref_squeeze %dma_start3A_494 : memref<1x128xi32, #tpu.memory_space<vmem>> -> memref<128xi32, #tpu.memory_space<vmem>>
      %dma_start3A_496 = arith.constant 0 : i32
      %dma_start3A_497 = arith.constant 0 : i32
      %dma_start3A_498 = tpu.memref_slice %arg3[%dma_start3A_496, %dma_start3A_497] : memref<1000000x32xf32, #tpu.memory_space<hbm>> -> memref<1000000x32xf32, #tpu.memory_space<hbm>>
      tpu.enqueue_indirect_dma source(%dma_start3A_498 : memref<1000000x32xf32, #tpu.memory_space<hbm>>) target(%dma_start3A_492 : memref<128x32xf32, #tpu.memory_space<vmem>>) offsets(%dma_start3A_495 : memref<128xi32, #tpu.memory_space<vmem>>) semaphore(%arg16 : memref<!tpu.dma_semaphore, #tpu.memory_space<semaphore_mem>>)
      %mul3A_499 = arith.constant 4 : i32
      %mul3A_500 = arith.muli %rem3A_485, %mul3A_499 : i32
      %add3A_501 = arith.constant 1 : i32
      %add3A_502 = arith.addi %mul3A_500, %add3A_501 : i32
      %dma_start3A_503 = arith.constant 128 : i32
      %dma_start3A_504 = arith.constant 0 : i32
      %dma_start3A_505 = tpu.memref_slice %arg10[%dma_start3A_503, %dma_start3A_504] : memref<512x32xf32, #tpu.memory_space<vmem>> -> memref<128x32xf32, #tpu.memory_space<vmem>>
      %dma_start3A_506 = arith.constant 0 : i32
      %dma_start3A_507 = tpu.memref_slice %arg6[%add3A_502, %dma_start3A_506] : memref<128x128xi32, #tpu.memory_space<vmem>> -> memref<1x128xi32, #tpu.memory_space<vmem>>
      %dma_start3A_508 = tpu.memref_squeeze %dma_start3A_507 : memref<1x128xi32, #tpu.memory_space<vmem>> -> memref<128xi32, #tpu.memory_space<vmem>>
      %dma_start3A_509 = arith.constant 0 : i32
      %dma_start3A_510 = arith.constant 0 : i32
      %dma_start3A_511 = tpu.memref_slice %arg3[%dma_start3A_509, %dma_start3A_510] : memref<1000000x32xf32, #tpu.memory_space<hbm>> -> memref<1000000x32xf32, #tpu.memory_space<hbm>>
      tpu.enqueue_indirect_dma source(%dma_start3A_511 : memref<1000000x32xf32, #tpu.memory_space<hbm>>) target(%dma_start3A_505 : memref<128x32xf32, #tpu.memory_space<vmem>>) offsets(%dma_start3A_508 : memref<128xi32, #tpu.memory_space<vmem>>) semaphore(%arg16 : memref<!tpu.dma_semaphore, #tpu.memory_space<semaphore_mem>>)
      %mul3A_512 = arith.constant 4 : i32
      %mul3A_513 = arith.muli %rem3A_485, %mul3A_512 : i32
      %add3A_514 = arith.constant 2 : i32
      %add3A_515 = arith.addi %mul3A_513, %add3A_514 : i32
      %dma_start3A_516 = arith.constant 256 : i32
      %dma_start3A_517 = arith.constant 0 : i32
      %dma_start3A_518 = tpu.memref_slice %arg10[%dma_start3A_516, %dma_start3A_517] : memref<512x32xf32, #tpu.memory_space<vmem>> -> memref<128x32xf32, #tpu.memory_space<vmem>>
      %dma_start3A_519 = arith.constant 0 : i32
      %dma_start3A_520 = tpu.memref_slice %arg6[%add3A_515, %dma_start3A_519] : memref<128x128xi32, #tpu.memory_space<vmem>> -> memref<1x128xi32, #tpu.memory_space<vmem>>
      %dma_start3A_521 = tpu.memref_squeeze %dma_start3A_520 : memref<1x128xi32, #tpu.memory_space<vmem>> -> memref<128xi32, #tpu.memory_space<vmem>>
      %dma_start3A_522 = arith.constant 0 : i32
      %dma_start3A_523 = arith.constant 0 : i32
      %dma_start3A_524 = tpu.memref_slice %arg3[%dma_start3A_522, %dma_start3A_523] : memref<1000000x32xf32, #tpu.memory_space<hbm>> -> memref<1000000x32xf32, #tpu.memory_space<hbm>>
      tpu.enqueue_indirect_dma source(%dma_start3A_524 : memref<1000000x32xf32, #tpu.memory_space<hbm>>) target(%dma_start3A_518 : memref<128x32xf32, #tpu.memory_space<vmem>>) offsets(%dma_start3A_521 : memref<128xi32, #tpu.memory_space<vmem>>) semaphore(%arg16 : memref<!tpu.dma_semaphore, #tpu.memory_space<semaphore_mem>>)
      %mul3A_525 = arith.constant 4 : i32
      %mul3A_526 = arith.muli %rem3A_485, %mul3A_525 : i32
      %add3A_527 = arith.constant 3 : i32
      %add3A_528 = arith.addi %mul3A_526, %add3A_527 : i32
      %dma_start3A_529 = arith.constant 384 : i32
      %dma_start3A_530 = arith.constant 0 : i32
      %dma_start3A_531 = tpu.memref_slice %arg10[%dma_start3A_529, %dma_start3A_530] : memref<512x32xf32, #tpu.memory_space<vmem>> -> memref<128x32xf32, #tpu.memory_space<vmem>>
      %dma_start3A_532 = arith.constant 0 : i32
      %dma_start3A_533 = tpu.memref_slice %arg6[%add3A_528, %dma_start3A_532] : memref<128x128xi32, #tpu.memory_space<vmem>> -> memref<1x128xi32, #tpu.memory_space<vmem>>
      %dma_start3A_534 = tpu.memref_squeeze %dma_start3A_533 : memref<1x128xi32, #tpu.memory_space<vmem>> -> memref<128xi32, #tpu.memory_space<vmem>>
      %dma_start3A_535 = arith.constant 0 : i32
      %dma_start3A_536 = arith.constant 0 : i32
      %dma_start3A_537 = tpu.memref_slice %arg3[%dma_start3A_535, %dma_start3A_536] : memref<1000000x32xf32, #tpu.memory_space<hbm>> -> memref<1000000x32xf32, #tpu.memory_space<hbm>>
      tpu.enqueue_indirect_dma source(%dma_start3A_537 : memref<1000000x32xf32, #tpu.memory_space<hbm>>) target(%dma_start3A_531 : memref<128x32xf32, #tpu.memory_space<vmem>>) offsets(%dma_start3A_534 : memref<128xi32, #tpu.memory_space<vmem>>) semaphore(%arg16 : memref<!tpu.dma_semaphore, #tpu.memory_space<semaphore_mem>>)
    }
    %scan3A_168 = arith.constant 8 : i32
    %dma_wait3A = arith.constant 0 : i32
    %dma_wait3A_169 = arith.constant 0 : i32
    %dma_wait3A_170 = tpu.memref_slice %arg3[%dma_wait3A, %dma_wait3A_169] : memref<1000000x32xf32, #tpu.memory_space<hbm>> -> memref<512x32xf32, #tpu.memory_space<hbm>>
    %dma_wait3A_171 = arith.constant 0 : i32
    %dma_wait3A_172 = arith.constant 0 : i32
    %dma_wait3A_173 = tpu.memref_slice %arg3[%dma_wait3A_171, %dma_wait3A_172] : memref<1000000x32xf32, #tpu.memory_space<hbm>> -> memref<512x32xf32, #tpu.memory_space<hbm>>
    tpu.wait_dma2 semaphore(%arg13 : memref<!tpu.dma_semaphore, #tpu.memory_space<semaphore_mem>>) src(%dma_wait3A_173 : memref<512x32xf32, #tpu.memory_space<hbm>>) dst(%arg7 : memref<512x32xf32, #tpu.memory_space<vmem>>)
    %dma_wait3A_174 = arith.constant 0 : i32
    %dma_wait3A_175 = arith.constant 0 : i32
    %dma_wait3A_176 = tpu.memref_slice %arg3[%dma_wait3A_174, %dma_wait3A_175] : memref<1000000x32xf32, #tpu.memory_space<hbm>> -> memref<512x32xf32, #tpu.memory_space<hbm>>
    %dma_wait3A_177 = arith.constant 0 : i32
    %dma_wait3A_178 = arith.constant 0 : i32
    %dma_wait3A_179 = tpu.memref_slice %arg3[%dma_wait3A_177, %dma_wait3A_178] : memref<1000000x32xf32, #tpu.memory_space<hbm>> -> memref<512x32xf32, #tpu.memory_space<hbm>>
    tpu.wait_dma2 semaphore(%arg14 : memref<!tpu.dma_semaphore, #tpu.memory_space<semaphore_mem>>) src(%dma_wait3A_179 : memref<512x32xf32, #tpu.memory_space<hbm>>) dst(%arg8 : memref<512x32xf32, #tpu.memory_space<vmem>>)
    %dma_wait3A_180 = arith.constant 0 : i32
    %dma_wait3A_181 = arith.constant 0 : i32
    %dma_wait3A_182 = tpu.memref_slice %arg3[%dma_wait3A_180, %dma_wait3A_181] : memref<1000000x32xf32, #tpu.memory_space<hbm>> -> memref<512x32xf32, #tpu.memory_space<hbm>>
    %dma_wait3A_183 = arith.constant 0 : i32
    %dma_wait3A_184 = arith.constant 0 : i32
    %dma_wait3A_185 = tpu.memref_slice %arg3[%dma_wait3A_183, %dma_wait3A_184] : memref<1000000x32xf32, #tpu.memory_space<hbm>> -> memref<512x32xf32, #tpu.memory_space<hbm>>
    tpu.wait_dma2 semaphore(%arg15 : memref<!tpu.dma_semaphore, #tpu.memory_space<semaphore_mem>>) src(%dma_wait3A_185 : memref<512x32xf32, #tpu.memory_space<hbm>>) dst(%arg9 : memref<512x32xf32, #tpu.memory_space<vmem>>)
    %dma_wait3A_186 = arith.constant 0 : i32
    %dma_wait3A_187 = arith.constant 0 : i32
    %dma_wait3A_188 = tpu.memref_slice %arg3[%dma_wait3A_186, %dma_wait3A_187] : memref<1000000x32xf32, #tpu.memory_space<hbm>> -> memref<512x32xf32, #tpu.memory_space<hbm>>
    %dma_wait3A_189 = arith.constant 0 : i32
    %dma_wait3A_190 = arith.constant 0 : i32
    %dma_wait3A_191 = tpu.memref_slice %arg3[%dma_wait3A_189, %dma_wait3A_190] : memref<1000000x32xf32, #tpu.memory_space<hbm>> -> memref<512x32xf32, #tpu.memory_space<hbm>>
    tpu.wait_dma2 semaphore(%arg16 : memref<!tpu.dma_semaphore, #tpu.memory_space<semaphore_mem>>) src(%dma_wait3A_191 : memref<512x32xf32, #tpu.memory_space<hbm>>) dst(%arg10 : memref<512x32xf32, #tpu.memory_space<vmem>>)
    %dma_wait3A_192 = arith.constant 0 : i32
    %dma_wait3A_193 = arith.constant 0 : i32
    %dma_wait3A_194 = tpu.memref_slice %arg3[%dma_wait3A_192, %dma_wait3A_193] : memref<1000000x32xf32, #tpu.memory_space<hbm>> -> memref<512x32xf32, #tpu.memory_space<hbm>>
    %dma_wait3A_195 = arith.constant 0 : i32
    %dma_wait3A_196 = arith.constant 0 : i32
    %dma_wait3A_197 = tpu.memref_slice %arg3[%dma_wait3A_195, %dma_wait3A_196] : memref<1000000x32xf32, #tpu.memory_space<hbm>> -> memref<512x32xf32, #tpu.memory_space<hbm>>
    tpu.wait_dma2 semaphore(%arg17 : memref<!tpu.dma_semaphore, #tpu.memory_space<semaphore_mem>>) src(%dma_wait3A_197 : memref<512x32xf32, #tpu.memory_space<hbm>>) dst(%arg12 : memref<512x32xf32, #tpu.memory_space<vmem>>)
    return
  }
}

</mosaic_0001>

<sc_bundles>
// kernel: kernel.3.cloned.1.call-start
scs
__scs_entry_jumppad:
0x0: {  	(pc) =	sbr.rel $0x88, $3  }
0x1: {  	(tag) =	ssettag $0x0;
	lr =	simm.s32 $0x1  }
0x2: {  	[smem:$0x3F9E] =	sst lr;
	_ =	strace $0xD0000000  }
0x3: {  	_ = 	snop  }
0x4: {  	_ = 	snop  }
0x5: {  	_ = 	snop  }
0x6: {  	_ = 	snop  }
0x7: {  	_ = 	snop  }
__scs_overlays_trampoline_lowered:
0x8: {  	[smem:$0x3FAD] =	sst s0  }
0x9: {  	[smem:$0x3FAE] =	sst s1  }
0xa: {  	[smem:$0x3FAF] =	sst s2  }
0xb: {  	[smem:$0x3FB0] =	sst s3  }
0xc: {  	[smem:$0x3FB1] =	sst s4  }
0xd: {  	[smem:$0x3FB2] =	sst s5  }
0xe: {  	[smem:$0x3FB3] =	sst s6  }
0xf: {  	[smem:$0x3FB4] =	sst s7  }
0x10: {  	[smem:$0x3FB5] =	sst s8  }
0x11: {  	[smem:$0x3FB6] =	sst s9;
	s0 =	simm.s32 @!p0 $0x0  }
0x12: {  	s1 =	sld [smem:$0x3F9C];
	s0 =	simm.s32 @p0 $0x1  }
0x13: {  	[smem:$0x3FB7] =	sst s0;
	s0 =	simm.s32 @!p1 $0x0  }
0x14: {  	s2 =	sld [smem:$0x3F9B];
	s0 =	simm.s32 @p1 $0x1  }
0x15: {  	[smem:$0x3FB8] =	sst s0;
	s0 =	simm.s32 @!p2 $0x0  }
0x16: {  	s3 =	sld [smem:$0x3FDB];
	s0 =	simm.s32 @p2 $0x1  }
0x17: {  	s4 =	simm.s32 $0x1BF5;
	[smem:$0x3FBA] =	sst s0  }
0x18: {  	s0 =	sld [smem:$0x3F9D];
	_ =	swait.ge [sflag:s4], $0x0  }
0x19: {  	s7 =	sld [smem:$0x3F9E]  }
0x1a: {  	s8 =	sadd.s32 $0xFFFFE003, lr  }
0x1b: {  	s9 =	sadd.s32 $0xFFFFFEF7, lr;
	s5 =	simm.s32 $0xFFFFFFFF;
	p2 =	slt.u32 s8, $0xFFFFF086  }
0x1c: {  	p1 =	slt.u32 s9, $0xF7A;
	s5 =	simm.s32 @!p2 $0x0  }
0x1d: {  	s5 =	simm.s32 @p1 $0x1;
	p0 =	seq.s32 s7, s2  }
0x1e: {  	s7 =	smul.u32 @!p0 $0xF7A, s2;
	p2 =	seq.s32 @!p0 s5, $0x0  }
0x1f: {  	s9 =	smul.u32 $0xF7A, s1;
	s8 =	simm.s32 @!p0 $0x1BF5;
	p2 =	por !p2, p0  }
0x20: {  	[sflag:s8] =	ssyncset.s32 @!p0 $0xFFFFF086;
	s6 =	sadd.s32 @!p0 s3, s7;
	s7 =	simm.s32 @!p0 $0x108  }
0x21: {  	s3 =	sadd.s32 s3, s9;
	s6 =	sadd.s32 @!p0 $0x88, s6;
	s7 =	simm.s32 @p2 $0x1082  }
0x22: {  	[simem:s7], [sflag:s8] =	dma.local @!p0 [hbm:s6], $0xF7A  }
0x23: {  	s9 =	sor.u32 $0xD0000000, s2;
	s6 =	simm.s32 $0x108;
	_ =	swait.ge @!p0 [sflag:s8], $0x0  }
0x24: {  	s3 =	sadd.s32 $0x88, s3;
	s6 =	simm.s32 @!p1 $0x1082;
	[sflag:s4] =	ssyncset.s32 $0xFFFFF086  }
0x25: {  	[simem:s6], [sflag:s4] =	dma.local [hbm:s3], $0xF7A  }
0x26: {  	[smem:$0x3F9E] =	sst s1;
	(tag) =	ssettag s2;
	_ =	strace s9  }
0x27: {  	s1 =	sld [smem:$0x3FAE]  }
0x28: {  	s2 =	sld [smem:$0x3FAF]  }
0x29: {  	s4 =	sld [smem:$0x3FB1]  }
0x2a: {  	p0 =	seq.s32 s5, $0x0;
	s5 =	sld [smem:$0x3FB2]  }
0x2b: {  	s6 =	sld [smem:$0x3FB3]  }
0x2c: {  	s7 =	sld [smem:$0x3FB4]  }
0x2d: {  	s3 =	simm.s32 $0x108;
	s8 =	sld [smem:$0x3FB5]  }
0x2e: {  	s3 =	simm.s32 @!p0 $0x1082;
	s9 =	sld [smem:$0x3FB6]  }
0x2f: {  	lr =	sadd.s32 s0, s3;
	s0 =	sld [smem:$0x3FAD]  }
0x30: {  	s3 =	sld [smem:$0x3FB0]  }
0x31: {  	[smem:$0x3FB9] =	sst s10  }
0x32: {  	s10 =	sld [smem:$0x3FB7];
	_ =	sdelay $0x3  }
0x33: {  	p0 =	seq.s32 s10, $0x1;
	s10 =	sld [smem:$0x3FB9];
	_ =	sdelay $0x3  }
0x34: {  	[smem:$0x3FB9] =	sst s10  }
0x35: {  	s10 =	sld [smem:$0x3FB8];
	_ =	sdelay $0x3  }
0x36: {  	p1 =	seq.s32 s10, $0x1;
	s10 =	sld [smem:$0x3FB9];
	_ =	sdelay $0x3  }
0x37: {  	[smem:$0x3FB9] =	sst s10  }
0x38: {  	s10 =	sld [smem:$0x3FBA]  }
0x39: {  	_ = 	snop;
	(pc) =	sbr.ind lr, $3  }
0x3a: {  	_ = 	snop  }
0x3b: {  	_ = 	snop  }
0x3c: {  	p2 =	seq.s32 s10, $0x1;
	s10 =	sld [smem:$0x3FB9]  }
0x3d: {  	_ =	shalt  }
0x3e: {  	_ =	shalt  }
0x3f: {  	_ =	shalt  }
0x40: {  	_ =	shalt  }
0x41: {  	_ =	shalt  }
0x42: {  	_ =	shalt  }
0x43: {  	_ =	shalt  }
0x44: {  	_ =	shalt  }
0x45: {  	_ =	shalt  }
0x46: {  	_ =	shalt  }
0x47: {  	_ =	shalt  }
0x48: {  	_ =	shalt  }
0x49: {  	_ =	shalt  }
0x4a: {  	_ =	shalt  }
0x4b: {  	_ =	shalt  }
0x4c: {  	_ =	shalt  }
0x4d: {  	_ =	shalt  }
0x4e: {  	_ =	shalt  }
0x4f: {  	_ =	shalt  }
0x50: {  	_ =	shalt  }
0x51: {  	_ =	shalt  }
0x52: {  	_ =	shalt  }
0x53: {  	_ =	shalt  }
0x54: {  	_ =	shalt  }
0x55: {  	_ =	shalt  }
0x56: {  	_ =	shalt  }
0x57: {  	_ =	shalt  }
0x58: {  	_ =	shalt  }
0x59: {  	_ =	shalt  }
0x5a: {  	_ =	shalt  }
0x5b: {  	_ =	shalt  }
0x5c: {  	_ =	shalt  }
0x5d: {  	_ =	shalt  }
0x5e: {  	_ =	shalt  }
0x5f: {  	_ =	shalt  }
0x60: {  	_ =	shalt  }
0x61: {  	_ =	shalt  }
0x62: {  	_ =	shalt  }
0x63: {  	_ =	shalt  }
0x64: {  	_ =	shalt  }
0x65: {  	_ =	shalt  }
0x66: {  	_ =	shalt  }
0x67: {  	_ =	shalt  }
0x68: {  	_ =	shalt  }
0x69: {  	_ =	shalt  }
0x6a: {  	_ =	shalt  }
0x6b: {  	_ =	shalt  }
0x6c: {  	_ =	shalt  }
0x6d: {  	_ =	shalt  }
0x6e: {  	_ =	shalt  }
0x6f: {  	_ =	shalt  }
0x70: {  	_ =	shalt  }
0x71: {  	_ =	shalt  }
0x72: {  	_ =	shalt  }
0x73: {  	_ =	shalt  }
0x74: {  	_ =	shalt  }
0x75: {  	_ =	shalt  }
0x76: {  	_ =	shalt  }
0x77: {  	_ =	shalt  }
0x78: {  	_ =	shalt  }
0x79: {  	_ =	shalt  }
0x7a: {  	_ =	shalt  }
0x7b: {  	_ =	shalt  }
0x7c: {  	_ =	shalt  }
0x7d: {  	_ =	shalt  }
0x7e: {  	_ =	shalt  }
0x7f: {  	_ =	shalt  }
0x80: {  	_ =	shalt  }
0x81: {  	_ =	shalt  }
0x82: {  	_ =	shalt  }
0x83: {  	_ =	shalt  }
0x84: {  	_ =	shalt  }
0x85: {  	_ =	shalt  }
0x86: {  	_ =	shalt  }
0x87: {  	_ =	shalt  }
.Lfunc_end0:
.L_simem_size_0:
called_computation.1_lowered:
.L_overlay_start_0:
0x88: {  	s2 =	sld [smem:$0x3FD9]  }
0x89: {  	s3 =	sld [smem:$0x3FFE];
	_ =	sdelay $0x1  }
0x8a: {  	s1 =	srdreg.scid  }
0x8b: {  	s0 =	sand.u32 $0x1, s1  }
0x8c: {  	s17 =	sshll.u32 s0, $0xA;
	s2 =	sadd.s32 s3, s2  }
0x8d: {  	s2 =	sadd.s32 s2, s17  }
0x8e: {  	[smem:$0x3FC5] =	sst s2  }
0x8f: {  	_ = 	snop  }
0x90: {  	s2 =	sld [smem:$0x3FD0];
	(tm) =	ssettm $0x1  }
0x91: {  	s18 =	sld [smem:$0x3FFB];
	_ =	sdelay $0x3  }
0x92: {  	_ =	strace s18  }
0x93: {  	s3 =	sld [smem:$0x3FFC];
	_ =	sdelay $0x3  }
0x94: {  	_ =	strace s3  }
0x95: {  	s3 =	sld [smem:$0x3FFD];
	_ =	sdelay $0x3  }
0x96: {  	_ =	strace s3  }
0x97: {  	_ =	strace $0x8FFFFFFF  }
0x98: {  	s19 =	sld [smem:$0x3FDB];
	_ =	sdelay $0x1  }
0x99: {  	s4 =	simm.s32 $_scs_section_size  }
0x9a: {  	s5 =	simm.s32 $_size__tile_overlayer_lowered;
	s6 =	simm.s32 $_tile_overlayer_lowered  }
0x9b: {  	s22 =	simm.s32 $0x1BFF;
	s21 =	sshll.u32 s6, $0x1;
	s3 =	sadd.s32 s4, s19  }
0x9c: {  	s7 =	simm.s32 $0x0;
	s20 =	sshll.u32 s5, $0x1;
	s5 =	sadd.s32 s21, s3  }
0x9d: {  	[timem:s7], [sflag:s22] =	dma.local [hbm:s5], s20  }
0x9e: {  	_ =	swait.ge [sflag:s22], s20  }
0x9f: {  	s4 =	ssub.s32 $0x0, s20;
	[sflag:s22] =	ssyncset.done $0x0  }
0xa0: {  	[sflag:s22] =	ssyncadd.s32 s4;
	_ =	sdelay $0x1  }
0xa1: {  	s23 =	simm.s32 $0x1B8B  }
0xa2: {  	_ =	swait.ge [sflag:s23], $0x1  }
0xa3: {  	[sflag:s23] =	ssyncset.done $0x0  }
0xa4: {  	s25 =	simm.s32 $0x1B8E;
	s24 =	sld [smem:$0x3FFE];
	[sflag:s23] =	ssyncadd.s32 $0xFFFFFFFF  }
0xa5: {  	s26 =	simm.s32 $execute0_lowered;
	[smem:$0x3FD2] =	sst s25  }
0xa6: {  	s5 =	sshll.u32 s26, $0x1;
	_ =	strace $0x80000046;
	[dreg:$0x1] =	wrdreg $0xFFFFFFFF  }
0xa7: {  	s28 =	simm.s32 $_size_execute0_lowered;
	s3 =	sadd.s32 s3, s5;
	[dreg:$0x0] =	wrdreg $0x0  }
0xa8: {  	s5 =	sshll.u32 s28, $0x1;
	[dreg:$0x2] =	wrdreg s3  }
0xa9: {  	[dreg:$0x3] =	wrdreg s5  }
0xaa: {  	[dreg:$0x4] =	wrdreg $0xC0  }
0xab: {  	_ =	task [dreg:s7], $0x5FFFF  }
0xac: {  	[dreg:$0x1] =	wrdreg $0xFFFFFFFF  }
0xad: {  	[dreg:$0x0] =	wrdreg $0x60  }
0xae: {  	[dreg:$0x2] =	wrdreg s24  }
0xaf: {  	[dreg:$0x3] =	wrdreg s2  }
0xb0: {  	[dreg:$0x4] =	wrdreg $0x9  }
0xb1: {  	_ =	task.clear_ibuf [dreg:s7], $0x5FFFF;
	_ =	strace $0x90000046  }
0xb2: {  	s29 =	simm.s32 $0x9;
	_ =	strace $0x80000048  }
0xb3: {  	_ =	swait.ge [sflag:s29], $0x1  }
0xb4: {  	[sflag:s29] =	ssyncadd.s32 $0xFFFFFFFF  }
0xb5: {  	_ =	strace $0x90000048  }
0xb6: {  	_ =	sfence  }
0xb7: {  	s30 =	sld [smem:$0x0];
	_ =	sdelay $0x2  }
0xb8: {  	s31 =	sshll.u32 s1, $0xD;
	s1 =	sshrl.u32 s1, $0x2  }
0xb9: {  	s3 =	sand.u32 $0x4000, s31;
	s1 =	sadd.s32 s1, s30  }
0xba: {  	s0 =	sor.u32 s3, s0;
	s1 =	sshll.u32 s1, $0x11  }
0xbb: {  	s0 =	sor.u32 s1, s0  }
0xbc: {  	s0 =	sadd.s32 $0x8F2B, s0  }
0xbd: {  	[sflag:s0] =	ssyncadd.remote.s32 $0x1  }
0xbe: {  	_ =	sfence.sel $0xFFFF  }
0xbf: {  	[dreg:$0x0] =	wrdreg $0xFFFFFFFF;
	(pc) =	sbr.abs _section_cstart, $3  }
0xc0: {  	[dreg:$0x1] =	wrdreg $0xFFFFFFFF  }
0xc1: {  	_ =	task.clear_ibuf [dreg:s7], $0x2FFFF;
	_ =	strace $0x9FFFFFFF  }
0xc2: {  	(tm) =	ssettm $0x7FFFFFFF  }
0xc3: {  	_ =	shalt  }
tec
execute0_lowered:
.L_overlay_start_1:
0x0: {  	(tag) =	ssettag $0x1  }
0x1: {  	s0 =	rddreg [dreg:$0x0]  }
0x2: {  	s2 =	rddreg [dreg:$0x1];
	s1 =	srdreg.scid  }
0x3: {  	s4 =	stileid.u32;
	s3 =	simm.s32 $0x0;
	s11 =	simm.s32 $0x80  }
0x4: {  	s15 =	simm.s32 $0x6000;
	s17 =	simm.s32 $0x7000;
	s19 =	simm.s32 $0x8000  }
0x5: {  	s21 =	simm.s32 $0x9000;
	s23 =	simm.s32 $0xA000;
	s28 =	simm.s32 $0xC000  }
0x6: {  	s30 =	simm.s32 $0xD000;
	s10 =	simm.s32 $0xF000;
	s16 =	simm.s32 $0x10000  }
0x7: {  	s20 =	simm.s32 $0x11000;
	s24 =	simm.s32 $0x12000;
	s29 =	simm.s32 $0x13000  }
0x8: {  	s31 =	simm.s32 $0x1;
	s14 =	simm.s32 $0x2;
	s18 =	simm.s32 $0x5  }
0x9: {  	s22 =	simm.s32 $0x3;
	s1 =	sand.u32 $0x1, s1;
	s4 =	sshll.u32 s4, $0x1  }
0xa: {  	[smem:$0x7FF] =	sst s3;
	s5 =	sor.u32 s1, s4;
	s1 =	ssub.s32 $0x2, s1  }
0xb: {  	_ =	strace $0x80000047;
	s4 =	sshll.u32 s5, $0xB;
	s6 =	sshrl.u32 s1, $0x1  }
0xc: {  	s7 =	sadd.s32 s4, s0;
	s4 =	sadd.s32 $0xF43000, s0;
	s0 =	sadd.s32 $0x10C00, s0  }
0xd: {  	s25 =	ssub.s32 s1, s6;
	s6 =	sshll.u32 s5, $0x5;
	s1 =	simm.s32 $0x18000  }
0xe: {  	[dreg:$0x3] =	wrdreg s0;
	s26 =	sadd.s32 $0xC00, s7;
	s0 =	smax.u32 s25, $0x1  }
0xf: {  	s25 =	simm.s32 $0xB000;
	s7 =	simm.s32 $0x0;
	[dreg:$0x4] =	wrdreg s26  }
0x10: {  	[dreg:$0x5] =	wrdreg s0;
	s0 =	simm.s32 $0xE000;
	s26 =	simm.s32 $0x4  }
.LBB2_1:
0x11: {  	[dreg:$0x6] =	wrdreg s7  }
0x12: {  	s5 =	rddreg [dreg:$0x4];
	s9 =	simm.s32 $0x6  }
0x13: {  	[tilespmem:s3], [sflag:$0x6] =	stream.linear.gather [hbm4b:s5+s3], $0x4000, $0x38;
	[tilespmem:$0x1C000] =	vst v63  }
0x14: {  	_ =	swait.ge [sflag:s9], $0x4000  }
0x15: {  	[sflag:s9] =	ssyncset.done $0x0  }
0x16: {  	s8 =	simm.s32 $0x14000;
	s12 =	rddreg [dreg:$0x3];
	[sflag:s9] =	ssyncadd.s32 $0xFFFFC000  }
0x17: {  	[tilespmem:s8], [sflag:$0x6] =	stream.linear.gather [hbm4b:s12+s3], $0x4000, $0x38;
	[tilespmem:$0x1C000] =	vst v63  }
0x18: {  	_ =	swait.ge [sflag:s9], $0x4000  }
0x19: {  	[sflag:s9] =	ssyncset.done $0x0  }
0x1a: {  	s13 =	simm.s32 $0x4000;
	[sflag:s9] =	ssyncadd.s32 $0xFFFFC000  }
0x1b: {  	[tilespmem:s13], [sflag:$0x1] =	stream.indirect.gather [hbm4b:s4+s11], $0x20, s3, s11, $0xb8;
	[tilespmem:$0x1C000] =	vst v63  }
0x1c: {  	s7 =	simm.s32 $0x5000  }
0x1d: {  	[tilespmem:s7], [sflag:$0x1] =	stream.indirect.gather [hbm4b:s4+s11], $0x20, s11, s11, $0xb8;
	[tilespmem:$0x1C000] =	vst v63  }
0x1e: {  	s8 =	simm.s32 $0x100  }
0x1f: {  	[tilespmem:s15], [sflag:$0x1] =	stream.indirect.gather [hbm4b:s4+s11], $0x20, s8, s11, $0xb8;
	[tilespmem:$0x1C000] =	vst v63  }
0x20: {  	s9 =	simm.s32 $0x180  }
0x21: {  	[tilespmem:s17], [sflag:$0x1] =	stream.indirect.gather [hbm4b:s4+s11], $0x20, s9, s11, $0xb8;
	[tilespmem:$0x1C000] =	vst v63  }
0x22: {  	s12 =	simm.s32 $0x200  }
0x23: {  	[tilespmem:s19], [sflag:$0x2] =	stream.indirect.gather [hbm4b:s4+s11], $0x20, s12, s11, $0xb8;
	[tilespmem:$0x1C000] =	vst v63  }
0x24: {  	s13 =	simm.s32 $0x280  }
0x25: {  	[tilespmem:s21], [sflag:$0x2] =	stream.indirect.gather [hbm4b:s4+s11], $0x20, s13, s11, $0xb8;
	[tilespmem:$0x1C000] =	vst v63  }
0x26: {  	s7 =	simm.s32 $0x300  }
0x27: {  	[tilespmem:s23], [sflag:$0x2] =	stream.indirect.gather [hbm4b:s4+s11], $0x20, s7, s11, $0xb8;
	[tilespmem:$0x1C000] =	vst v63  }
0x28: {  	s8 =	simm.s32 $0x380  }
0x29: {  	[tilespmem:s25], [sflag:$0x2] =	stream.indirect.gather [hbm4b:s4+s11], $0x20, s8, s11, $0xb8;
	[tilespmem:$0x1C000] =	vst v63  }
0x2a: {  	s9 =	simm.s32 $0x400  }
0x2b: {  	[tilespmem:s28], [sflag:$0x3] =	stream.indirect.gather [hbm4b:s4+s11], $0x20, s9, s11, $0xb8;
	[tilespmem:$0x1C000] =	vst v63  }
0x2c: {  	s12 =	simm.s32 $0x480  }
0x2d: {  	[tilespmem:s30], [sflag:$0x3] =	stream.indirect.gather [hbm4b:s4+s11], $0x20, s12, s11, $0xb8;
	[tilespmem:$0x1C000] =	vst v63  }
0x2e: {  	s13 =	simm.s32 $0x500  }
0x2f: {  	[tilespmem:s0], [sflag:$0x3] =	stream.indirect.gather [hbm4b:s4+s11], $0x20, s13, s11, $0xb8;
	[tilespmem:$0x1C000] =	vst v63  }
0x30: {  	s7 =	simm.s32 $0x580  }
0x31: {  	[tilespmem:s10], [sflag:$0x3] =	stream.indirect.gather [hbm4b:s4+s11], $0x20, s7, s11, $0xb8;
	[tilespmem:$0x1C000] =	vst v63  }
0x32: {  	s8 =	simm.s32 $0x600  }
0x33: {  	[tilespmem:s16], [sflag:$0x4] =	stream.indirect.gather [hbm4b:s4+s11], $0x20, s8, s11, $0xb8;
	[tilespmem:$0x1C000] =	vst v63  }
0x34: {  	s9 =	simm.s32 $0x680  }
0x35: {  	[tilespmem:s20], [sflag:$0x4] =	stream.indirect.gather [hbm4b:s4+s11], $0x20, s9, s11, $0xb8;
	[tilespmem:$0x1C000] =	vst v63  }
0x36: {  	s12 =	simm.s32 $0x700  }
0x37: {  	[tilespmem:s24], [sflag:$0x4] =	stream.indirect.gather [hbm4b:s4+s11], $0x20, s12, s11, $0xb8;
	[tilespmem:$0x1C000] =	vst v63  }
0x38: {  	s13 =	simm.s32 $0x780;
	s7 =	simm.s32 $0x0  }
0x39: {  	[tilespmem:s29], [sflag:$0x4] =	stream.indirect.gather [hbm4b:s4+s11], $0x20, s13, s11, $0xb8;
	[tilespmem:$0x1C000] =	vst v63  }
.LBB2_2:
0x3a: {  	_ =	swait.ge [sflag:s31], $0x4000  }
0x3b: {  	p0 =	seq.s32 s7, $0x0;
	[sflag:s31] =	ssyncset.done $0x0  }
0x3c: {  	s5 =	simm.s32 @!p0 $0x5;
	[sflag:s31] =	ssyncadd.s32 $0xFFFFC000  }
0x3d: {  	_ =	swait.ge @!p0 [sflag:s5], $0x4000  }
0x3e: {  	[sflag:s5] =	ssyncset.done @!p0 $0x0  }
0x3f: {  	s8 =	simm.s32 $0x0;
	[sflag:s5] =	ssyncadd.s32 @!p0 $0xFFFFC000  }
0x40: {  	v0 =	vld [tilespmem:s8+$0x40F0]  }
0x41: {  	v1 =	vld [tilespmem:s8+$0x140F0]  }
0x42: {  	v2 =	vld [tilespmem:s8+$0x4000]  }
0x43: {  	v3 =	vld [tilespmem:s8+$0x14000]  }
0x44: {  	v4 =	vld [tilespmem:s8+$0x4010]  }
0x45: {  	v5 =	vld [tilespmem:s8+$0x14010]  }
0x46: {  	v6 =	vld [tilespmem:s8+$0x4020]  }
0x47: {  	v7 =	vld [tilespmem:s8+$0x4030]  }
0x48: {  	v0 =	vadd.f32 v1, v0;
	v1 =	vld [tilespmem:s8+$0x14020]  }
0x49: {  	v2 =	vadd.f32 v3, v2;
	v3 =	vld [tilespmem:s8+$0x4040]  }
0x4a: {  	[tilespmem:s8+$0x180F0] =	vst v0;
	v0 =	vld [tilespmem:s8+$0x14030]  }
0x4b: {  	[tilespmem:s8+$0x18000] =	vst v2;
	v2 =	vadd.f32 v5, v4;
	v4 =	vld [tilespmem:s8+$0x14040]  }
0x4c: {  	v5 =	vld [tilespmem:s8+$0x14050]  }
0x4d: {  	[tilespmem:s8+$0x18010] =	vst v2;
	v2 =	vld [tilespmem:s8+$0x4050];
	v1 =	vadd.f32 v1, v6  }
0x4e: {  	v6 =	vld [tilespmem:s8+$0x14060]  }
0x4f: {  	[tilespmem:s8+$0x18020] =	vst v1;
	v0 =	vadd.f32 v0, v7;
	v1 =	vld [tilespmem:s8+$0x4060]  }
0x50: {  	v7 =	vld [tilespmem:s8+$0x140B0]  }
0x51: {  	[tilespmem:s8+$0x18030] =	vst v0;
	v0 =	vadd.f32 v4, v3;
	v3 =	vld [tilespmem:s8+$0x4070]  }
0x52: {  	v4 =	vld [tilespmem:s8+$0x14070]  }
0x53: {  	[tilespmem:s8+$0x18040] =	vst v0;
	v0 =	vadd.f32 v5, v2;
	v2 =	vld [tilespmem:s8+$0x4080]  }
0x54: {  	v5 =	vld [tilespmem:s8+$0x14080]  }
0x55: {  	[tilespmem:s8+$0x18050] =	vst v0;
	v0 =	vadd.f32 v6, v1;
	v1 =	vld [tilespmem:s8+$0x4090]  }
0x56: {  	v6 =	vld [tilespmem:s8+$0x14090]  }
0x57: {  	[tilespmem:s8+$0x18060] =	vst v0;
	v0 =	vadd.f32 v4, v3;
	v3 =	vld [tilespmem:s8+$0x40A0]  }
0x58: {  	v4 =	vld [tilespmem:s8+$0x140A0]  }
0x59: {  	[tilespmem:s8+$0x18070] =	vst v0;
	v0 =	vadd.f32 v5, v2;
	v5 =	vld [tilespmem:s8+$0x40B0]  }
0x5a: {  	v8 =	vld [tilespmem:s8+$0x140C0]  }
0x5b: {  	[tilespmem:s8+$0x18080] =	vst v0;
	v0 =	vadd.f32 v6, v1;
	v6 =	vld [tilespmem:s8+$0x40C0]  }
0x5c: {  	v2 =	vld [tilespmem:s8+$0x40D0]  }
0x5d: {  	[tilespmem:s8+$0x18090] =	vst v0;
	v0 =	vadd.f32 v4, v3;
	v3 =	vld [tilespmem:s8+$0x140D0]  }
0x5e: {  	v4 =	vld [tilespmem:s8+$0x140E0];
	v5 =	vadd.f32 v7, v5  }
0x5f: {  	s5 =	simm.s32 $0x100;
	[tilespmem:s8+$0x180A0] =	vst v0;
	v0 =	vld [tilespmem:s8+$0x40E0]  }
0x60: {  	s9 =	sshll.u32 s7, $0x2;
	s12 =	simm.s32 $0x800;
	v1 =	vld [tilespmem:s5+$0x40F0];
	[tilespmem:s8+$0x180B0] =	vst v5;
	v5 =	vadd.f32 v8, v6  }
.LBB2_3:
0x61: {  	p0 =	sne.s32 s12, $0xFC00;
	v6 =	vld [tilespmem:s5+$0x140F0]  }
0x62: {  	v7 =	vld [tilespmem:s5+$0x4000];
	[tilespmem:s8+$0x180C0] =	vst v5;
	v2 =	vadd.f32 v3, v2  }
0x63: {  	v3 =	vld [tilespmem:s5+$0x14000]  }
0x64: {  	v5 =	vld [tilespmem:s5+$0x4010];
	[tilespmem:s8+$0x180D0] =	vst v2;
	v0 =	vadd.f32 v4, v0  }
0x65: {  	v2 =	vld [tilespmem:s5+$0x14010]  }
0x66: {  	v4 =	vld [tilespmem:s5+$0x4020];
	v1 =	vadd.f32 v6, v1;
	[tilespmem:s8+$0x180E0] =	vst v0;
	s8 =	smov.u32 s5  }
0x67: {  	v0 =	vld [tilespmem:s8+$0x14020]  }
0x68: {  	v3 =	vadd.f32 v3, v7;
	v6 =	vld [tilespmem:s8+$0x4030];
	[tilespmem:s8+$0x180F0] =	vst v1  }
0x69: {  	v1 =	vld [tilespmem:s8+$0x14030]  }
0x6a: {  	[tilespmem:s8+$0x18000] =	vst v3;
	v2 =	vadd.f32 v2, v5;
	v3 =	vld [tilespmem:s8+$0x4040]  }
0x6b: {  	v5 =	vld [tilespmem:s8+$0x14040]  }
0x6c: {  	[tilespmem:s8+$0x18010] =	vst v2;
	v0 =	vadd.f32 v0, v4;
	v2 =	vld [tilespmem:s8+$0x4050]  }
0x6d: {  	v4 =	vld [tilespmem:s8+$0x14050]  }
0x6e: {  	[tilespmem:s8+$0x18020] =	vst v0;
	v0 =	vadd.f32 v1, v6;
	v1 =	vld [tilespmem:s8+$0x4060]  }
0x6f: {  	v6 =	vld [tilespmem:s8+$0x14060]  }
0x70: {  	[tilespmem:s8+$0x18030] =	vst v0;
	v0 =	vadd.f32 v5, v3;
	v3 =	vld [tilespmem:s8+$0x4070]  }
0x71: {  	v5 =	vld [tilespmem:s8+$0x14070]  }
0x72: {  	[tilespmem:s8+$0x18040] =	vst v0;
	v0 =	vadd.f32 v4, v2;
	v2 =	vld [tilespmem:s8+$0x4080]  }
0x73: {  	v4 =	vld [tilespmem:s8+$0x14080]  }
0x74: {  	[tilespmem:s8+$0x18050] =	vst v0;
	v0 =	vadd.f32 v6, v1;
	v1 =	vld [tilespmem:s8+$0x4090]  }
0x75: {  	v6 =	vld [tilespmem:s8+$0x14090]  }
0x76: {  	[tilespmem:s8+$0x18060] =	vst v0;
	v0 =	vadd.f32 v5, v3;
	v3 =	vld [tilespmem:s8+$0x40A0]  }
0x77: {  	v5 =	vld [tilespmem:s8+$0x140A0]  }
0x78: {  	[tilespmem:s8+$0x18070] =	vst v0;
	v0 =	vadd.f32 v4, v2;
	v4 =	vld [tilespmem:s8+$0x40B0]  }
0x79: {  	v7 =	vld [tilespmem:s8+$0x140B0]  }
0x7a: {  	[tilespmem:s8+$0x18080] =	vst v0;
	v0 =	vadd.f32 v6, v1;
	v6 =	vld [tilespmem:s8+$0x40C0]  }
0x7b: {  	v8 =	vld [tilespmem:s8+$0x140C0]  }
.Ltmp0:
0x7c: {  	[tilespmem:s8+$0x18090] =	vst v0;
	v0 =	vadd.f32 v5, v3;
	v2 =	vld [tilespmem:s8+$0x40D0];
	(pc) =	sbr.rel @p0 .LBB2_3-.Ltmp0, $4  }
0x7d: {  	v3 =	vld [tilespmem:s8+$0x140D0]  }
0x7e: {  	[tilespmem:s8+$0x180A0] =	vst v0;
	v5 =	vadd.f32 v7, v4;
	v0 =	vld [tilespmem:s8+$0x40E0]  }
0x7f: {  	s5 =	sshra.s32 s12, $0x2;
	v4 =	vld [tilespmem:s8+$0x140E0]  }
0x80: {  	s12 =	sadd.s32 $0x400, s12;
	v1 =	vld [tilespmem:s5+$0x40F0];
	[tilespmem:s8+$0x180B0] =	vst v5;
	v5 =	vadd.f32 v8, v6  }
0x81: {  	v6 =	vld [tilespmem:s5+$0x140F0]  }
0x82: {  	v7 =	vld [tilespmem:s5+$0x4000];
	[tilespmem:s8+$0x180C0] =	vst v5;
	v2 =	vadd.f32 v3, v2  }
0x83: {  	v3 =	vld [tilespmem:s5+$0x14000]  }
0x84: {  	v5 =	vld [tilespmem:s5+$0x4010];
	[tilespmem:s8+$0x180D0] =	vst v2;
	v0 =	vadd.f32 v4, v0  }
0x85: {  	v2 =	vld [tilespmem:s5+$0x14010]  }
0x86: {  	v4 =	vld [tilespmem:s5+$0x4020];
	[tilespmem:s8+$0x180E0] =	vst v0  }
0x87: {  	v0 =	vadd.f32 v6, v1;
	v1 =	vld [tilespmem:s5+$0x14020]  }
0x88: {  	v6 =	vld [tilespmem:s5+$0x4030]  }
0x89: {  	v3 =	vadd.f32 v3, v7;
	[tilespmem:s5+$0x180F0] =	vst v0;
	v0 =	vld [tilespmem:s5+$0x14030]  }
0x8a: {  	v7 =	vld [tilespmem:s5+$0x140E0]  }
0x8b: {  	[tilespmem:s5+$0x18000] =	vst v3;
	v2 =	vadd.f32 v2, v5;
	v3 =	vld [tilespmem:s5+$0x4040]  }
0x8c: {  	v5 =	vld [tilespmem:s5+$0x14040]  }
0x8d: {  	[tilespmem:s5+$0x18010] =	vst v2;
	v2 =	vld [tilespmem:s5+$0x4050]  }
0x8e: {  	v1 =	vadd.f32 v1, v4;
	v4 =	vld [tilespmem:s5+$0x14050]  }
0x8f: {  	v0 =	vadd.f32 v0, v6;
	v6 =	vld [tilespmem:s5+$0x14060]  }
0x90: {  	[tilespmem:s5+$0x18020] =	vst v1;
	v1 =	vld [tilespmem:s5+$0x4060]  }
0x91: {  	[tilespmem:s5+$0x18030] =	vst v0;
	v0 =	vadd.f32 v5, v3;
	v3 =	vld [tilespmem:s5+$0x4070]  }
0x92: {  	v5 =	vld [tilespmem:s5+$0x14070]  }
0x93: {  	[tilespmem:s5+$0x18040] =	vst v0;
	v0 =	vadd.f32 v4, v2;
	v2 =	vld [tilespmem:s5+$0x4080]  }
0x94: {  	v4 =	vld [tilespmem:s5+$0x14080]  }
0x95: {  	[tilespmem:s5+$0x18050] =	vst v0;
	v0 =	vadd.f32 v6, v1;
	v1 =	vld [tilespmem:s5+$0x4090]  }
0x96: {  	v6 =	vld [tilespmem:s5+$0x14090]  }
0x97: {  	[tilespmem:s5+$0x18060] =	vst v0;
	v0 =	vadd.f32 v5, v3;
	v3 =	vld [tilespmem:s5+$0x40A0]  }
0x98: {  	v5 =	vld [tilespmem:s5+$0x140A0]  }
0x99: {  	[tilespmem:s5+$0x18070] =	vst v0;
	v0 =	vadd.f32 v4, v2;
	v2 =	vld [tilespmem:s5+$0x40B0]  }
0x9a: {  	v4 =	vld [tilespmem:s5+$0x140B0]  }
0x9b: {  	[tilespmem:s5+$0x18080] =	vst v0;
	v0 =	vadd.f32 v6, v1;
	v1 =	vld [tilespmem:s5+$0x40C0]  }
0x9c: {  	v6 =	vld [tilespmem:s5+$0x140C0]  }
0x9d: {  	[tilespmem:s5+$0x18090] =	vst v0;
	v0 =	vadd.f32 v5, v3;
	v3 =	vld [tilespmem:s5+$0x40D0]  }
0x9e: {  	v5 =	vld [tilespmem:s5+$0x140D0]  }
0x9f: {  	[tilespmem:s5+$0x180A0] =	vst v0;
	v0 =	vld [tilespmem:s5+$0x40E0];
	_ =	sdelay $0x1  }
0xa0: {  	v2 =	vadd.f32 v4, v2  }
0xa1: {  	v1 =	vadd.f32 v6, v1  }
0xa2: {  	[tilespmem:s5+$0x180B0] =	vst v2;
	v2 =	vadd.f32 v5, v3  }
0xa3: {  	s13 =	sadd.s32 s6, s9;
	[tilespmem:s5+$0x180C0] =	vst v1;
	v0 =	vadd.f32 v7, v0  }
0xa4: {  	s8 =	sshll.u32 s13, $0xB;
	[tilespmem:s5+$0x180D0] =	vst v2  }
0xa5: {  	s13 =	simm.s32 $0x0;
	s12 =	sadd.s32 s2, s8;
	s8 =	sshll.u32 s7, $0xD;
	[tilespmem:s5+$0x180E0] =	vst v0  }
0xa6: {  	[hbm4b:s12+s13] =	stream.linear.scatter [tilespmem:s1], [sflag:$0x5], $0x4000, $0x38;
	[tilespmem:$0x1C000] =	vst v63  }
0xa7: {  	s12 =	sadd.s32 $0x2000, s8  }
0xa8: {  	s5 =	sand.u32 $0xE000, s12  }
0xa9: {  	s12 =	simm.s32 $0x4000;
	s5 =	sshrl.u32 s5, $0x2  }
0xaa: {  	[tilespmem:s12], [sflag:$0x1] =	stream.indirect.gather [hbm4b:s4+s11], $0x20, s5, s11, $0xb8;
	[tilespmem:$0x1C000] =	vst v63  }
0xab: {  	s13 =	simm.s32 $0x5000;
	s12 =	sor.u32 $0x80, s5  }
0xac: {  	[tilespmem:s13], [sflag:$0x1] =	stream.indirect.gather [hbm4b:s4+s11], $0x20, s12, s11, $0xb8;
	[tilespmem:$0x1C000] =	vst v63  }
0xad: {  	s13 =	sor.u32 $0x100, s5  }
0xae: {  	[tilespmem:s15], [sflag:$0x1] =	stream.indirect.gather [hbm4b:s4+s11], $0x20, s13, s11, $0xb8;
	[tilespmem:$0x1C000] =	vst v63  }
0xaf: {  	s5 =	sor.u32 $0x180, s5  }
0xb0: {  	[tilespmem:s17], [sflag:$0x1] =	stream.indirect.gather [hbm4b:s4+s11], $0x20, s5, s11, $0xb8;
	[tilespmem:$0x1C000] =	vst v63  }
0xb1: {  	_ =	swait.ge [sflag:s14], $0x4000  }
0xb2: {  	[sflag:s14] =	ssyncset.done $0x0  }
0xb3: {  	[sflag:s14] =	ssyncadd.s32 $0xFFFFC000  }
0xb4: {  	_ =	swait.ge [sflag:s18], $0x4000  }
0xb5: {  	[sflag:s18] =	ssyncset.done $0x0  }
0xb6: {  	s5 =	simm.s32 $0x0;
	[sflag:s18] =	ssyncadd.s32 $0xFFFFC000  }
0xb7: {  	v0 =	vld [tilespmem:s5+$0x80F0]  }
0xb8: {  	v1 =	vld [tilespmem:s5+$0x140F0]  }
0xb9: {  	v2 =	vld [tilespmem:s5+$0x8000]  }
0xba: {  	v3 =	vld [tilespmem:s5+$0x14000]  }
0xbb: {  	v4 =	vld [tilespmem:s5+$0x8010]  }
0xbc: {  	v5 =	vld [tilespmem:s5+$0x14010]  }
0xbd: {  	v6 =	vld [tilespmem:s5+$0x8020]  }
0xbe: {  	v7 =	vld [tilespmem:s5+$0x8030]  }
0xbf: {  	v0 =	vadd.f32 v1, v0;
	v1 =	vld [tilespmem:s5+$0x14020]  }
0xc0: {  	v2 =	vadd.f32 v3, v2;
	v3 =	vld [tilespmem:s5+$0x8040]  }
0xc1: {  	[tilespmem:s5+$0x180F0] =	vst v0;
	v0 =	vld [tilespmem:s5+$0x14030]  }
0xc2: {  	[tilespmem:s5+$0x18000] =	vst v2;
	v2 =	vadd.f32 v5, v4;
	v4 =	vld [tilespmem:s5+$0x14040]  }
0xc3: {  	v5 =	vld [tilespmem:s5+$0x14050]  }
0xc4: {  	[tilespmem:s5+$0x18010] =	vst v2;
	v2 =	vld [tilespmem:s5+$0x8050];
	v1 =	vadd.f32 v1, v6  }
0xc5: {  	v6 =	vld [tilespmem:s5+$0x14060]  }
0xc6: {  	[tilespmem:s5+$0x18020] =	vst v1;
	v0 =	vadd.f32 v0, v7;
	v1 =	vld [tilespmem:s5+$0x8060]  }
0xc7: {  	v7 =	vld [tilespmem:s5+$0x140B0]  }
0xc8: {  	[tilespmem:s5+$0x18030] =	vst v0;
	v0 =	vadd.f32 v4, v3;
	v3 =	vld [tilespmem:s5+$0x8070]  }
0xc9: {  	v4 =	vld [tilespmem:s5+$0x14070]  }
0xca: {  	[tilespmem:s5+$0x18040] =	vst v0;
	v0 =	vadd.f32 v5, v2;
	v2 =	vld [tilespmem:s5+$0x8080]  }
0xcb: {  	v5 =	vld [tilespmem:s5+$0x14080]  }
0xcc: {  	[tilespmem:s5+$0x18050] =	vst v0;
	v0 =	vadd.f32 v6, v1;
	v1 =	vld [tilespmem:s5+$0x8090]  }
0xcd: {  	v6 =	vld [tilespmem:s5+$0x14090]  }
0xce: {  	[tilespmem:s5+$0x18060] =	vst v0;
	v0 =	vadd.f32 v4, v3;
	v3 =	vld [tilespmem:s5+$0x80A0]  }
0xcf: {  	v4 =	vld [tilespmem:s5+$0x140A0]  }
0xd0: {  	[tilespmem:s5+$0x18070] =	vst v0;
	v0 =	vadd.f32 v5, v2;
	v5 =	vld [tilespmem:s5+$0x80B0]  }
0xd1: {  	v8 =	vld [tilespmem:s5+$0x140C0]  }
0xd2: {  	[tilespmem:s5+$0x18080] =	vst v0;
	v0 =	vadd.f32 v6, v1;
	v6 =	vld [tilespmem:s5+$0x80C0]  }
0xd3: {  	v2 =	vld [tilespmem:s5+$0x80D0]  }
0xd4: {  	[tilespmem:s5+$0x18090] =	vst v0;
	v0 =	vadd.f32 v4, v3;
	v3 =	vld [tilespmem:s5+$0x140D0]  }
0xd5: {  	v4 =	vld [tilespmem:s5+$0x140E0];
	v5 =	vadd.f32 v7, v5  }
0xd6: {  	s12 =	simm.s32 $0x100;
	[tilespmem:s5+$0x180A0] =	vst v0;
	v0 =	vld [tilespmem:s5+$0x80E0]  }
0xd7: {  	s13 =	simm.s32 $0x800;
	v1 =	vld [tilespmem:s12+$0x80F0];
	[tilespmem:s5+$0x180B0] =	vst v5;
	v5 =	vadd.f32 v8, v6  }
.LBB2_5:
0xd8: {  	p0 =	sne.s32 s13, $0xFC00;
	v6 =	vld [tilespmem:s12+$0x140F0]  }
0xd9: {  	v7 =	vld [tilespmem:s12+$0x8000];
	[tilespmem:s5+$0x180C0] =	vst v5;
	v2 =	vadd.f32 v3, v2  }
0xda: {  	v3 =	vld [tilespmem:s12+$0x14000]  }
0xdb: {  	v5 =	vld [tilespmem:s12+$0x8010];
	[tilespmem:s5+$0x180D0] =	vst v2;
	v0 =	vadd.f32 v4, v0  }
0xdc: {  	v2 =	vld [tilespmem:s12+$0x14010]  }
0xdd: {  	v4 =	vld [tilespmem:s12+$0x8020];
	v1 =	vadd.f32 v6, v1;
	[tilespmem:s5+$0x180E0] =	vst v0;
	s5 =	smov.u32 s12  }
0xde: {  	v0 =	vld [tilespmem:s5+$0x14020]  }
0xdf: {  	v3 =	vadd.f32 v3, v7;
	v6 =	vld [tilespmem:s5+$0x8030];
	[tilespmem:s5+$0x180F0] =	vst v1  }
0xe0: {  	v1 =	vld [tilespmem:s5+$0x14030]  }
0xe1: {  	[tilespmem:s5+$0x18000] =	vst v3;
	v2 =	vadd.f32 v2, v5;
	v3 =	vld [tilespmem:s5+$0x8040]  }
0xe2: {  	v5 =	vld [tilespmem:s5+$0x14040]  }
0xe3: {  	[tilespmem:s5+$0x18010] =	vst v2;
	v0 =	vadd.f32 v0, v4;
	v2 =	vld [tilespmem:s5+$0x8050]  }
0xe4: {  	v4 =	vld [tilespmem:s5+$0x14050]  }
0xe5: {  	[tilespmem:s5+$0x18020] =	vst v0;
	v0 =	vadd.f32 v1, v6;
	v1 =	vld [tilespmem:s5+$0x8060]  }
0xe6: {  	v6 =	vld [tilespmem:s5+$0x14060]  }
0xe7: {  	[tilespmem:s5+$0x18030] =	vst v0;
	v0 =	vadd.f32 v5, v3;
	v3 =	vld [tilespmem:s5+$0x8070]  }
0xe8: {  	v5 =	vld [tilespmem:s5+$0x14070]  }
0xe9: {  	[tilespmem:s5+$0x18040] =	vst v0;
	v0 =	vadd.f32 v4, v2;
	v2 =	vld [tilespmem:s5+$0x8080]  }
0xea: {  	v4 =	vld [tilespmem:s5+$0x14080]  }
0xeb: {  	[tilespmem:s5+$0x18050] =	vst v0;
	v0 =	vadd.f32 v6, v1;
	v1 =	vld [tilespmem:s5+$0x8090]  }
0xec: {  	v6 =	vld [tilespmem:s5+$0x14090]  }
0xed: {  	[tilespmem:s5+$0x18060] =	vst v0;
	v0 =	vadd.f32 v5, v3;
	v3 =	vld [tilespmem:s5+$0x80A0]  }
0xee: {  	v5 =	vld [tilespmem:s5+$0x140A0]  }
0xef: {  	[tilespmem:s5+$0x18070] =	vst v0;
	v0 =	vadd.f32 v4, v2;
	v4 =	vld [tilespmem:s5+$0x80B0]  }
0xf0: {  	v7 =	vld [tilespmem:s5+$0x140B0]  }
0xf1: {  	[tilespmem:s5+$0x18080] =	vst v0;
	v0 =	vadd.f32 v6, v1;
	v6 =	vld [tilespmem:s5+$0x80C0]  }
0xf2: {  	v8 =	vld [tilespmem:s5+$0x140C0]  }
.Ltmp1:
0xf3: {  	[tilespmem:s5+$0x18090] =	vst v0;
	v0 =	vadd.f32 v5, v3;
	v2 =	vld [tilespmem:s5+$0x80D0];
	(pc) =	sbr.rel @p0 .LBB2_5-.Ltmp1, $4  }
0xf4: {  	v3 =	vld [tilespmem:s5+$0x140D0]  }
0xf5: {  	[tilespmem:s5+$0x180A0] =	vst v0;
	v5 =	vadd.f32 v7, v4;
	v0 =	vld [tilespmem:s5+$0x80E0]  }
0xf6: {  	s12 =	sshra.s32 s13, $0x2;
	v4 =	vld [tilespmem:s5+$0x140E0]  }
0xf7: {  	s13 =	sadd.s32 $0x400, s13;
	v1 =	vld [tilespmem:s12+$0x80F0];
	[tilespmem:s5+$0x180B0] =	vst v5;
	v5 =	vadd.f32 v8, v6  }
0xf8: {  	v6 =	vld [tilespmem:s12+$0x140F0]  }
0xf9: {  	v7 =	vld [tilespmem:s12+$0x8000];
	[tilespmem:s5+$0x180C0] =	vst v5;
	v2 =	vadd.f32 v3, v2  }
0xfa: {  	v3 =	vld [tilespmem:s12+$0x14000]  }
0xfb: {  	v5 =	vld [tilespmem:s12+$0x8010];
	[tilespmem:s5+$0x180D0] =	vst v2;
	v0 =	vadd.f32 v4, v0  }
0xfc: {  	v2 =	vld [tilespmem:s12+$0x14010]  }
0xfd: {  	v4 =	vld [tilespmem:s12+$0x8020];
	[tilespmem:s5+$0x180E0] =	vst v0  }
0xfe: {  	v0 =	vadd.f32 v6, v1;
	v1 =	vld [tilespmem:s12+$0x14020]  }
0xff: {  	v6 =	vld [tilespmem:s12+$0x8030]  }
0x100: {  	v3 =	vadd.f32 v3, v7;
	[tilespmem:s12+$0x180F0] =	vst v0;
	v0 =	vld [tilespmem:s12+$0x14030]  }
0x101: {  	v7 =	vld [tilespmem:s12+$0x140E0]  }
0x102: {  	[tilespmem:s12+$0x18000] =	vst v3;
	v2 =	vadd.f32 v2, v5;
	v3 =	vld [tilespmem:s12+$0x8040]  }
0x103: {  	v5 =	vld [tilespmem:s12+$0x14040]  }
0x104: {  	[tilespmem:s12+$0x18010] =	vst v2;
	v2 =	vld [tilespmem:s12+$0x8050]  }
0x105: {  	v1 =	vadd.f32 v1, v4;
	v4 =	vld [tilespmem:s12+$0x14050]  }
0x106: {  	v0 =	vadd.f32 v0, v6;
	v6 =	vld [tilespmem:s12+$0x14060]  }
0x107: {  	[tilespmem:s12+$0x18020] =	vst v1;
	v1 =	vld [tilespmem:s12+$0x8060]  }
0x108: {  	[tilespmem:s12+$0x18030] =	vst v0;
	v0 =	vadd.f32 v5, v3;
	v3 =	vld [tilespmem:s12+$0x8070]  }
0x109: {  	v5 =	vld [tilespmem:s12+$0x14070]  }
0x10a: {  	[tilespmem:s12+$0x18040] =	vst v0;
	v0 =	vadd.f32 v4, v2;
	v2 =	vld [tilespmem:s12+$0x8080]  }
0x10b: {  	v4 =	vld [tilespmem:s12+$0x14080]  }
0x10c: {  	[tilespmem:s12+$0x18050] =	vst v0;
	v0 =	vadd.f32 v6, v1;
	v1 =	vld [tilespmem:s12+$0x8090]  }
0x10d: {  	v6 =	vld [tilespmem:s12+$0x14090]  }
0x10e: {  	[tilespmem:s12+$0x18060] =	vst v0;
	v0 =	vadd.f32 v5, v3;
	v3 =	vld [tilespmem:s12+$0x80A0]  }
0x10f: {  	v5 =	vld [tilespmem:s12+$0x140A0]  }
0x110: {  	[tilespmem:s12+$0x18070] =	vst v0;
	v0 =	vadd.f32 v4, v2;
	v2 =	vld [tilespmem:s12+$0x80B0]  }
0x111: {  	v4 =	vld [tilespmem:s12+$0x140B0]  }
0x112: {  	[tilespmem:s12+$0x18080] =	vst v0;
	v0 =	vadd.f32 v6, v1;
	v1 =	vld [tilespmem:s12+$0x80C0]  }
0x113: {  	v6 =	vld [tilespmem:s12+$0x140C0]  }
0x114: {  	[tilespmem:s12+$0x18090] =	vst v0;
	v0 =	vadd.f32 v5, v3;
	v3 =	vld [tilespmem:s12+$0x80D0]  }
0x115: {  	v5 =	vld [tilespmem:s12+$0x140D0]  }
0x116: {  	[tilespmem:s12+$0x180A0] =	vst v0;
	v0 =	vld [tilespmem:s12+$0x80E0];
	_ =	sdelay $0x1  }
0x117: {  	v2 =	vadd.f32 v4, v2  }
0x118: {  	s9 =	sadd.s32 s9, s6;
	v1 =	vadd.f32 v6, v1  }
0x119: {  	s9 =	sshll.u32 s9, $0xB;
	[tilespmem:s12+$0x180B0] =	vst v2;
	v2 =	vadd.f32 v5, v3  }
0x11a: {  	s5 =	sadd.s32 $0x800, s9;
	[tilespmem:s12+$0x180C0] =	vst v1;
	v0 =	vadd.f32 v7, v0  }
0x11b: {  	s5 =	sand.u32 $0x1FFFE800, s5;
	[tilespmem:s12+$0x180D0] =	vst v2  }
0x11c: {  	s13 =	simm.s32 $0x0;
	s5 =	sadd.s32 s2, s5;
	[tilespmem:s12+$0x180E0] =	vst v0;
	s12 =	sadd.s32 $0x2800, s8  }
0x11d: {  	[hbm4b:s5+s13] =	stream.linear.scatter [tilespmem:s1], [sflag:$0x5], $0x4000, $0x38;
	[tilespmem:$0x1C000] =	vst v63  }
0x11e: {  	s5 =	sand.u32 $0xE800, s12  }
0x11f: {  	s5 =	sshrl.u32 s5, $0x2  }
0x120: {  	[tilespmem:s19], [sflag:$0x2] =	stream.indirect.gather [hbm4b:s4+s11], $0x20, s5, s11, $0xb8;
	[tilespmem:$0x1C000] =	vst v63  }
0x121: {  	s13 =	sor.u32 $0x80, s5  }
0x122: {  	[tilespmem:s21], [sflag:$0x2] =	stream.indirect.gather [hbm4b:s4+s11], $0x20, s13, s11, $0xb8;
	[tilespmem:$0x1C000] =	vst v63  }
0x123: {  	s13 =	sor.u32 $0x100, s5  }
0x124: {  	[tilespmem:s23], [sflag:$0x2] =	stream.indirect.gather [hbm4b:s4+s11], $0x20, s13, s11, $0xb8;
	[tilespmem:$0x1C000] =	vst v63  }
0x125: {  	s5 =	sor.u32 $0x180, s5  }
0x126: {  	[tilespmem:s25], [sflag:$0x2] =	stream.indirect.gather [hbm4b:s4+s11], $0x20, s5, s11, $0xb8;
	[tilespmem:$0x1C000] =	vst v63  }
0x127: {  	_ =	swait.ge [sflag:s22], $0x4000  }
0x128: {  	[sflag:s22] =	ssyncset.done $0x0  }
0x129: {  	[sflag:s22] =	ssyncadd.s32 $0xFFFFC000  }
0x12a: {  	_ =	swait.ge [sflag:s18], $0x4000  }
0x12b: {  	[sflag:s18] =	ssyncset.done $0x0  }
0x12c: {  	s5 =	simm.s32 $0x0;
	[sflag:s18] =	ssyncadd.s32 $0xFFFFC000  }
0x12d: {  	v0 =	vld [tilespmem:s5+$0xC0F0]  }
0x12e: {  	v1 =	vld [tilespmem:s5+$0x140F0]  }
0x12f: {  	v2 =	vld [tilespmem:s5+$0xC000]  }
0x130: {  	v3 =	vld [tilespmem:s5+$0x14000]  }
0x131: {  	v4 =	vld [tilespmem:s5+$0xC010]  }
0x132: {  	v5 =	vld [tilespmem:s5+$0x14010]  }
0x133: {  	v6 =	vld [tilespmem:s5+$0xC020]  }
0x134: {  	v7 =	vld [tilespmem:s5+$0xC030]  }
0x135: {  	v0 =	vadd.f32 v1, v0;
	v1 =	vld [tilespmem:s5+$0x14020]  }
0x136: {  	v2 =	vadd.f32 v3, v2;
	v3 =	vld [tilespmem:s5+$0xC040]  }
0x137: {  	[tilespmem:s5+$0x180F0] =	vst v0;
	v0 =	vld [tilespmem:s5+$0x14030]  }
0x138: {  	[tilespmem:s5+$0x18000] =	vst v2;
	v2 =	vadd.f32 v5, v4;
	v4 =	vld [tilespmem:s5+$0x14040]  }
0x139: {  	v5 =	vld [tilespmem:s5+$0x14050]  }
0x13a: {  	[tilespmem:s5+$0x18010] =	vst v2;
	v2 =	vld [tilespmem:s5+$0xC050];
	v1 =	vadd.f32 v1, v6  }
0x13b: {  	v6 =	vld [tilespmem:s5+$0x14060]  }
0x13c: {  	[tilespmem:s5+$0x18020] =	vst v1;
	v0 =	vadd.f32 v0, v7;
	v1 =	vld [tilespmem:s5+$0xC060]  }
0x13d: {  	v7 =	vld [tilespmem:s5+$0x140B0]  }
0x13e: {  	[tilespmem:s5+$0x18030] =	vst v0;
	v0 =	vadd.f32 v4, v3;
	v3 =	vld [tilespmem:s5+$0xC070]  }
0x13f: {  	v4 =	vld [tilespmem:s5+$0x14070]  }
0x140: {  	[tilespmem:s5+$0x18040] =	vst v0;
	v0 =	vadd.f32 v5, v2;
	v2 =	vld [tilespmem:s5+$0xC080]  }
0x141: {  	v5 =	vld [tilespmem:s5+$0x14080]  }
0x142: {  	[tilespmem:s5+$0x18050] =	vst v0;
	v0 =	vadd.f32 v6, v1;
	v1 =	vld [tilespmem:s5+$0xC090]  }
0x143: {  	v6 =	vld [tilespmem:s5+$0x14090]  }
0x144: {  	[tilespmem:s5+$0x18060] =	vst v0;
	v0 =	vadd.f32 v4, v3;
	v3 =	vld [tilespmem:s5+$0xC0A0]  }
0x145: {  	v4 =	vld [tilespmem:s5+$0x140A0]  }
0x146: {  	[tilespmem:s5+$0x18070] =	vst v0;
	v0 =	vadd.f32 v5, v2;
	v5 =	vld [tilespmem:s5+$0xC0B0]  }
0x147: {  	v8 =	vld [tilespmem:s5+$0x140C0]  }
0x148: {  	[tilespmem:s5+$0x18080] =	vst v0;
	v0 =	vadd.f32 v6, v1;
	v6 =	vld [tilespmem:s5+$0xC0C0]  }
0x149: {  	v2 =	vld [tilespmem:s5+$0xC0D0]  }
0x14a: {  	[tilespmem:s5+$0x18090] =	vst v0;
	v0 =	vadd.f32 v4, v3;
	v3 =	vld [tilespmem:s5+$0x140D0]  }
0x14b: {  	v4 =	vld [tilespmem:s5+$0x140E0];
	v5 =	vadd.f32 v7, v5  }
0x14c: {  	s13 =	simm.s32 $0x100;
	[tilespmem:s5+$0x180A0] =	vst v0;
	v0 =	vld [tilespmem:s5+$0xC0E0]  }
0x14d: {  	s12 =	simm.s32 $0x800;
	v1 =	vld [tilespmem:s13+$0xC0F0];
	[tilespmem:s5+$0x180B0] =	vst v5;
	v5 =	vadd.f32 v8, v6  }
.LBB2_7:
0x14e: {  	p0 =	sne.s32 s12, $0xFC00;
	v6 =	vld [tilespmem:s13+$0x140F0]  }
0x14f: {  	v7 =	vld [tilespmem:s13+$0xC000];
	[tilespmem:s5+$0x180C0] =	vst v5;
	v2 =	vadd.f32 v3, v2  }
0x150: {  	v3 =	vld [tilespmem:s13+$0x14000]  }
0x151: {  	v5 =	vld [tilespmem:s13+$0xC010];
	[tilespmem:s5+$0x180D0] =	vst v2;
	v0 =	vadd.f32 v4, v0  }
0x152: {  	v2 =	vld [tilespmem:s13+$0x14010]  }
0x153: {  	v4 =	vld [tilespmem:s13+$0xC020];
	v1 =	vadd.f32 v6, v1;
	[tilespmem:s5+$0x180E0] =	vst v0;
	s5 =	smov.u32 s13  }
0x154: {  	v0 =	vld [tilespmem:s5+$0x14020]  }
0x155: {  	v3 =	vadd.f32 v3, v7;
	v6 =	vld [tilespmem:s5+$0xC030];
	[tilespmem:s5+$0x180F0] =	vst v1  }
0x156: {  	v1 =	vld [tilespmem:s5+$0x14030]  }
0x157: {  	[tilespmem:s5+$0x18000] =	vst v3;
	v2 =	vadd.f32 v2, v5;
	v3 =	vld [tilespmem:s5+$0xC040]  }
0x158: {  	v5 =	vld [tilespmem:s5+$0x14040]  }
0x159: {  	[tilespmem:s5+$0x18010] =	vst v2;
	v0 =	vadd.f32 v0, v4;
	v2 =	vld [tilespmem:s5+$0xC050]  }
0x15a: {  	v4 =	vld [tilespmem:s5+$0x14050]  }
0x15b: {  	[tilespmem:s5+$0x18020] =	vst v0;
	v0 =	vadd.f32 v1, v6;
	v1 =	vld [tilespmem:s5+$0xC060]  }
0x15c: {  	v6 =	vld [tilespmem:s5+$0x14060]  }
0x15d: {  	[tilespmem:s5+$0x18030] =	vst v0;
	v0 =	vadd.f32 v5, v3;
	v3 =	vld [tilespmem:s5+$0xC070]  }
0x15e: {  	v5 =	vld [tilespmem:s5+$0x14070]  }
0x15f: {  	[tilespmem:s5+$0x18040] =	vst v0;
	v0 =	vadd.f32 v4, v2;
	v2 =	vld [tilespmem:s5+$0xC080]  }
0x160: {  	v4 =	vld [tilespmem:s5+$0x14080]  }
0x161: {  	[tilespmem:s5+$0x18050] =	vst v0;
	v0 =	vadd.f32 v6, v1;
	v1 =	vld [tilespmem:s5+$0xC090]  }
0x162: {  	v6 =	vld [tilespmem:s5+$0x14090]  }
0x163: {  	[tilespmem:s5+$0x18060] =	vst v0;
	v0 =	vadd.f32 v5, v3;
	v3 =	vld [tilespmem:s5+$0xC0A0]  }
0x164: {  	v5 =	vld [tilespmem:s5+$0x140A0]  }
0x165: {  	[tilespmem:s5+$0x18070] =	vst v0;
	v0 =	vadd.f32 v4, v2;
	v4 =	vld [tilespmem:s5+$0xC0B0]  }
0x166: {  	v7 =	vld [tilespmem:s5+$0x140B0]  }
0x167: {  	[tilespmem:s5+$0x18080] =	vst v0;
	v0 =	vadd.f32 v6, v1;
	v6 =	vld [tilespmem:s5+$0xC0C0]  }
0x168: {  	v8 =	vld [tilespmem:s5+$0x140C0]  }
.Ltmp2:
0x169: {  	[tilespmem:s5+$0x18090] =	vst v0;
	v0 =	vadd.f32 v5, v3;
	v2 =	vld [tilespmem:s5+$0xC0D0];
	(pc) =	sbr.rel @p0 .LBB2_7-.Ltmp2, $4  }
0x16a: {  	v3 =	vld [tilespmem:s5+$0x140D0]  }
0x16b: {  	[tilespmem:s5+$0x180A0] =	vst v0;
	v5 =	vadd.f32 v7, v4;
	v0 =	vld [tilespmem:s5+$0xC0E0]  }
0x16c: {  	s13 =	sshra.s32 s12, $0x2;
	v4 =	vld [tilespmem:s5+$0x140E0]  }
0x16d: {  	s12 =	sadd.s32 $0x400, s12;
	v1 =	vld [tilespmem:s13+$0xC0F0];
	[tilespmem:s5+$0x180B0] =	vst v5;
	v5 =	vadd.f32 v8, v6  }
0x16e: {  	v6 =	vld [tilespmem:s13+$0x140F0]  }
0x16f: {  	v7 =	vld [tilespmem:s13+$0xC000];
	[tilespmem:s5+$0x180C0] =	vst v5;
	v2 =	vadd.f32 v3, v2  }
0x170: {  	v3 =	vld [tilespmem:s13+$0x14000]  }
0x171: {  	v5 =	vld [tilespmem:s13+$0xC010];
	[tilespmem:s5+$0x180D0] =	vst v2;
	v0 =	vadd.f32 v4, v0  }
0x172: {  	v2 =	vld [tilespmem:s13+$0x14010]  }
0x173: {  	v4 =	vld [tilespmem:s13+$0xC020];
	[tilespmem:s5+$0x180E0] =	vst v0  }
0x174: {  	v0 =	vadd.f32 v6, v1;
	v1 =	vld [tilespmem:s13+$0x14020]  }
0x175: {  	v6 =	vld [tilespmem:s13+$0xC030]  }
0x176: {  	v3 =	vadd.f32 v3, v7;
	[tilespmem:s13+$0x180F0] =	vst v0;
	v0 =	vld [tilespmem:s13+$0x14030]  }
0x177: {  	v7 =	vld [tilespmem:s13+$0x140E0]  }
0x178: {  	[tilespmem:s13+$0x18000] =	vst v3;
	v2 =	vadd.f32 v2, v5;
	v3 =	vld [tilespmem:s13+$0xC040]  }
0x179: {  	v5 =	vld [tilespmem:s13+$0x14040]  }
0x17a: {  	[tilespmem:s13+$0x18010] =	vst v2;
	v2 =	vld [tilespmem:s13+$0xC050]  }
0x17b: {  	v1 =	vadd.f32 v1, v4;
	v4 =	vld [tilespmem:s13+$0x14050]  }
0x17c: {  	v0 =	vadd.f32 v0, v6;
	v6 =	vld [tilespmem:s13+$0x14060]  }
0x17d: {  	[tilespmem:s13+$0x18020] =	vst v1;
	v1 =	vld [tilespmem:s13+$0xC060]  }
0x17e: {  	[tilespmem:s13+$0x18030] =	vst v0;
	v0 =	vadd.f32 v5, v3;
	v3 =	vld [tilespmem:s13+$0xC070]  }
0x17f: {  	v5 =	vld [tilespmem:s13+$0x14070]  }
0x180: {  	[tilespmem:s13+$0x18040] =	vst v0;
	v0 =	vadd.f32 v4, v2;
	v2 =	vld [tilespmem:s13+$0xC080]  }
0x181: {  	v4 =	vld [tilespmem:s13+$0x14080]  }
0x182: {  	[tilespmem:s13+$0x18050] =	vst v0;
	v0 =	vadd.f32 v6, v1;
	v1 =	vld [tilespmem:s13+$0xC090]  }
0x183: {  	v6 =	vld [tilespmem:s13+$0x14090]  }
0x184: {  	[tilespmem:s13+$0x18060] =	vst v0;
	v0 =	vadd.f32 v5, v3;
	v3 =	vld [tilespmem:s13+$0xC0A0]  }
0x185: {  	v5 =	vld [tilespmem:s13+$0x140A0]  }
0x186: {  	[tilespmem:s13+$0x18070] =	vst v0;
	v0 =	vadd.f32 v4, v2;
	v2 =	vld [tilespmem:s13+$0xC0B0]  }
0x187: {  	v4 =	vld [tilespmem:s13+$0x140B0]  }
0x188: {  	[tilespmem:s13+$0x18080] =	vst v0;
	v0 =	vadd.f32 v6, v1;
	v1 =	vld [tilespmem:s13+$0xC0C0]  }
0x189: {  	v6 =	vld [tilespmem:s13+$0x140C0]  }
0x18a: {  	[tilespmem:s13+$0x18090] =	vst v0;
	v0 =	vadd.f32 v5, v3;
	v3 =	vld [tilespmem:s13+$0xC0D0]  }
0x18b: {  	v5 =	vld [tilespmem:s13+$0x140D0]  }
0x18c: {  	[tilespmem:s13+$0x180A0] =	vst v0;
	v0 =	vld [tilespmem:s13+$0xC0E0];
	_ =	sdelay $0x1  }
0x18d: {  	v2 =	vadd.f32 v4, v2  }
0x18e: {  	v1 =	vadd.f32 v6, v1  }
0x18f: {  	[tilespmem:s13+$0x180B0] =	vst v2;
	v2 =	vadd.f32 v5, v3  }
0x190: {  	s12 =	sadd.s32 $0x1000, s9;
	[tilespmem:s13+$0x180C0] =	vst v1;
	v0 =	vadd.f32 v7, v0  }
0x191: {  	s5 =	sand.u32 $0x1FFFF000, s12;
	[tilespmem:s13+$0x180D0] =	vst v2  }
0x192: {  	s12 =	simm.s32 $0x0;
	s5 =	sadd.s32 s2, s5;
	[tilespmem:s13+$0x180E0] =	vst v0  }
0x193: {  	[hbm4b:s5+s12] =	stream.linear.scatter [tilespmem:s1], [sflag:$0x5], $0x4000, $0x38;
	[tilespmem:$0x1C000] =	vst v63  }
0x194: {  	s12 =	sadd.s32 $0x3000, s8  }
0x195: {  	s5 =	sand.u32 $0xF000, s12  }
0x196: {  	s5 =	sshrl.u32 s5, $0x2  }
0x197: {  	[tilespmem:s28], [sflag:$0x3] =	stream.indirect.gather [hbm4b:s4+s11], $0x20, s5, s11, $0xb8;
	[tilespmem:$0x1C000] =	vst v63  }
0x198: {  	s13 =	sor.u32 $0x80, s5  }
0x199: {  	[tilespmem:s30], [sflag:$0x3] =	stream.indirect.gather [hbm4b:s4+s11], $0x20, s13, s11, $0xb8;
	[tilespmem:$0x1C000] =	vst v63  }
0x19a: {  	s13 =	sor.u32 $0x100, s5  }
0x19b: {  	[tilespmem:s0], [sflag:$0x3] =	stream.indirect.gather [hbm4b:s4+s11], $0x20, s13, s11, $0xb8;
	[tilespmem:$0x1C000] =	vst v63  }
0x19c: {  	s5 =	sor.u32 $0x180, s5  }
0x19d: {  	[tilespmem:s10], [sflag:$0x3] =	stream.indirect.gather [hbm4b:s4+s11], $0x20, s5, s11, $0xb8;
	[tilespmem:$0x1C000] =	vst v63  }
0x19e: {  	_ =	swait.ge [sflag:s26], $0x4000  }
0x19f: {  	[sflag:s26] =	ssyncset.done $0x0  }
0x1a0: {  	[sflag:s26] =	ssyncadd.s32 $0xFFFFC000  }
0x1a1: {  	_ =	swait.ge [sflag:s18], $0x4000  }
0x1a2: {  	[sflag:s18] =	ssyncset.done $0x0  }
0x1a3: {  	s5 =	simm.s32 $0x0;
	[sflag:s18] =	ssyncadd.s32 $0xFFFFC000  }
0x1a4: {  	v0 =	vld [tilespmem:s5+$0x100F0]  }
0x1a5: {  	v1 =	vld [tilespmem:s5+$0x140F0]  }
0x1a6: {  	v2 =	vld [tilespmem:s5+$0x10000]  }
0x1a7: {  	v3 =	vld [tilespmem:s5+$0x14000]  }
0x1a8: {  	v4 =	vld [tilespmem:s5+$0x10010]  }
0x1a9: {  	v5 =	vld [tilespmem:s5+$0x14010]  }
0x1aa: {  	v6 =	vld [tilespmem:s5+$0x10020]  }
0x1ab: {  	v7 =	vld [tilespmem:s5+$0x10030]  }
0x1ac: {  	v0 =	vadd.f32 v1, v0;
	v1 =	vld [tilespmem:s5+$0x14020]  }
0x1ad: {  	v2 =	vadd.f32 v3, v2;
	v3 =	vld [tilespmem:s5+$0x10040]  }
0x1ae: {  	[tilespmem:s5+$0x180F0] =	vst v0;
	v0 =	vld [tilespmem:s5+$0x14030]  }
0x1af: {  	[tilespmem:s5+$0x18000] =	vst v2;
	v2 =	vadd.f32 v5, v4;
	v4 =	vld [tilespmem:s5+$0x14040]  }
0x1b0: {  	v5 =	vld [tilespmem:s5+$0x14050]  }
0x1b1: {  	[tilespmem:s5+$0x18010] =	vst v2;
	v2 =	vld [tilespmem:s5+$0x10050];
	v1 =	vadd.f32 v1, v6  }
0x1b2: {  	v6 =	vld [tilespmem:s5+$0x14060]  }
0x1b3: {  	[tilespmem:s5+$0x18020] =	vst v1;
	v0 =	vadd.f32 v0, v7;
	v1 =	vld [tilespmem:s5+$0x10060]  }
0x1b4: {  	v7 =	vld [tilespmem:s5+$0x140B0]  }
0x1b5: {  	[tilespmem:s5+$0x18030] =	vst v0;
	v0 =	vadd.f32 v4, v3;
	v3 =	vld [tilespmem:s5+$0x10070]  }
0x1b6: {  	v4 =	vld [tilespmem:s5+$0x14070]  }
0x1b7: {  	[tilespmem:s5+$0x18040] =	vst v0;
	v0 =	vadd.f32 v5, v2;
	v2 =	vld [tilespmem:s5+$0x10080]  }
0x1b8: {  	v5 =	vld [tilespmem:s5+$0x14080]  }
0x1b9: {  	[tilespmem:s5+$0x18050] =	vst v0;
	v0 =	vadd.f32 v6, v1;
	v1 =	vld [tilespmem:s5+$0x10090]  }
0x1ba: {  	v6 =	vld [tilespmem:s5+$0x14090]  }
0x1bb: {  	[tilespmem:s5+$0x18060] =	vst v0;
	v0 =	vadd.f32 v4, v3;
	v3 =	vld [tilespmem:s5+$0x100A0]  }
0x1bc: {  	v4 =	vld [tilespmem:s5+$0x140A0]  }
0x1bd: {  	[tilespmem:s5+$0x18070] =	vst v0;
	v0 =	vadd.f32 v5, v2;
	v5 =	vld [tilespmem:s5+$0x100B0]  }
0x1be: {  	v8 =	vld [tilespmem:s5+$0x140C0]  }
0x1bf: {  	[tilespmem:s5+$0x18080] =	vst v0;
	v0 =	vadd.f32 v6, v1;
	v6 =	vld [tilespmem:s5+$0x100C0]  }
0x1c0: {  	v2 =	vld [tilespmem:s5+$0x100D0]  }
0x1c1: {  	[tilespmem:s5+$0x18090] =	vst v0;
	v0 =	vadd.f32 v4, v3;
	v3 =	vld [tilespmem:s5+$0x140D0]  }
0x1c2: {  	v4 =	vld [tilespmem:s5+$0x140E0];
	v5 =	vadd.f32 v7, v5  }
0x1c3: {  	s13 =	simm.s32 $0x100;
	[tilespmem:s5+$0x180A0] =	vst v0;
	v0 =	vld [tilespmem:s5+$0x100E0]  }
0x1c4: {  	s12 =	simm.s32 $0x800;
	v1 =	vld [tilespmem:s13+$0x100F0];
	[tilespmem:s5+$0x180B0] =	vst v5;
	v5 =	vadd.f32 v8, v6  }
.LBB2_9:
0x1c5: {  	p0 =	sne.s32 s12, $0xFC00;
	v6 =	vld [tilespmem:s13+$0x140F0]  }
0x1c6: {  	v7 =	vld [tilespmem:s13+$0x10000];
	[tilespmem:s5+$0x180C0] =	vst v5;
	v2 =	vadd.f32 v3, v2  }
0x1c7: {  	v3 =	vld [tilespmem:s13+$0x14000]  }
0x1c8: {  	v5 =	vld [tilespmem:s13+$0x10010];
	[tilespmem:s5+$0x180D0] =	vst v2;
	v0 =	vadd.f32 v4, v0  }
0x1c9: {  	v2 =	vld [tilespmem:s13+$0x14010]  }
0x1ca: {  	v4 =	vld [tilespmem:s13+$0x10020];
	v1 =	vadd.f32 v6, v1;
	[tilespmem:s5+$0x180E0] =	vst v0;
	s5 =	smov.u32 s13  }
0x1cb: {  	v0 =	vld [tilespmem:s5+$0x14020]  }
0x1cc: {  	v3 =	vadd.f32 v3, v7;
	v6 =	vld [tilespmem:s5+$0x10030];
	[tilespmem:s5+$0x180F0] =	vst v1  }
0x1cd: {  	v1 =	vld [tilespmem:s5+$0x14030]  }
0x1ce: {  	[tilespmem:s5+$0x18000] =	vst v3;
	v2 =	vadd.f32 v2, v5;
	v3 =	vld [tilespmem:s5+$0x10040]  }
0x1cf: {  	v5 =	vld [tilespmem:s5+$0x14040]  }
0x1d0: {  	[tilespmem:s5+$0x18010] =	vst v2;
	v0 =	vadd.f32 v0, v4;
	v2 =	vld [tilespmem:s5+$0x10050]  }
0x1d1: {  	v4 =	vld [tilespmem:s5+$0x14050]  }
0x1d2: {  	[tilespmem:s5+$0x18020] =	vst v0;
	v0 =	vadd.f32 v1, v6;
	v1 =	vld [tilespmem:s5+$0x10060]  }
0x1d3: {  	v6 =	vld [tilespmem:s5+$0x14060]  }
0x1d4: {  	[tilespmem:s5+$0x18030] =	vst v0;
	v0 =	vadd.f32 v5, v3;
	v3 =	vld [tilespmem:s5+$0x10070]  }
0x1d5: {  	v5 =	vld [tilespmem:s5+$0x14070]  }
0x1d6: {  	[tilespmem:s5+$0x18040] =	vst v0;
	v0 =	vadd.f32 v4, v2;
	v2 =	vld [tilespmem:s5+$0x10080]  }
0x1d7: {  	v4 =	vld [tilespmem:s5+$0x14080]  }
0x1d8: {  	[tilespmem:s5+$0x18050] =	vst v0;
	v0 =	vadd.f32 v6, v1;
	v1 =	vld [tilespmem:s5+$0x10090]  }
0x1d9: {  	v6 =	vld [tilespmem:s5+$0x14090]  }
0x1da: {  	[tilespmem:s5+$0x18060] =	vst v0;
	v0 =	vadd.f32 v5, v3;
	v3 =	vld [tilespmem:s5+$0x100A0]  }
0x1db: {  	v5 =	vld [tilespmem:s5+$0x140A0]  }
0x1dc: {  	[tilespmem:s5+$0x18070] =	vst v0;
	v0 =	vadd.f32 v4, v2;
	v4 =	vld [tilespmem:s5+$0x100B0]  }
0x1dd: {  	v7 =	vld [tilespmem:s5+$0x140B0]  }
0x1de: {  	[tilespmem:s5+$0x18080] =	vst v0;
	v0 =	vadd.f32 v6, v1;
	v6 =	vld [tilespmem:s5+$0x100C0]  }
0x1df: {  	v8 =	vld [tilespmem:s5+$0x140C0]  }
.Ltmp3:
0x1e0: {  	[tilespmem:s5+$0x18090] =	vst v0;
	v0 =	vadd.f32 v5, v3;
	v2 =	vld [tilespmem:s5+$0x100D0];
	(pc) =	sbr.rel @p0 .LBB2_9-.Ltmp3, $4  }
0x1e1: {  	v3 =	vld [tilespmem:s5+$0x140D0]  }
0x1e2: {  	[tilespmem:s5+$0x180A0] =	vst v0;
	v5 =	vadd.f32 v7, v4;
	v0 =	vld [tilespmem:s5+$0x100E0]  }
0x1e3: {  	s13 =	sshra.s32 s12, $0x2;
	v4 =	vld [tilespmem:s5+$0x140E0]  }
0x1e4: {  	s12 =	sadd.s32 $0x400, s12;
	v1 =	vld [tilespmem:s13+$0x100F0];
	[tilespmem:s5+$0x180B0] =	vst v5;
	v5 =	vadd.f32 v8, v6  }
0x1e5: {  	v6 =	vld [tilespmem:s13+$0x140F0]  }
0x1e6: {  	v7 =	vld [tilespmem:s13+$0x10000];
	[tilespmem:s5+$0x180C0] =	vst v5;
	v2 =	vadd.f32 v3, v2  }
0x1e7: {  	v28 =	vld [tilespmem:s13+$0x14000]  }
0x1e8: {  	v5 =	vld [tilespmem:s13+$0x10010];
	[tilespmem:s5+$0x180D0] =	vst v2;
	v0 =	vadd.f32 v4, v0  }
0x1e9: {  	v2 =	vld [tilespmem:s13+$0x14010]  }
0x1ea: {  	v29 =	vld [tilespmem:s13+$0x10020];
	[tilespmem:s5+$0x180E0] =	vst v0  }
0x1eb: {  	v31 =	vld [tilespmem:s13+$0x14020]  }
0x1ec: {  	v32 =	vld [tilespmem:s13+$0x10030]  }
0x1ed: {  	v33 =	vld [tilespmem:s13+$0x14030]  }
0x1ee: {  	v34 =	vld [tilespmem:s13+$0x10040]  }
0x1ef: {  	v35 =	vld [tilespmem:s13+$0x14040]  }
0x1f0: {  	v36 =	vld [tilespmem:s13+$0x10050]  }
0x1f1: {  	v37 =	vld [tilespmem:s13+$0x14050]  }
0x1f2: {  	v38 =	vld [tilespmem:s13+$0x10060]  }
0x1f3: {  	v39 =	vld [tilespmem:s13+$0x14060]  }
0x1f4: {  	v41 =	vld [tilespmem:s13+$0x10070]  }
0x1f5: {  	v42 =	vld [tilespmem:s13+$0x14070]  }
0x1f6: {  	v44 =	vld [tilespmem:s13+$0x10080]  }
0x1f7: {  	v45 =	vld [tilespmem:s13+$0x14080]  }
0x1f8: {  	v47 =	vld [tilespmem:s13+$0x10090]  }
0x1f9: {  	v30 =	vadd.f32 v6, v1;
	v48 =	vld [tilespmem:s13+$0x14090]  }
0x1fa: {  	v50 =	vld [tilespmem:s13+$0x100A0];
	v3 =	vadd.f32 v28, v7  }
0x1fb: {  	v51 =	vld [tilespmem:s13+$0x140A0];
	[tilespmem:s13+$0x180F0] =	vst v30;
	v2 =	vadd.f32 v2, v5  }
0x1fc: {  	v53 =	vld [tilespmem:s13+$0x100B0];
	[tilespmem:s13+$0x18000] =	vst v3;
	v1 =	vadd.f32 v31, v29  }
0x1fd: {  	v54 =	vld [tilespmem:s13+$0x140B0];
	[tilespmem:s13+$0x18010] =	vst v2;
	v0 =	vadd.f32 v33, v32  }
0x1fe: {  	v56 =	vld [tilespmem:s13+$0x100C0];
	v40 =	vadd.f32 v35, v34;
	[tilespmem:s13+$0x18020] =	vst v1  }
0x1ff: {  	v57 =	vld [tilespmem:s13+$0x140C0];
	v43 =	vadd.f32 v37, v36;
	[tilespmem:s13+$0x18030] =	vst v0  }
0x200: {  	v59 =	vld [tilespmem:s13+$0x100D0];
	v46 =	vadd.f32 v39, v38;
	[tilespmem:s13+$0x18040] =	vst v40  }
0x201: {  	v60 =	vld [tilespmem:s13+$0x140D0];
	v49 =	vadd.f32 v42, v41;
	[tilespmem:s13+$0x18050] =	vst v43  }
0x202: {  	v61 =	vld [tilespmem:s13+$0x100E0];
	v52 =	vadd.f32 v45, v44;
	[tilespmem:s13+$0x18060] =	vst v46  }
0x203: {  	v62 =	vld [tilespmem:s13+$0x140E0];
	v55 =	vadd.f32 v48, v47;
	[tilespmem:s13+$0x18070] =	vst v49  }
0x204: {  	v58 =	vadd.f32 v51, v50;
	[tilespmem:s13+$0x18080] =	vst v52  }
0x205: {  	v2 =	vadd.f32 v54, v53;
	[tilespmem:s13+$0x18090] =	vst v55  }
0x206: {  	v63 =	vadd.f32 v60, v59;
	[tilespmem:s13+$0x180A0] =	vst v58  }
0x207: {  	v1 =	vadd.f32 v57, v56;
	[tilespmem:s13+$0x180B0] =	vst v2  }
0x208: {  	s12 =	sadd.s32 $0x1800, s9;
	v0 =	vadd.f32 v62, v61;
	[tilespmem:s13+$0x180D0] =	vst v63  }
0x209: {  	s5 =	sand.u32 $0x1FFFF800, s12;
	[tilespmem:s13+$0x180C0] =	vst v1  }
0x20a: {  	s9 =	sadd.s32 $0x3800, s8;
	s5 =	sadd.s32 s2, s5;
	[tilespmem:s13+$0x180E0] =	vst v0  }
0x20b: {  	[hbm4b:s5+s3] =	stream.linear.scatter [tilespmem:s1], [sflag:$0x5], $0x4000, $0x38;
	[tilespmem:$0x1C000] =	vst v63  }
0x20c: {  	s5 =	sand.u32 $0xF800, s9  }
0x20d: {  	s7 =	sadd.s32 $0x1, s7;
	s5 =	sshrl.u32 s5, $0x2  }
0x20e: {  	[tilespmem:s16], [sflag:$0x4] =	stream.indirect.gather [hbm4b:s4+s11], $0x20, s5, s11, $0xb8;
	[tilespmem:$0x1C000] =	vst v63  }
0x20f: {  	p0 =	sne.s32 s7, $0x8;
	s12 =	sor.u32 $0x80, s5  }
0x210: {  	[tilespmem:s20], [sflag:$0x4] =	stream.indirect.gather [hbm4b:s4+s11], $0x20, s12, s11, $0xb8;
	[tilespmem:$0x1C000] =	vst v63  }
.Ltmp4:
0x211: {  	_ = 	snop;
	(pc) =	sbr.rel @p0 .LBB2_2-.Ltmp4, $4  }
0x212: {  	s13 =	sor.u32 $0x100, s5  }
0x213: {  	[tilespmem:s24], [sflag:$0x4] =	stream.indirect.gather [hbm4b:s4+s11], $0x20, s13, s11, $0xb8;
	[tilespmem:$0x1C000] =	vst v63  }
0x214: {  	s5 =	sor.u32 $0x180, s5  }
0x215: {  	[tilespmem:s29], [sflag:$0x4] =	stream.indirect.gather [hbm4b:s4+s11], $0x20, s5, s11, $0xb8;
	[tilespmem:$0x1C000] =	vst v63  }
0x216: {  	_ =	swait.ge [sflag:s31], $0x4000  }
0x217: {  	[sflag:s31] =	ssyncset.done $0x0  }
0x218: {  	[sflag:s31] =	ssyncadd.s32 $0xFFFFC000  }
0x219: {  	_ =	swait.ge [sflag:s14], $0x4000  }
0x21a: {  	[sflag:s14] =	ssyncset.done $0x0  }
0x21b: {  	[sflag:s14] =	ssyncadd.s32 $0xFFFFC000  }
0x21c: {  	_ =	swait.ge [sflag:s22], $0x4000  }
0x21d: {  	[sflag:s22] =	ssyncset.done $0x0  }
0x21e: {  	[sflag:s22] =	ssyncadd.s32 $0xFFFFC000  }
0x21f: {  	_ =	swait.ge [sflag:s26], $0x4000  }
0x220: {  	[sflag:s26] =	ssyncset.done $0x0  }
0x221: {  	[sflag:s26] =	ssyncadd.s32 $0xFFFFC000  }
0x222: {  	_ =	swait.ge [sflag:s18], $0x4000  }
0x223: {  	s7 =	rddreg [dreg:$0x6]  }
0x224: {  	s5 =	rddreg [dreg:$0x5];
	s7 =	sadd.s32 $0x1, s7  }
0x225: {  	p0 =	sne.s32 s7, s5  }
.Ltmp5:
0x226: {  	_ = 	snop;
	(pc) =	sbr.rel @p0 .LBB2_1-.Ltmp5, $3  }
0x227: {  	_ =	sdelay $0x1  }
0x228: {  	[sflag:s18] =	ssyncset.done $0x0  }
0x229: {  	[sflag:s18] =	ssyncadd.s32 $0xFFFFC000  }
0x22a: {  	_ =	sfence.sel $0x180000  }
0x22b: {  	[bflag:$0x0] =	sbarrier.arrive $0xFFFF  }
0x22c: {  	_ =	strace $0x90000047  }
0x22d: {  	s0 =	stileid.u32;
	[bflag:$0x2] =	sbarrier.arrive $0xFFFF  }
0x22e: {  	p0 =	sne.s32 s0, $0x0;
	s0 =	rddreg [dreg:$0x2]  }
0x22f: {  	s0 =	sadd.s32 @!p0 $0x100000, s0  }
0x230: {  	[sflag:s0] =	ssyncadd.tile.s32 @!p0 $0x1;
	_ =	shalt  }
.Lfunc_end2:
_tile_overlayer_lowered:
.L_overlay_start_2:
0x231: {  	(tag) =	ssettag $0x2  }
0x232: {  	s0 =	rddreg [dreg:$0x0];
	s2 =	stileid.u32  }
0x233: {  	s1 =	rddreg [dreg:$0x1];
	p0 =	sne.s32 s2, $0x0  }
0x234: {  	s3 =	rddreg [dreg:$0x2];
	[bflag:$0x3] =	sbarrier.arrive $0xFFFF;
	s2 =	simm.s32 @!p0 $0x1C06  }
0x235: {  	[timem:s3], [sflag:s2] =	dma.local @!p0 [hbm:s0], s1  }
0x236: {  	s0 =	simm.s32 @!p0 $0x6  }
0x237: {  	_ =	swait.ge @!p0 [sflag:s0], s1  }
0x238: {  	s1 =	ssub.s32 @!p0 $0x0, s1;
	[sflag:s0] =	ssyncset.done @!p0 $0x0  }
0x239: {  	[sflag:s0] =	ssyncadd.s32 @!p0 s1  }
0x23a: {  	[bflag:$0x3] =	sbarrier.arrive $0xFFFF  }
0x23b: {  	_ =	shalt  }

// kernel: sparse-core-data-format-call.cloned.1.call-start
scs
called_computation_lowered:
.L_overlay_start_0:
0x0: {  	s2 =	sld [smem:$0x3FD9]  }
0x1: {  	s3 =	sld [smem:$0x3FFE];
	_ =	sdelay $0x1  }
0x2: {  	s1 =	srdreg.scid  }
0x3: {  	s0 =	sand.u32 $0x1, s1  }
0x4: {  	s18 =	sshll.u32 s0, $0xA;
	s2 =	sadd.s32 s3, s2  }
0x5: {  	s2 =	sadd.s32 s2, s18  }
0x6: {  	[smem:$0x3FC5] =	sst s2  }
0x7: {  	_ = 	snop  }
0x8: {  	s2 =	sld [smem:$0x3FD0];
	(tm) =	ssettm $0x1  }
0x9: {  	s19 =	sld [smem:$0x3FFB];
	_ =	sdelay $0x3  }
0xa: {  	_ =	strace s19  }
0xb: {  	s3 =	sld [smem:$0x3FFC];
	_ =	sdelay $0x3  }
0xc: {  	_ =	strace s3  }
0xd: {  	s3 =	sld [smem:$0x3FFD];
	_ =	sdelay $0x3  }
0xe: {  	_ =	strace s3  }
0xf: {  	_ =	strace $0x8FFFFFFF  }
0x10: {  	s20 =	sld [smem:$0x3FDB];
	_ =	sdelay $0x1  }
0x11: {  	s4 =	simm.s32 $_scs_section_size  }
0x12: {  	s5 =	simm.s32 $_size__tile_overlayer_lowered;
	s6 =	simm.s32 $_tile_overlayer_lowered  }
0x13: {  	s23 =	simm.s32 $0x1BFF;
	s22 =	sshll.u32 s6, $0x1;
	s3 =	sadd.s32 s4, s20  }
0x14: {  	s7 =	simm.s32 $0x0;
	s21 =	sshll.u32 s5, $0x1;
	s5 =	sadd.s32 s22, s3  }
0x15: {  	[timem:s7], [sflag:s23] =	dma.local [hbm:s5], s21  }
0x16: {  	_ =	swait.ge [sflag:s23], s21  }
0x17: {  	s4 =	ssub.s32 $0x0, s21;
	[sflag:s23] =	ssyncset.done $0x0  }
0x18: {  	[sflag:s23] =	ssyncadd.s32 s4;
	_ =	sdelay $0x1  }
0x19: {  	s24 =	simm.s32 $0x1B8B  }
0x1a: {  	_ =	swait.ge [sflag:s24], $0x1  }
0x1b: {  	[sflag:s24] =	ssyncset.done $0x0  }
0x1c: {  	s26 =	simm.s32 $0x1B8E;
	s25 =	sld [smem:$0x3FFE];
	[sflag:s24] =	ssyncadd.s32 $0xFFFFFFFF  }
0x1d: {  	s27 =	simm.s32 $execute0_lowered;
	[smem:$0x3FD2] =	sst s26  }
0x1e: {  	s5 =	sshll.u32 s27, $0x1;
	_ =	strace $0x80000049;
	[dreg:$0x1] =	wrdreg $0xFFFFFFFF  }
0x1f: {  	s28 =	simm.s32 $_size_execute0_lowered;
	s3 =	sadd.s32 s3, s5;
	[dreg:$0x0] =	wrdreg $0x0  }
0x20: {  	s5 =	sshll.u32 s28, $0x1;
	[dreg:$0x2] =	wrdreg s3  }
0x21: {  	[dreg:$0x3] =	wrdreg s5  }
0x22: {  	[dreg:$0x4] =	wrdreg $0xC0  }
0x23: {  	_ =	task [dreg:s7], $0x5FFFF  }
0x24: {  	[dreg:$0x1] =	wrdreg $0xFFFFFFFF  }
0x25: {  	[dreg:$0x0] =	wrdreg $0x60  }
0x26: {  	[dreg:$0x2] =	wrdreg s25  }
0x27: {  	[dreg:$0x3] =	wrdreg s2  }
0x28: {  	[dreg:$0x4] =	wrdreg $0x9  }
0x29: {  	_ =	task.clear_ibuf [dreg:s7], $0x5FFFF;
	_ =	strace $0x90000049  }
0x2a: {  	s29 =	simm.s32 $0x9;
	_ =	strace $0x8000004B  }
0x2b: {  	_ =	swait.ge [sflag:s29], $0x1  }
0x2c: {  	[sflag:s29] =	ssyncadd.s32 $0xFFFFFFFF  }
0x2d: {  	_ =	strace $0x9000004B  }
0x2e: {  	_ =	sfence  }
0x2f: {  	s30 =	sld [smem:$0x0];
	_ =	sdelay $0x2  }
0x30: {  	s31 =	sshll.u32 s1, $0xD;
	s1 =	sshrl.u32 s1, $0x2  }
0x31: {  	s3 =	sand.u32 $0x4000, s31;
	s1 =	sadd.s32 s1, s30  }
0x32: {  	s0 =	sor.u32 s3, s0;
	s1 =	sshll.u32 s1, $0x11  }
0x33: {  	s0 =	sor.u32 s1, s0  }
0x34: {  	s0 =	sadd.s32 $0x8F2B, s0  }
0x35: {  	[sflag:s0] =	ssyncadd.remote.s32 $0x1  }
0x36: {  	_ =	sfence.sel $0xFFFF  }
0x37: {  	[dreg:$0x0] =	wrdreg $0xFFFFFFFF;
	(pc) =	sbr.abs _section_cstart, $3  }
0x38: {  	[dreg:$0x1] =	wrdreg $0xFFFFFFFF  }
0x39: {  	_ =	task.clear_ibuf [dreg:s7], $0x2FFFF;
	_ =	strace $0x9FFFFFFF  }
0x3a: {  	(tm) =	ssettm $0x7FFFFFFF  }
0x3b: {  	_ =	shalt  }
tec
execute0_lowered:
.L_overlay_start_1:
0x0: {  	(tag) =	ssettag $0x1  }
0x1: {  	s0 =	srdreg.scid;
	s9 =	rddreg [dreg:$0x0]  }
0x2: {  	s2 =	rddreg [dreg:$0x1];
	s7 =	simm.s32 $0x1;
	s1 =	sshll.u32 s0, $0x4  }
0x3: {  	s8 =	simm.s32 $0x2;
	s0 =	stileid.u32;
	s1 =	sand.u32 $0x10, s1  }
0x4: {  	s15 =	simm.s32 $0x0;
	s11 =	simm.s32 $0x1000;
	s1 =	sor.u32 s0, s1  }
0x5: {  	s16 =	simm.s32 $0x0;
	s12 =	simm.s32 $0x0;
	s3 =	sshll.u32 s1, $0x2  }
0x6: {  	s14 =	simm.s32 $0x0;
	s4 =	sadd.s32 $0xC00, s9;
	s6 =	ssub.s32 $0x400, s3  }
0x7: {  	s1 =	rddreg [dreg:$0x2];
	_ =	strace $0x8000004A;
	s5 =	sand.u32 $0x7C, s6  }
.Ltmp0:
0x8: {  	s13 =	smov.u32 s3;
	p0 =	sne.s32 s5, $0x0;
	(pc) =	sbr.rel .LBB1_1-.Ltmp0, $4  }
0x9: {  	s6 =	sshrl.u32 s6, $0x7;
	s5 =	simm.s32 $0x1;
	s7 =	simm.s32 @!p0 $0x0  }
0xa: {  	[sflag:s5] =	ssyncpa.u1 $0x0;
	p0 =	por $0x0, $0x0;
	s6 =	sadd.s32 s7, s6  }
0xb: {  	[sflag:s8] =	ssyncpa.u1 $0x0;
	s7 =	sadd.s32 $0x2C00, s9;
	s6 =	sshll.u32 s6, $0x2  }
0xc: {  	s8 =	sadd.s32 $0x4C00, s9;
	s9 =	sadd.s32 $0x6C00, s9;
	s10 =	sor.u32 $0x1, s6  }
.LBB1_7:
0xd: {  	s17 =	sadd.s32 $0x80, s12  }
0xe: {  	s15 =	sadd.s32 $0x80, s13;
	s19 =	smov.u32 s13;
	p2 =	sgt.s32 s17, $0x1FF  }
0xf: {  	s19 =	smov.u32 @p2 s15  }
0x10: {  	s17 =	simm.s32 @p2 $0x0;
	p2 =	sgt.s32 s19, $0x3FF  }
0x11: {  	s19 =	smov.u32 @p2 s3;
	p2 =	sne.s32 s14, s10  }
.Ltmp1:
0x12: {  	p1 =	slt.u32 s14, $0x2;
	(pc) =	sbr.rel @!p2 .LBB1_8-.Ltmp1, $4  }
0x13: {  	s18 =	simm.s32 @!p1 $0x2  }
0x14: {  	s16 =	smov.u32 s13;
	p0 =	por !p0, !p0;
	_ =	swait.ge @!p1 [sflag:s18], $0x4000  }
0x15: {  	s15 =	smov.u32 s12;
	[sflag:s18] =	ssyncset.done @!p1 $0x0;
	s12 =	smov.u32 s17  }
0x16: {  	s14 =	sadd.s32 $0x1, s14;
	[sflag:s18] =	ssyncadd.s32 @!p1 $0xFFFFC000;
	s13 =	smov.u32 s19  }
.LBB1_1:
0x17: {  	p1 =	sge.u32 s14, s6  }
0x18: {  	s17 =	sxor.u32 @!p1 $0xFFFFFFFF, s14  }
0x19: {  	s18 =	sshll.u32 @!p1 s13, $0xD;
	s19 =	sshll.u32 @!p1 s12, $0x4;
	s21 =	simm.s32 @!p1 $0x20  }
0x1a: {  	s17 =	sshll.u32 @!p1 s17, $0xE;
	s19 =	sand.u32 @!p1 $0x1FF0, s19;
	s20 =	sadd.s32 @!p1 s4, s18  }
0x1b: {  	s22 =	simm.s32 @!p1 $0x80;
	s17 =	sand.u32 @!p1 $0x4000, s17;
	s20 =	sadd.s32 @!p1 s19, s20  }
0x1c: {  	[tilespmem:s17], [sflag:$0x1] =	stream.strided.gather @!p1 [hbm4b:s20+s21], $0x1000, s22, s21, $0x38;
	[tilespmem:$0x10100] =	vst v63  }
0x1d: {  	s20 =	sadd.s32 @!p1 s18, s7  }
0x1e: {  	s23 =	sor.u32 @!p1 $0x1000, s17;
	s20 =	sadd.s32 @!p1 s19, s20  }
0x1f: {  	[tilespmem:s23], [sflag:$0x1] =	stream.strided.gather @!p1 [hbm4b:s20+s21], $0x1000, s22, s21, $0x38;
	[tilespmem:$0x10100] =	vst v63  }
0x20: {  	s20 =	sadd.s32 @!p1 s18, s8  }
0x21: {  	s23 =	sor.u32 @!p1 $0x2000, s17;
	s18 =	sadd.s32 @!p1 s18, s9;
	s20 =	sadd.s32 @!p1 s19, s20  }
0x22: {  	[tilespmem:s23], [sflag:$0x1] =	stream.strided.gather @!p1 [hbm4b:s20+s21], $0x1000, s22, s21, $0x38;
	[tilespmem:$0x10100] =	vst v63  }
0x23: {  	s31 =	sadd.s32 $0xFFFFFFFF, s14;
	s17 =	sor.u32 @!p1 $0x3000, s17;
	s18 =	sadd.s32 @!p1 s19, s18  }
0x24: {  	[tilespmem:s17], [sflag:$0x1] =	stream.strided.gather @!p1 [hbm4b:s18+s21], $0x1000, s22, s21, $0x38;
	[tilespmem:$0x10100] =	vst v63  }
0x25: {  	p1 =	sge.u32 s31, s6  }
.Ltmp2:
0x26: {  	_ = 	snop;
	(pc) =	sbr.rel @p1 .LBB1_7-.Ltmp2, $1  }
0x27: {  	_ =	sdelay $0x3  }
0x28: {  	s17 =	simm.s32 $0x1;
	s19 =	sand.u32 $0x1, s14  }
0x29: {  	_ =	swait.ge [sflag:s5], $0x4000;
	s17 =	simm.s32 @!p0 $0x0;
	s20 =	smul.u32 $0x10200, s19  }
0x2a: {  	[sflag:s5] =	ssyncset.done $0x0;
	s18 =	smul.u32 $0x10200, s17  }
0x2b: {  	s17 =	sshll.u32 s17, $0xE;
	[sflag:s5] =	ssyncadd.s32 $0xFFFFC000  }
0x2c: {  	s19 =	sor.u32 $0x10, s17;
	s31 =	sshrl.u32 s20, $0x2;
	s18 =	sshrl.u32 s18, $0x2  }
0x2d: {  	s20 =	simm.s32 $0x0;
	s17 =	sor.u32 $0x8000, s31;
	s18 =	sor.u32 $0x8000, s18  }
.LBB1_3:
0x2e: {  	v1 =	vld [tilespmem:s19+$0x0]  }
0x2f: {  	v0 =	vld [tilespmem:s19+$0xFFFFFFF0];
	_ =	sdelay $0x2  }
0x30: {  	s23 =	sadd.s32 $0x0, s18  }
0x31: {  	s21 =	simm.s32 $0x4;
	s22 =	sadd.s32 $0x20, s19;
	[tilespmem:s23+$0x810 ss:$0x81] =	vst.msk $0xffff, v1  }
.LBB1_4:
0x32: {  	v1 =	vld [tilespmem:s22+$0x0];
	p1 =	sne.s32 s21, $0x1FC;
	[tilespmem:s23+$0x0 ss:$0x81] =	vst.msk $0xffff, v0;
	s23 =	smov.u32 s21;
	s21 =	sadd.s32 $0x4, s21  }
.Ltmp3:
0x33: {  	v0 =	vld [tilespmem:s22+$0xFFFFFFF0];
	(pc) =	sbr.rel @p1 .LBB1_4-.Ltmp3, $4  }
0x34: {  	_ = 	snop  }
0x35: {  	s23 =	sshra.s32 s23, $0x2  }
0x36: {  	s23 =	sadd.s32 s23, s18  }
0x37: {  	s22 =	sadd.s32 $0x20, s22;
	[tilespmem:s23+$0x810 ss:$0x81] =	vst.msk $0xffff, v1  }
0x38: {  	s20 =	sadd.s32 $0x1, s20  }
0x39: {  	p1 =	sne.s32 s20, $0x4  }
.Ltmp4:
0x3a: {  	_ = 	snop;
	(pc) =	sbr.rel @p1 .LBB1_3-.Ltmp4, $2  }
0x3b: {  	_ =	sdelay $0x2  }
0x3c: {  	[tilespmem:s23+$0x0 ss:$0x81] =	vst.msk $0xffff, v0;
	s18 =	sadd.s32 $0x1020, s18;
	s19 =	sadd.s32 $0x1000, s19  }
.Ltmp5:
0x3d: {  	s18 =	sand.u32 $0x780, s15;
	s16 =	sshll.u32 s16, $0xB;
	(pc) =	sbr.rel .LBB1_7-.Ltmp5, $4  }
0x3e: {  	s19 =	sshrl.u32 s15, $0x3;
	s31 =	sand.u32 $0x7, s15;
	s16 =	sadd.s32 s2, s16  }
0x3f: {  	s19 =	sand.u32 $0xF, s19;
	s15 =	sshll.u32 s31, $0x12;
	s16 =	sadd.s32 s18, s16  }
0x40: {  	s15 =	sor.u32 $0x400, s15;
	s16 =	sadd.s32 s19, s16  }
0x41: {  	[hbm4b:s16+s15] =	stream.strided.scatter [tilespmem:s17], [sflag:$0x2], $0x4000, s11, s15, $0x20;
	[tilespmem:$0x10100] =	vst v63  }
.LBB1_8:
0x42: {  	_ =	sfence.sel $0x180000  }
0x43: {  	s2 =	simm.s32 $0x1;
	[bflag:$0x0] =	sbarrier.arrive $0xFFFF  }
0x44: {  	s31 =	simm.s32 $0x2;
	[sflag:s2] =	ssyncpa.u1 $0x1  }
0x45: {  	[sflag:s31] =	ssyncpa.u1 $0x1  }
0x46: {  	p0 =	sne.s32 s0, $0x0;
	_ =	strace $0x9000004A  }
0x47: {  	s0 =	sadd.s32 @!p0 $0x100000, s1;
	[bflag:$0x2] =	sbarrier.arrive $0xFFFF  }
0x48: {  	[sflag:s0] =	ssyncadd.tile.s32 @!p0 $0x1;
	_ =	shalt  }
.Lfunc_end1:
_tile_overlayer_lowered:
.L_overlay_start_2:
0x49: {  	(tag) =	ssettag $0x2  }
0x4a: {  	s0 =	rddreg [dreg:$0x0];
	s2 =	stileid.u32  }
0x4b: {  	s1 =	rddreg [dreg:$0x1];
	p0 =	sne.s32 s2, $0x0  }
0x4c: {  	s3 =	rddreg [dreg:$0x2];
	[bflag:$0x3] =	sbarrier.arrive $0xFFFF;
	s2 =	simm.s32 @!p0 $0x1C01  }
0x4d: {  	[timem:s3], [sflag:s2] =	dma.local @!p0 [hbm:s0], s1  }
0x4e: {  	s0 =	simm.s32 @!p0 $0x1  }
0x4f: {  	_ =	swait.ge @!p0 [sflag:s0], s1  }
0x50: {  	s1 =	ssub.s32 @!p0 $0x0, s1;
	[sflag:s0] =	ssyncset.done @!p0 $0x0  }
0x51: {  	[sflag:s0] =	ssyncadd.s32 @!p0 s1  }
0x52: {  	[bflag:$0x3] =	sbarrier.arrive $0xFFFF  }
0x53: {  	_ =	shalt  }

</sc_bundles>
